<compile_context>
chip_gen: v7x
topology: tpu7x:2x2x1
jax: 0.10.2.dev20260603
libtpu: 0.0.44.dev20260713+nightly
codegen_flags: <defaults>
</compile_context>

<pallas_src>
import functools

import jax
import jax.numpy as jnp
from jax import lax
from jax.experimental import pallas as pl
from jax.experimental.pallas import tpu as pltpu
from jax.experimental.pallas import tpu_sc as plsc

REG_MAX = 16
NUM_CLASSES = 80
CONF_T = 0.25
IOU_T = 0.45
MAX_DET = 300
KPAD = 320
IMG_H = 640
IMG_W = 640
BATCH = 16
NUM_ANCHORS = 8400
NC = 2
NS = 16
KH = KPAD // 2
NBLK = 38



def _decode_body(stride, h, w, p_ref, b_ref, s_ref, l_ref):
    x = p_ref[0]
    ltrb = []
    for side in range(4):
        lg = x[REG_MAX * side:REG_MAX * (side + 1)]
        m = jnp.max(lg, axis=0, keepdims=True)
        e = jnp.exp(lg - m)
        p = e / jnp.sum(e, axis=0, keepdims=True)
        bins = lax.broadcasted_iota(jnp.int32, (REG_MAX, h, w), 0).astype(
            jnp.float32)
        ltrb.append(jnp.sum(p * bins, axis=0, keepdims=True))
    xi = lax.broadcasted_iota(jnp.int32, (1, h, w), 2).astype(jnp.float32)
    yi = lax.broadcasted_iota(jnp.int32, (1, h, w), 1).astype(jnp.float32)
    cx = (xi + 0.5) * stride
    cy = (yi + 0.5) * stride
    x1 = jnp.clip(cx - ltrb[0] * stride, 0.0, IMG_W - 1.0)
    y1 = jnp.clip(cy - ltrb[1] * stride, 0.0, IMG_H - 1.0)
    x2 = jnp.clip(cx + ltrb[2] * stride, 0.0, IMG_W - 1.0)
    y2 = jnp.clip(cy + ltrb[3] * stride, 0.0, IMG_H - 1.0)
    cls = jax.nn.sigmoid(x[4 * REG_MAX:])
    sc = jnp.max(cls, axis=0, keepdims=True)
    cid = lax.broadcasted_iota(jnp.int32, (NUM_CLASSES, h, w), 0)
    lbl = jnp.min(jnp.where(cls == sc, cid, NUM_CLASSES), axis=0, keepdims=True)
    b_ref[0] = jnp.concatenate([x1, y1, x2, y2], axis=0)
    s_ref[0] = jnp.where(sc > CONF_T, sc, 0.0)
    l_ref[0] = lbl


def _decode_level(pred, stride):
    bs, ch, h, w = pred.shape
    return pl.pallas_call(
        functools.partial(_decode_body, stride, h, w),
        grid=(bs,),
        in_specs=[pl.BlockSpec((1, ch, h, w), lambda b: (b, 0, 0, 0))],
        out_specs=[
            pl.BlockSpec((1, 4, h, w), lambda b: (b, 0, 0, 0)),
            pl.BlockSpec((1, 1, h, w), lambda b: (b, 0, 0, 0)),
            pl.BlockSpec((1, 1, h, w), lambda b: (b, 0, 0, 0)),
        ],
        out_shape=[
            jax.ShapeDtypeStruct((bs, 4, h, w), jnp.float32),
            jax.ShapeDtypeStruct((bs, 1, h, w), jnp.float32),
            jax.ShapeDtypeStruct((bs, 1, h, w), jnp.int32),
        ],
    )(pred)



def _topk_body(s_ref, v_ref, i_ref, scratch):
    scratch[...] = s_ref[...]
    boff = lax.broadcasted_iota(jnp.int32, (BATCH, 1), 0) * NUM_ANCHORS
    idx = lax.broadcasted_iota(jnp.int32, (BATCH, NUM_ANCHORS), 1)
    klane = lax.broadcasted_iota(jnp.int32, (BATCH, KPAD), 1)

    def body(k, carry):
        v_acc, i_acc = carry
        s = scratch[...]
        m = jnp.max(s, axis=1, keepdims=True)
        ji = jnp.min(jnp.where(s == m, idx, jnp.int32(NUM_ANCHORS)), axis=1,
                     keepdims=True)
        scratch[...] = jnp.where(idx == ji, jnp.float32(-1.0), s)
        sel = klane == k
        return (jnp.where(sel, m, v_acc), jnp.where(sel, ji + boff, i_acc))

    v_acc, i_acc = lax.fori_loop(
        0, 1, body,
        (jnp.zeros((BATCH, KPAD), jnp.float32),
         jnp.zeros((BATCH, KPAD), jnp.int32) + boff))
    v_ref[...] = v_acc
    i_ref[...] = i_acc


def _topk(scores):
    return pl.pallas_call(
        _topk_body,
        out_shape=[
            jax.ShapeDtypeStruct((BATCH, KPAD), jnp.float32),
            jax.ShapeDtypeStruct((BATCH, KPAD), jnp.int32),
        ],
        scratch_shapes=[pltpu.VMEM((BATCH, NUM_ANCHORS), jnp.float32)],
    )(scores)



def _sc_gather_body(ti_ref, btab_ref, ltab_ref, bx_ref, lb_ref,
                    tf_v, idx_v, bg_v, lg_v, sem):
    wid = lax.axis_index("s") * NC + lax.axis_index("c")
    b = wid // 2
    off = (wid % 2) * KH
    src = b * KPAD + off
    pltpu.sync_copy(ti_ref.at[pl.ds(src, KH)], tf_v)
    pltpu.async_copy(ltab_ref.at[tf_v], lg_v, sem).wait()
    pltpu.sync_copy(lg_v, lb_ref.at[pl.ds(src, KH)])
    for cpl in range(4):
        delta = jnp.int32(3 * NUM_ANCHORS) * b + jnp.int32(cpl * NUM_ANCHORS)
        for t in range(KH // 16):
            sl = pl.ds(t * 16, 16)
            idx_v[sl] = tf_v[sl] + delta
        pltpu.async_copy(btab_ref.at[idx_v], bg_v, sem).wait()
        dst = (b * 4 + cpl) * KPAD + off
        pltpu.sync_copy(bg_v, bx_ref.at[pl.ds(dst, KH)])


def _sc_gather(topi_flat, boxes_flat, labels_flat):
    mesh = plsc.VectorSubcoreMesh(core_axis_name="c", subcore_axis_name="s",
                                  num_cores=NC, num_subcores=NS)
    f = pl.kernel(
        _sc_gather_body,
        out_type=[
            jax.ShapeDtypeStruct((BATCH * 4 * KPAD,), jnp.float32),
            jax.ShapeDtypeStruct((BATCH * KPAD,), jnp.int32),
        ],
        mesh=mesh,
        scratch_types=[
            pltpu.VMEM((KH,), jnp.int32),
            pltpu.VMEM((KH,), jnp.int32),
            pltpu.VMEM((KH,), jnp.float32),
            pltpu.VMEM((KH,), jnp.int32),
            pltpu.SemaphoreType.DMA,
        ],
    )
    return f(topi_flat, boxes_flat, labels_flat)



def _nms_body(b_ref, v_ref, l_ref, ob_ref, os_ref, ol_ref, m_s):
    x1 = b_ref[:, 0, :]
    y1 = b_ref[:, 1, :]
    x2 = b_ref[:, 2, :]
    y2 = b_ref[:, 3, :]
    sv = v_ref[...]
    lab = l_ref[...]
    offs = lab.astype(jnp.float32) * 4096.0
    x1o = x1 + offs
    y1o = y1 + offs
    x2o = x2 + offs
    y2o = y2 + offs
    area = (x2o - x1o) * (y2o - y1o)
    lane = lax.broadcasted_iota(jnp.int32, (BATCH, KPAD), 1)
    valid_f = jnp.where((sv > 0.0) & (lane < MAX_DET), 1.0, 0.0)

    for t in range(NBLK):
        sl = slice(8 * t, 8 * t + 8)
        xk1 = x1o[:, sl][:, :, None]
        yk1 = y1o[:, sl][:, :, None]
        xk2 = x2o[:, sl][:, :, None]
        yk2 = y2o[:, sl][:, :, None]
        ak = area[:, sl][:, :, None]
        w = jnp.clip(jnp.minimum(x2o[:, None, :], xk2)
                     - jnp.maximum(x1o[:, None, :], xk1), 0.0, None)
        h = jnp.clip(jnp.minimum(y2o[:, None, :], yk2)
                     - jnp.maximum(y1o[:, None, :], yk1), 0.0, None)
        inter = w * h
        m_s[t] = inter / (ak + area[:, None, :] - inter + 1e-9)

    def body(t, keepf):
        mi = m_s[t]
        for r in range(8):
            k = 8 * t + r
            iou_r = mi[:, r, :]
            sup = jnp.any((iou_r > IOU_T) & (keepf > 0.0) & (lane < k),
                          axis=1, keepdims=True)
            keepf = jnp.where(lane == k, jnp.where(sup, 0.0, valid_f), keepf)
        return keepf

    keepf = lax.fori_loop(0, NBLK, body, valid_f)
    kf = keepf[:, :MAX_DET]
    ob_ref[:, 0, :] = x1[:, :MAX_DET] * kf
    ob_ref[:, 1, :] = y1[:, :MAX_DET] * kf
    ob_ref[:, 2, :] = x2[:, :MAX_DET] * kf
    ob_ref[:, 3, :] = y2[:, :MAX_DET] * kf
    os_ref[...] = sv[:, :MAX_DET] * kf
    ol_ref[...] = jnp.where(kf > 0.0, lab[:, :MAX_DET], -1)


def _nms(boxes_sel, topv, lab_sel):
    return pl.pallas_call(
        _nms_body,
        out_shape=[
            jax.ShapeDtypeStruct((BATCH, 4, MAX_DET), jnp.float32),
            jax.ShapeDtypeStruct((BATCH, MAX_DET), jnp.float32),
            jax.ShapeDtypeStruct((BATCH, MAX_DET), jnp.int32),
        ],
        scratch_shapes=[pltpu.VMEM((NBLK, BATCH, 8, KPAD), jnp.float32)],
    )(boxes_sel, topv, lab_sel)



def kernel(pred0, pred1, pred2):
    b0, s0, l0 = _decode_level(pred0, 8.0)
    b1, s1, l1 = _decode_level(pred1, 16.0)
    b2, s2, l2 = _decode_level(pred2, 32.0)
    boxes = jnp.concatenate(
        [b0.reshape(BATCH, 4, 6400), b1.reshape(BATCH, 4, 1600),
         b2.reshape(BATCH, 4, 400)], axis=2)
    scores = jnp.concatenate(
        [s0.reshape(BATCH, 6400), s1.reshape(BATCH, 1600),
         s2.reshape(BATCH, 400)], axis=1)
    labels = jnp.concatenate(
        [l0.reshape(BATCH, 6400), l1.reshape(BATCH, 1600),
         l2.reshape(BATCH, 400)], axis=1)
    topv, topi = _topk(scores)
    bx_flat, lab_flat = _sc_gather(
        topi.reshape(-1), boxes.reshape(-1), labels.reshape(-1))
    boxes_sel = bx_flat.reshape(BATCH, 4, KPAD)
    lab_sel = lab_flat.reshape(BATCH, KPAD)
    ob, osc, ol = _nms(boxes_sel, topv, lab_sel)
    return jnp.transpose(ob, (0, 2, 1)), osc, ol

# --- scband reference (transcript-rebuilt; emitter-appended) ---
"""Pipeline reference for scband-yolov11-postprocessor-26542897889478 (READ-ONLY COPY).

The authoritative reference and input builder live on the scoring server;
editing this copy changes nothing except your own understanding.
"""

import jax, jax.numpy as jnp
import numpy as np

REG_MAX = 16
NUM_CLASSES = 80
CONF_THRES = 0.25
IOU_THRES = 0.45
MAX_DET = 300
IMG_H, IMG_W = 640, 640
BATCH = 16


def setup_inputs(seed: int = 0) -> dict:
    key = jax.random.key(seed)
    k0, k1, k2 = jax.random.split(key, 3)
    ch = 4 * REG_MAX + NUM_CLASSES
    return {
        "pred0": jax.random.normal(k0, (BATCH, ch, 80, 80), dtype=jnp.float32),
        "pred1": jax.random.normal(k1, (BATCH, ch, 40, 40), dtype=jnp.float32),
        "pred2": jax.random.normal(k2, (BATCH, ch, 20, 20), dtype=jnp.float32),
    }


def _decode_level(pred, stride):
    bs, ch, h, w = pred.shape
    R = REG_MAX
    # DFLIntegral: softmax over R bins, expectation with arange(R)
    box_logits = pred[:, : 4 * R].reshape(bs, 4, R, h * w)
    probs = jax.nn.softmax(box_logits, axis=2)
    bins = jnp.arange(R, dtype=pred.dtype)
    ltrb = jnp.sum(probs * bins[None, None, :, None], axis=2)  # (bs, 4, h*w)
    yv, xv = jnp.meshgrid(jnp.arange(h, dtype=pred.dtype), jnp.arange(w, dtype=pred.dtype), indexing="ij")
    cx = (xv.reshape(-1) + 0.5) * stride
    cy = (yv.reshape(-1) + 0.5) * stride
    d = ltrb * stride
    x1 = cx[None, :] - d[:, 0]
    y1 = cy[None, :] - d[:, 1]
    x2 = cx[None, :] + d[:, 2]
    y2 = cy[None, :] + d[:, 3]
    boxes = jnp.stack((x1, y1, x2, y2), axis=2)  # (bs, hw, 4)
    cls = jax.nn.sigmoid(pred[:, 4 * R :].reshape(bs, NUM_CLASSES, h * w))
    cls = jnp.transpose(cls, (0, 2, 1))  # (bs, hw, C)
    scores = jnp.max(cls, axis=-1)
    labels = jnp.argmax(cls, axis=-1)
    return boxes, scores, labels


def _iou_matrix(boxes):
    area = (boxes[:, 2] - boxes[:, 0]) * (boxes[:, 3] - boxes[:, 1])
    lt = jnp.maximum(boxes[:, None, :2], boxes[None, :, :2])
    rb = jnp.minimum(boxes[:, None, 2:], boxes[None, :, 2:])
    wh = jnp.clip(rb - lt, 0.0, None)
    inter = wh[..., 0] * wh[..., 1]
    union = area[:, None] + area[None, :] - inter
    return inter / (union + 1e-9)


def _nms_single(boxes, scores, labels):
    # candidates already sorted desc by score; score==0 means below conf_thres
    valid = scores > 0.0
    offset = labels.astype(boxes.dtype) * 4096.0  # class-aware batched NMS trick
    boxes_off = boxes + offset[:, None]
    ious = jax.lax.stop_gradient(_iou_matrix(boxes_off))
    n = boxes.shape[0]
    idx = jnp.arange(n)

    def body(i, keep):
        sup = jnp.any((ious[i] > IOU_THRES) & keep & (idx < i))
        return keep.at[i].set(jnp.logical_not(sup) & keep[i])

    keep = jax.lax.fori_loop(0, n, body, valid)
    keep = jax.lax.stop_gradient(keep)
    out_boxes = boxes * keep[:, None].astype(boxes.dtype)
    out_scores = scores * keep.astype(scores.dtype)
    out_labels = jnp.where(keep, labels, -1)
    return out_boxes, out_scores, out_labels


def reference(pred0, pred1, pred2):
    levels = ((pred0, 8.0), (pred1, 16.0), (pred2, 32.0))
    bs_list, sc_list, lb_list = [], [], []
    for pred, stride in levels:
        b, s, l = _decode_level(pred, stride)
        bs_list.append(b)
        sc_list.append(s)
        lb_list.append(l)
    boxes = jnp.concatenate(bs_list, axis=1)
    scores = jnp.concatenate(sc_list, axis=1)
    labels = jnp.concatenate(lb_list, axis=1)
    x = jnp.clip(boxes[..., 0::2], 0.0, IMG_W - 1)
    y = jnp.clip(boxes[..., 1::2], 0.0, IMG_H - 1)
    boxes = jnp.stack((x[..., 0], y[..., 0], x[..., 1], y[..., 1]), axis=-1)
    score_masked = jnp.where(scores > CONF_THRES, scores, 0.0)
    out_b, out_s, out_l = [], [], []
    B = boxes.shape[0]
    for b in range(B):
        topv, topi = jax.lax.top_k(score_masked[b], MAX_DET)
        bb = boxes[b][topi]
        ll = labels[b][topi]
        ob, osc, ol = _nms_single(bb, topv, ll)
        out_b.append(ob)
        out_s.append(osc)
        out_l.append(ol)
    return jnp.stack(out_b), jnp.stack(out_s), jnp.stack(out_l)

if __name__ == "__main__":
    import jax
    _d = setup_inputs()
    print(jax.jit(kernel)(*tuple(_d.values())))

</pallas_src>

<mosaic_0001>
#map = affine_map<(d0, d1) -> (0)>
module attributes {stable_mosaic.version = 14 : i64} {
  func.func @_sc_gather_body(%arg0: i32, %arg1: i32, %arg2: memref<5120xi32, #tpu.memory_space<hbm>>, %arg3: memref<537600xf32, #tpu.memory_space<hbm>>, %arg4: memref<134400xi32, #tpu.memory_space<hbm>>, %arg5: memref<20480xf32, #tpu.memory_space<hbm>>, %arg6: memref<5120xi32, #tpu.memory_space<hbm>>, %arg7: memref<160xi32, #tpu.memory_space<vmem>>, %arg8: memref<160xi32, #tpu.memory_space<vmem>>, %arg9: memref<160xf32, #tpu.memory_space<vmem>>, %arg10: memref<160xi32, #tpu.memory_space<vmem>>, %arg11: memref<!tpu.dma_semaphore, #tpu.memory_space<semaphore_mem>>) attributes {dimension_semantics = [#tpu.dimension_semantics<core_parallel>, #tpu.dimension_semantics<subcore_parallel>], iteration_bounds = array<i64: 2, 16>, scalar_prefetch = 0 : i64, scratch_operands = 5 : i64, tpu.core_type = #tpu.core_type<sc_vector_subcore>, window_params = [{transform_indices = #map}, {transform_indices = #map}, {transform_indices = #map}, {transform_indices = #map}, {transform_indices = #map}]} {
    %mul3A = arith.constant 2 : i32
    %mul3A_0 = arith.muli %arg1, %mul3A : i32
    %add3A = arith.addi %mul3A_0, %arg0 : i32
    %jit3A = arith.constant 2 : i32
    %div3A = arith.divsi %add3A, %jit3A : i32
    %sign3A = arith.constant 0 : i32
    %sign3A_1 = arith.cmpi sgt, %add3A, %sign3A : i32
    %sign3A_2 = arith.extui %sign3A_1 : i1 to i32
    %sign3A_3 = arith.constant 0 : i32
    %sign3A_4 = arith.cmpi slt, %add3A, %sign3A_3 : i32
    %sign3A_5 = arith.extui %sign3A_4 : i1 to i32
    %sign3A_6 = arith.subi %sign3A_2, %sign3A_5 : i32
    %sign3A_7 = arith.constant 0 : i32
    %sign3A_8 = arith.cmpi sgt, %jit3A, %sign3A_7 : i32
    %sign3A_9 = arith.extui %sign3A_8 : i1 to i32
    %sign3A_10 = arith.constant 0 : i32
    %sign3A_11 = arith.cmpi slt, %jit3A, %sign3A_10 : i32
    %sign3A_12 = arith.extui %sign3A_11 : i1 to i32
    %sign3A_13 = arith.subi %sign3A_9, %sign3A_12 : i32
    %ne3A = arith.cmpi ne, %sign3A_6, %sign3A_13 : i32
    %rem3A = arith.remsi %add3A, %jit3A : i32
    %ne3A_14 = arith.constant 0 : i32
    %ne3A_15 = arith.cmpi ne, %rem3A, %ne3A_14 : i32
    %and3A = arith.andi %ne3A, %ne3A_15 : i1
    %sub3A = arith.constant 1 : i32
    %sub3A_16 = arith.subi %div3A, %sub3A : i32
    %select_n3A = arith.select %and3A, %sub3A_16, %div3A : i32
    %jit3A_17 = arith.constant 2 : i32
    %eq3A = arith.constant 0 : i32
    %eq3A_18 = arith.cmpi eq, %jit3A_17, %eq3A : i32
    %jit3A_19 = arith.constant 1 : i32
    %select_n3A_20 = arith.select %eq3A_18, %jit3A_19, %jit3A_17 : i32
    %rem3A_21 = arith.remsi %add3A, %select_n3A_20 : i32
    %ne3A_22 = arith.constant 0 : i32
    %ne3A_23 = arith.cmpi ne, %rem3A_21, %ne3A_22 : i32
    %lt3A = arith.constant 0 : i32
    %lt3A_24 = arith.cmpi slt, %rem3A_21, %lt3A : i32
    %lt3A_25 = arith.constant 0 : i32
    %lt3A_26 = arith.cmpi slt, %select_n3A_20, %lt3A_25 : i32
    %ne3A_27 = arith.xori %lt3A_24, %lt3A_26 : i1
    %and3A_28 = arith.andi %ne3A_27, %ne3A_23 : i1
    %add3A_29 = arith.addi %rem3A_21, %select_n3A_20 : i32
    %select_n3A_30 = arith.select %and3A_28, %add3A_29, %rem3A_21 : i32
    %mul3A_31 = arith.constant 160 : i32
    %mul3A_32 = arith.muli %select_n3A_30, %mul3A_31 : i32
    %mul3A_33 = arith.constant 320 : i32
    %mul3A_34 = arith.muli %select_n3A, %mul3A_33 : i32
    %add3A_35 = arith.addi %mul3A_34, %mul3A_32 : i32
    "tpu.region"() ({
      %run_scoped3A = tpu.sem_alloc : memref<!tpu.dma_semaphore, #tpu.memory_space<semaphore_mem>>
      %dma_start3A_456 = tpu.memref_slice %arg2[%add3A_35] : memref<5120xi32, #tpu.memory_space<hbm>> -> memref<160xi32, #tpu.memory_space<hbm>>
      %dma_start3A_457 = tpu.memref_slice %arg2[%add3A_35] : memref<5120xi32, #tpu.memory_space<hbm>> -> memref<160xi32, #tpu.memory_space<hbm>>
      tpu.enqueue_dma source(%dma_start3A_457 : memref<160xi32, #tpu.memory_space<hbm>>) target(%arg7 : memref<160xi32, #tpu.memory_space<vmem>>) target_semaphore(%run_scoped3A : memref<!tpu.dma_semaphore, #tpu.memory_space<semaphore_mem>>)
      %dma_wait3A_458 = tpu.memref_slice %arg2[%add3A_35] : memref<5120xi32, #tpu.memory_space<hbm>> -> memref<160xi32, #tpu.memory_space<hbm>>
      %dma_wait3A_459 = tpu.memref_slice %arg2[%add3A_35] : memref<5120xi32, #tpu.memory_space<hbm>> -> memref<160xi32, #tpu.memory_space<hbm>>
      tpu.wait_dma2 semaphore(%run_scoped3A : memref<!tpu.dma_semaphore, #tpu.memory_space<semaphore_mem>>) src(%dma_wait3A_459 : memref<160xi32, #tpu.memory_space<hbm>>) dst(%arg7 : memref<160xi32, #tpu.memory_space<vmem>>)
      tpu.yield
    }) : () -> ()
    %dma_start3A = arith.constant 0 : i32
    %dma_start3A_36 = tpu.memref_slice %arg4[%dma_start3A] : memref<134400xi32, #tpu.memory_space<hbm>> -> memref<134400xi32, #tpu.memory_space<hbm>>
    tpu.enqueue_indirect_dma source(%dma_start3A_36 : memref<134400xi32, #tpu.memory_space<hbm>>) target(%arg10 : memref<160xi32, #tpu.memory_space<vmem>>) offsets(%arg7 : memref<160xi32, #tpu.memory_space<vmem>>) semaphore(%arg11 : memref<!tpu.dma_semaphore, #tpu.memory_space<semaphore_mem>>)
    %dma_wait3A = arith.constant 0 : i32
    %dma_wait3A_37 = tpu.memref_slice %arg4[%dma_wait3A] : memref<134400xi32, #tpu.memory_space<hbm>> -> memref<134400xi32, #tpu.memory_space<hbm>>
    tpu.wait_indirect_dma semaphore(%arg11 : memref<!tpu.dma_semaphore, #tpu.memory_space<semaphore_mem>>) src(%dma_wait3A_37 : memref<134400xi32, #tpu.memory_space<hbm>>) dst(%arg10 : memref<160xi32, #tpu.memory_space<vmem>>)
    "tpu.region"() ({
      %run_scoped3A = tpu.sem_alloc : memref<!tpu.dma_semaphore, #tpu.memory_space<semaphore_mem>>
      %dma_start3A_456 = tpu.memref_slice %arg6[%add3A_35] : memref<5120xi32, #tpu.memory_space<hbm>> -> memref<160xi32, #tpu.memory_space<hbm>>
      %dma_start3A_457 = tpu.memref_slice %arg6[%add3A_35] : memref<5120xi32, #tpu.memory_space<hbm>> -> memref<160xi32, #tpu.memory_space<hbm>>
      tpu.enqueue_dma source(%arg10 : memref<160xi32, #tpu.memory_space<vmem>>) target(%dma_start3A_457 : memref<160xi32, #tpu.memory_space<hbm>>) target_semaphore(%run_scoped3A : memref<!tpu.dma_semaphore, #tpu.memory_space<semaphore_mem>>)
      %dma_wait3A_458 = tpu.memref_slice %arg6[%add3A_35] : memref<5120xi32, #tpu.memory_space<hbm>> -> memref<160xi32, #tpu.memory_space<hbm>>
      %dma_wait3A_459 = tpu.memref_slice %arg6[%add3A_35] : memref<5120xi32, #tpu.memory_space<hbm>> -> memref<160xi32, #tpu.memory_space<hbm>>
      tpu.wait_dma2 semaphore(%run_scoped3A : memref<!tpu.dma_semaphore, #tpu.memory_space<semaphore_mem>>) src(%arg10 : memref<160xi32, #tpu.memory_space<vmem>>) dst(%dma_wait3A_459 : memref<160xi32, #tpu.memory_space<hbm>>)
      tpu.yield
    }) : () -> ()
    %mul3A_38 = arith.constant 25200 : i32
    %mul3A_39 = arith.muli %mul3A_38, %select_n3A : i32
    %add3A_40 = arith.constant 0 : i32
    %add3A_41 = arith.addi %mul3A_39, %add3A_40 : i32
    %get3A = arith.constant 0 : index
    %get3A_42 = tpu.vector_load %arg7[%get3A] {strides = array<i32>} : memref<160xi32, #tpu.memory_space<vmem>>, vector<16xi32>,
    %get3A_43 = vector.shape_cast %get3A_42 : vector<16xi32> to vector<16xi32>
    %add3A_44 = vector.broadcast %add3A_41 : i32 to vector<16xi32>
    %add3A_45 = arith.addi %get3A_43, %add3A_44 : vector<16xi32>
    %swap3A = arith.constant 0 : index
    %swap3A_46 = tpu.vector_load %arg8[%swap3A] {strides = array<i32>} : memref<160xi32, #tpu.memory_space<vmem>>, vector<16xi32>,
    %swap3A_47 = vector.shape_cast %swap3A_46 : vector<16xi32> to vector<16xi32>
    %swap3A_48 = vector.shape_cast %add3A_45 : vector<16xi32> to vector<16xi32>
    tpu.vector_store %arg8[%swap3A], %swap3A_48 {strides = array<i32>} : memref<160xi32, #tpu.memory_space<vmem>>, vector<16xi32>,
    %get3A_49 = arith.constant 16 : index
    %get3A_50 = tpu.vector_load %arg7[%get3A_49] {strides = array<i32>} : memref<160xi32, #tpu.memory_space<vmem>>, vector<16xi32>,
    %get3A_51 = vector.shape_cast %get3A_50 : vector<16xi32> to vector<16xi32>
    %add3A_52 = vector.broadcast %add3A_41 : i32 to vector<16xi32>
    %add3A_53 = arith.addi %get3A_51, %add3A_52 : vector<16xi32>
    %swap3A_54 = arith.constant 16 : index
    %swap3A_55 = tpu.vector_load %arg8[%swap3A_54] {strides = array<i32>} : memref<160xi32, #tpu.memory_space<vmem>>, vector<16xi32>,
    %swap3A_56 = vector.shape_cast %swap3A_55 : vector<16xi32> to vector<16xi32>
    %swap3A_57 = vector.shape_cast %add3A_53 : vector<16xi32> to vector<16xi32>
    tpu.vector_store %arg8[%swap3A_54], %swap3A_57 {strides = array<i32>} : memref<160xi32, #tpu.memory_space<vmem>>, vector<16xi32>,
    %get3A_58 = arith.constant 32 : index
    %get3A_59 = tpu.vector_load %arg7[%get3A_58] {strides = array<i32>} : memref<160xi32, #tpu.memory_space<vmem>>, vector<16xi32>,
    %get3A_60 = vector.shape_cast %get3A_59 : vector<16xi32> to vector<16xi32>
    %add3A_61 = vector.broadcast %add3A_41 : i32 to vector<16xi32>
    %add3A_62 = arith.addi %get3A_60, %add3A_61 : vector<16xi32>
    %swap3A_63 = arith.constant 32 : index
    %swap3A_64 = tpu.vector_load %arg8[%swap3A_63] {strides = array<i32>} : memref<160xi32, #tpu.memory_space<vmem>>, vector<16xi32>,
    %swap3A_65 = vector.shape_cast %swap3A_64 : vector<16xi32> to vector<16xi32>
    %swap3A_66 = vector.shape_cast %add3A_62 : vector<16xi32> to vector<16xi32>
    tpu.vector_store %arg8[%swap3A_63], %swap3A_66 {strides = array<i32>} : memref<160xi32, #tpu.memory_space<vmem>>, vector<16xi32>,
    %get3A_67 = arith.constant 48 : index
    %get3A_68 = tpu.vector_load %arg7[%get3A_67] {strides = array<i32>} : memref<160xi32, #tpu.memory_space<vmem>>, vector<16xi32>,
    %get3A_69 = vector.shape_cast %get3A_68 : vector<16xi32> to vector<16xi32>
    %add3A_70 = vector.broadcast %add3A_41 : i32 to vector<16xi32>
    %add3A_71 = arith.addi %get3A_69, %add3A_70 : vector<16xi32>
    %swap3A_72 = arith.constant 48 : index
    %swap3A_73 = tpu.vector_load %arg8[%swap3A_72] {strides = array<i32>} : memref<160xi32, #tpu.memory_space<vmem>>, vector<16xi32>,
    %swap3A_74 = vector.shape_cast %swap3A_73 : vector<16xi32> to vector<16xi32>
    %swap3A_75 = vector.shape_cast %add3A_71 : vector<16xi32> to vector<16xi32>
    tpu.vector_store %arg8[%swap3A_72], %swap3A_75 {strides = array<i32>} : memref<160xi32, #tpu.memory_space<vmem>>, vector<16xi32>,
    %get3A_76 = arith.constant 64 : index
    %get3A_77 = tpu.vector_load %arg7[%get3A_76] {strides = array<i32>} : memref<160xi32, #tpu.memory_space<vmem>>, vector<16xi32>,
    %get3A_78 = vector.shape_cast %get3A_77 : vector<16xi32> to vector<16xi32>
    %add3A_79 = vector.broadcast %add3A_41 : i32 to vector<16xi32>
    %add3A_80 = arith.addi %get3A_78, %add3A_79 : vector<16xi32>
    %swap3A_81 = arith.constant 64 : index
    %swap3A_82 = tpu.vector_load %arg8[%swap3A_81] {strides = array<i32>} : memref<160xi32, #tpu.memory_space<vmem>>, vector<16xi32>,
    %swap3A_83 = vector.shape_cast %swap3A_82 : vector<16xi32> to vector<16xi32>
    %swap3A_84 = vector.shape_cast %add3A_80 : vector<16xi32> to vector<16xi32>
    tpu.vector_store %arg8[%swap3A_81], %swap3A_84 {strides = array<i32>} : memref<160xi32, #tpu.memory_space<vmem>>, vector<16xi32>,
    %get3A_85 = arith.constant 80 : index
    %get3A_86 = tpu.vector_load %arg7[%get3A_85] {strides = array<i32>} : memref<160xi32, #tpu.memory_space<vmem>>, vector<16xi32>,
    %get3A_87 = vector.shape_cast %get3A_86 : vector<16xi32> to vector<16xi32>
    %add3A_88 = vector.broadcast %add3A_41 : i32 to vector<16xi32>
    %add3A_89 = arith.addi %get3A_87, %add3A_88 : vector<16xi32>
    %swap3A_90 = arith.constant 80 : index
    %swap3A_91 = tpu.vector_load %arg8[%swap3A_90] {strides = array<i32>} : memref<160xi32, #tpu.memory_space<vmem>>, vector<16xi32>,
    %swap3A_92 = vector.shape_cast %swap3A_91 : vector<16xi32> to vector<16xi32>
    %swap3A_93 = vector.shape_cast %add3A_89 : vector<16xi32> to vector<16xi32>
    tpu.vector_store %arg8[%swap3A_90], %swap3A_93 {strides = array<i32>} : memref<160xi32, #tpu.memory_space<vmem>>, vector<16xi32>,
    %get3A_94 = arith.constant 96 : index
    %get3A_95 = tpu.vector_load %arg7[%get3A_94] {strides = array<i32>} : memref<160xi32, #tpu.memory_space<vmem>>, vector<16xi32>,
    %get3A_96 = vector.shape_cast %get3A_95 : vector<16xi32> to vector<16xi32>
    %add3A_97 = vector.broadcast %add3A_41 : i32 to vector<16xi32>
    %add3A_98 = arith.addi %get3A_96, %add3A_97 : vector<16xi32>
    %swap3A_99 = arith.constant 96 : index
    %swap3A_100 = tpu.vector_load %arg8[%swap3A_99] {strides = array<i32>} : memref<160xi32, #tpu.memory_space<vmem>>, vector<16xi32>,
    %swap3A_101 = vector.shape_cast %swap3A_100 : vector<16xi32> to vector<16xi32>
    %swap3A_102 = vector.shape_cast %add3A_98 : vector<16xi32> to vector<16xi32>
    tpu.vector_store %arg8[%swap3A_99], %swap3A_102 {strides = array<i32>} : memref<160xi32, #tpu.memory_space<vmem>>, vector<16xi32>,
    %get3A_103 = arith.constant 112 : index
    %get3A_104 = tpu.vector_load %arg7[%get3A_103] {strides = array<i32>} : memref<160xi32, #tpu.memory_space<vmem>>, vector<16xi32>,
    %get3A_105 = vector.shape_cast %get3A_104 : vector<16xi32> to vector<16xi32>
    %add3A_106 = vector.broadcast %add3A_41 : i32 to vector<16xi32>
    %add3A_107 = arith.addi %get3A_105, %add3A_106 : vector<16xi32>
    %swap3A_108 = arith.constant 112 : index
    %swap3A_109 = tpu.vector_load %arg8[%swap3A_108] {strides = array<i32>} : memref<160xi32, #tpu.memory_space<vmem>>, vector<16xi32>,
    %swap3A_110 = vector.shape_cast %swap3A_109 : vector<16xi32> to vector<16xi32>
    %swap3A_111 = vector.shape_cast %add3A_107 : vector<16xi32> to vector<16xi32>
    tpu.vector_store %arg8[%swap3A_108], %swap3A_111 {strides = array<i32>} : memref<160xi32, #tpu.memory_space<vmem>>, vector<16xi32>,
    %get3A_112 = arith.constant 128 : index
    %get3A_113 = tpu.vector_load %arg7[%get3A_112] {strides = array<i32>} : memref<160xi32, #tpu.memory_space<vmem>>, vector<16xi32>,
    %get3A_114 = vector.shape_cast %get3A_113 : vector<16xi32> to vector<16xi32>
    %add3A_115 = vector.broadcast %add3A_41 : i32 to vector<16xi32>
    %add3A_116 = arith.addi %get3A_114, %add3A_115 : vector<16xi32>
    %swap3A_117 = arith.constant 128 : index
    %swap3A_118 = tpu.vector_load %arg8[%swap3A_117] {strides = array<i32>} : memref<160xi32, #tpu.memory_space<vmem>>, vector<16xi32>,
    %swap3A_119 = vector.shape_cast %swap3A_118 : vector<16xi32> to vector<16xi32>
    %swap3A_120 = vector.shape_cast %add3A_116 : vector<16xi32> to vector<16xi32>
    tpu.vector_store %arg8[%swap3A_117], %swap3A_120 {strides = array<i32>} : memref<160xi32, #tpu.memory_space<vmem>>, vector<16xi32>,
    %get3A_121 = arith.constant 144 : index
    %get3A_122 = tpu.vector_load %arg7[%get3A_121] {strides = array<i32>} : memref<160xi32, #tpu.memory_space<vmem>>, vector<16xi32>,
    %get3A_123 = vector.shape_cast %get3A_122 : vector<16xi32> to vector<16xi32>
    %add3A_124 = vector.broadcast %add3A_41 : i32 to vector<16xi32>
    %add3A_125 = arith.addi %get3A_123, %add3A_124 : vector<16xi32>
    %swap3A_126 = arith.constant 144 : index
    %swap3A_127 = tpu.vector_load %arg8[%swap3A_126] {strides = array<i32>} : memref<160xi32, #tpu.memory_space<vmem>>, vector<16xi32>,
    %swap3A_128 = vector.shape_cast %swap3A_127 : vector<16xi32> to vector<16xi32>
    %swap3A_129 = vector.shape_cast %add3A_125 : vector<16xi32> to vector<16xi32>
    tpu.vector_store %arg8[%swap3A_126], %swap3A_129 {strides = array<i32>} : memref<160xi32, #tpu.memory_space<vmem>>, vector<16xi32>,
    %dma_start3A_130 = arith.constant 0 : i32
    %dma_start3A_131 = tpu.memref_slice %arg3[%dma_start3A_130] : memref<537600xf32, #tpu.memory_space<hbm>> -> memref<537600xf32, #tpu.memory_space<hbm>>
    tpu.enqueue_indirect_dma source(%dma_start3A_131 : memref<537600xf32, #tpu.memory_space<hbm>>) target(%arg9 : memref<160xf32, #tpu.memory_space<vmem>>) offsets(%arg8 : memref<160xi32, #tpu.memory_space<vmem>>) semaphore(%arg11 : memref<!tpu.dma_semaphore, #tpu.memory_space<semaphore_mem>>)
    %dma_wait3A_132 = arith.constant 0 : i32
    %dma_wait3A_133 = tpu.memref_slice %arg3[%dma_wait3A_132] : memref<537600xf32, #tpu.memory_space<hbm>> -> memref<537600xf32, #tpu.memory_space<hbm>>
    tpu.wait_indirect_dma semaphore(%arg11 : memref<!tpu.dma_semaphore, #tpu.memory_space<semaphore_mem>>) src(%dma_wait3A_133 : memref<537600xf32, #tpu.memory_space<hbm>>) dst(%arg9 : memref<160xf32, #tpu.memory_space<vmem>>)
    %mul3A_134 = arith.constant 4 : i32
    %mul3A_135 = arith.muli %select_n3A, %mul3A_134 : i32
    %add3A_136 = arith.constant 0 : i32
    %add3A_137 = arith.addi %mul3A_135, %add3A_136 : i32
    %mul3A_138 = arith.constant 320 : i32
    %mul3A_139 = arith.muli %add3A_137, %mul3A_138 : i32
    %add3A_140 = arith.addi %mul3A_139, %mul3A_32 : i32
    "tpu.region"() ({
      %run_scoped3A = tpu.sem_alloc : memref<!tpu.dma_semaphore, #tpu.memory_space<semaphore_mem>>
      %dma_start3A_456 = tpu.memref_slice %arg5[%add3A_140] : memref<20480xf32, #tpu.memory_space<hbm>> -> memref<160xf32, #tpu.memory_space<hbm>>
      %dma_start3A_457 = tpu.memref_slice %arg5[%add3A_140] : memref<20480xf32, #tpu.memory_space<hbm>> -> memref<160xf32, #tpu.memory_space<hbm>>
      tpu.enqueue_dma source(%arg9 : memref<160xf32, #tpu.memory_space<vmem>>) target(%dma_start3A_457 : memref<160xf32, #tpu.memory_space<hbm>>) target_semaphore(%run_scoped3A : memref<!tpu.dma_semaphore, #tpu.memory_space<semaphore_mem>>)
      %dma_wait3A_458 = tpu.memref_slice %arg5[%add3A_140] : memref<20480xf32, #tpu.memory_space<hbm>> -> memref<160xf32, #tpu.memory_space<hbm>>
      %dma_wait3A_459 = tpu.memref_slice %arg5[%add3A_140] : memref<20480xf32, #tpu.memory_space<hbm>> -> memref<160xf32, #tpu.memory_space<hbm>>
      tpu.wait_dma2 semaphore(%run_scoped3A : memref<!tpu.dma_semaphore, #tpu.memory_space<semaphore_mem>>) src(%arg9 : memref<160xf32, #tpu.memory_space<vmem>>) dst(%dma_wait3A_459 : memref<160xf32, #tpu.memory_space<hbm>>)
      tpu.yield
    }) : () -> ()
    %mul3A_141 = arith.constant 25200 : i32
    %mul3A_142 = arith.muli %mul3A_141, %select_n3A : i32
    %add3A_143 = arith.constant 8400 : i32
    %add3A_144 = arith.addi %mul3A_142, %add3A_143 : i32
    %get3A_145 = arith.constant 0 : index
    %get3A_146 = tpu.vector_load %arg7[%get3A_145] {strides = array<i32>} : memref<160xi32, #tpu.memory_space<vmem>>, vector<16xi32>,
    %get3A_147 = vector.shape_cast %get3A_146 : vector<16xi32> to vector<16xi32>
    %add3A_148 = vector.broadcast %add3A_144 : i32 to vector<16xi32>
    %add3A_149 = arith.addi %get3A_147, %add3A_148 : vector<16xi32>
    %swap3A_150 = arith.constant 0 : index
    %swap3A_151 = tpu.vector_load %arg8[%swap3A_150] {strides = array<i32>} : memref<160xi32, #tpu.memory_space<vmem>>, vector<16xi32>,
    %swap3A_152 = vector.shape_cast %swap3A_151 : vector<16xi32> to vector<16xi32>
    %swap3A_153 = vector.shape_cast %add3A_149 : vector<16xi32> to vector<16xi32>
    tpu.vector_store %arg8[%swap3A_150], %swap3A_153 {strides = array<i32>} : memref<160xi32, #tpu.memory_space<vmem>>, vector<16xi32>,
    %get3A_154 = arith.constant 16 : index
    %get3A_155 = tpu.vector_load %arg7[%get3A_154] {strides = array<i32>} : memref<160xi32, #tpu.memory_space<vmem>>, vector<16xi32>,
    %get3A_156 = vector.shape_cast %get3A_155 : vector<16xi32> to vector<16xi32>
    %add3A_157 = vector.broadcast %add3A_144 : i32 to vector<16xi32>
    %add3A_158 = arith.addi %get3A_156, %add3A_157 : vector<16xi32>
    %swap3A_159 = arith.constant 16 : index
    %swap3A_160 = tpu.vector_load %arg8[%swap3A_159] {strides = array<i32>} : memref<160xi32, #tpu.memory_space<vmem>>, vector<16xi32>,
    %swap3A_161 = vector.shape_cast %swap3A_160 : vector<16xi32> to vector<16xi32>
    %swap3A_162 = vector.shape_cast %add3A_158 : vector<16xi32> to vector<16xi32>
    tpu.vector_store %arg8[%swap3A_159], %swap3A_162 {strides = array<i32>} : memref<160xi32, #tpu.memory_space<vmem>>, vector<16xi32>,
    %get3A_163 = arith.constant 32 : index
    %get3A_164 = tpu.vector_load %arg7[%get3A_163] {strides = array<i32>} : memref<160xi32, #tpu.memory_space<vmem>>, vector<16xi32>,
    %get3A_165 = vector.shape_cast %get3A_164 : vector<16xi32> to vector<16xi32>
    %add3A_166 = vector.broadcast %add3A_144 : i32 to vector<16xi32>
    %add3A_167 = arith.addi %get3A_165, %add3A_166 : vector<16xi32>
    %swap3A_168 = arith.constant 32 : index
    %swap3A_169 = tpu.vector_load %arg8[%swap3A_168] {strides = array<i32>} : memref<160xi32, #tpu.memory_space<vmem>>, vector<16xi32>,
    %swap3A_170 = vector.shape_cast %swap3A_169 : vector<16xi32> to vector<16xi32>
    %swap3A_171 = vector.shape_cast %add3A_167 : vector<16xi32> to vector<16xi32>
    tpu.vector_store %arg8[%swap3A_168], %swap3A_171 {strides = array<i32>} : memref<160xi32, #tpu.memory_space<vmem>>, vector<16xi32>,
    %get3A_172 = arith.constant 48 : index
    %get3A_173 = tpu.vector_load %arg7[%get3A_172] {strides = array<i32>} : memref<160xi32, #tpu.memory_space<vmem>>, vector<16xi32>,
    %get3A_174 = vector.shape_cast %get3A_173 : vector<16xi32> to vector<16xi32>
    %add3A_175 = vector.broadcast %add3A_144 : i32 to vector<16xi32>
    %add3A_176 = arith.addi %get3A_174, %add3A_175 : vector<16xi32>
    %swap3A_177 = arith.constant 48 : index
    %swap3A_178 = tpu.vector_load %arg8[%swap3A_177] {strides = array<i32>} : memref<160xi32, #tpu.memory_space<vmem>>, vector<16xi32>,
    %swap3A_179 = vector.shape_cast %swap3A_178 : vector<16xi32> to vector<16xi32>
    %swap3A_180 = vector.shape_cast %add3A_176 : vector<16xi32> to vector<16xi32>
    tpu.vector_store %arg8[%swap3A_177], %swap3A_180 {strides = array<i32>} : memref<160xi32, #tpu.memory_space<vmem>>, vector<16xi32>,
    %get3A_181 = arith.constant 64 : index
    %get3A_182 = tpu.vector_load %arg7[%get3A_181] {strides = array<i32>} : memref<160xi32, #tpu.memory_space<vmem>>, vector<16xi32>,
    %get3A_183 = vector.shape_cast %get3A_182 : vector<16xi32> to vector<16xi32>
    %add3A_184 = vector.broadcast %add3A_144 : i32 to vector<16xi32>
    %add3A_185 = arith.addi %get3A_183, %add3A_184 : vector<16xi32>
    %swap3A_186 = arith.constant 64 : index
    %swap3A_187 = tpu.vector_load %arg8[%swap3A_186] {strides = array<i32>} : memref<160xi32, #tpu.memory_space<vmem>>, vector<16xi32>,
    %swap3A_188 = vector.shape_cast %swap3A_187 : vector<16xi32> to vector<16xi32>
    %swap3A_189 = vector.shape_cast %add3A_185 : vector<16xi32> to vector<16xi32>
    tpu.vector_store %arg8[%swap3A_186], %swap3A_189 {strides = array<i32>} : memref<160xi32, #tpu.memory_space<vmem>>, vector<16xi32>,
    %get3A_190 = arith.constant 80 : index
    %get3A_191 = tpu.vector_load %arg7[%get3A_190] {strides = array<i32>} : memref<160xi32, #tpu.memory_space<vmem>>, vector<16xi32>,
    %get3A_192 = vector.shape_cast %get3A_191 : vector<16xi32> to vector<16xi32>
    %add3A_193 = vector.broadcast %add3A_144 : i32 to vector<16xi32>
    %add3A_194 = arith.addi %get3A_192, %add3A_193 : vector<16xi32>
    %swap3A_195 = arith.constant 80 : index
    %swap3A_196 = tpu.vector_load %arg8[%swap3A_195] {strides = array<i32>} : memref<160xi32, #tpu.memory_space<vmem>>, vector<16xi32>,
    %swap3A_197 = vector.shape_cast %swap3A_196 : vector<16xi32> to vector<16xi32>
    %swap3A_198 = vector.shape_cast %add3A_194 : vector<16xi32> to vector<16xi32>
    tpu.vector_store %arg8[%swap3A_195], %swap3A_198 {strides = array<i32>} : memref<160xi32, #tpu.memory_space<vmem>>, vector<16xi32>,
    %get3A_199 = arith.constant 96 : index
    %get3A_200 = tpu.vector_load %arg7[%get3A_199] {strides = array<i32>} : memref<160xi32, #tpu.memory_space<vmem>>, vector<16xi32>,
    %get3A_201 = vector.shape_cast %get3A_200 : vector<16xi32> to vector<16xi32>
    %add3A_202 = vector.broadcast %add3A_144 : i32 to vector<16xi32>
    %add3A_203 = arith.addi %get3A_201, %add3A_202 : vector<16xi32>
    %swap3A_204 = arith.constant 96 : index
    %swap3A_205 = tpu.vector_load %arg8[%swap3A_204] {strides = array<i32>} : memref<160xi32, #tpu.memory_space<vmem>>, vector<16xi32>,
    %swap3A_206 = vector.shape_cast %swap3A_205 : vector<16xi32> to vector<16xi32>
    %swap3A_207 = vector.shape_cast %add3A_203 : vector<16xi32> to vector<16xi32>
    tpu.vector_store %arg8[%swap3A_204], %swap3A_207 {strides = array<i32>} : memref<160xi32, #tpu.memory_space<vmem>>, vector<16xi32>,
    %get3A_208 = arith.constant 112 : index
    %get3A_209 = tpu.vector_load %arg7[%get3A_208] {strides = array<i32>} : memref<160xi32, #tpu.memory_space<vmem>>, vector<16xi32>,
    %get3A_210 = vector.shape_cast %get3A_209 : vector<16xi32> to vector<16xi32>
    %add3A_211 = vector.broadcast %add3A_144 : i32 to vector<16xi32>
    %add3A_212 = arith.addi %get3A_210, %add3A_211 : vector<16xi32>
    %swap3A_213 = arith.constant 112 : index
    %swap3A_214 = tpu.vector_load %arg8[%swap3A_213] {strides = array<i32>} : memref<160xi32, #tpu.memory_space<vmem>>, vector<16xi32>,
    %swap3A_215 = vector.shape_cast %swap3A_214 : vector<16xi32> to vector<16xi32>
    %swap3A_216 = vector.shape_cast %add3A_212 : vector<16xi32> to vector<16xi32>
    tpu.vector_store %arg8[%swap3A_213], %swap3A_216 {strides = array<i32>} : memref<160xi32, #tpu.memory_space<vmem>>, vector<16xi32>,
    %get3A_217 = arith.constant 128 : index
    %get3A_218 = tpu.vector_load %arg7[%get3A_217] {strides = array<i32>} : memref<160xi32, #tpu.memory_space<vmem>>, vector<16xi32>,
    %get3A_219 = vector.shape_cast %get3A_218 : vector<16xi32> to vector<16xi32>
    %add3A_220 = vector.broadcast %add3A_144 : i32 to vector<16xi32>
    %add3A_221 = arith.addi %get3A_219, %add3A_220 : vector<16xi32>
    %swap3A_222 = arith.constant 128 : index
    %swap3A_223 = tpu.vector_load %arg8[%swap3A_222] {strides = array<i32>} : memref<160xi32, #tpu.memory_space<vmem>>, vector<16xi32>,
    %swap3A_224 = vector.shape_cast %swap3A_223 : vector<16xi32> to vector<16xi32>
    %swap3A_225 = vector.shape_cast %add3A_221 : vector<16xi32> to vector<16xi32>
    tpu.vector_store %arg8[%swap3A_222], %swap3A_225 {strides = array<i32>} : memref<160xi32, #tpu.memory_space<vmem>>, vector<16xi32>,
    %get3A_226 = arith.constant 144 : index
    %get3A_227 = tpu.vector_load %arg7[%get3A_226] {strides = array<i32>} : memref<160xi32, #tpu.memory_space<vmem>>, vector<16xi32>,
    %get3A_228 = vector.shape_cast %get3A_227 : vector<16xi32> to vector<16xi32>
    %add3A_229 = vector.broadcast %add3A_144 : i32 to vector<16xi32>
    %add3A_230 = arith.addi %get3A_228, %add3A_229 : vector<16xi32>
    %swap3A_231 = arith.constant 144 : index
    %swap3A_232 = tpu.vector_load %arg8[%swap3A_231] {strides = array<i32>} : memref<160xi32, #tpu.memory_space<vmem>>, vector<16xi32>,
    %swap3A_233 = vector.shape_cast %swap3A_232 : vector<16xi32> to vector<16xi32>
    %swap3A_234 = vector.shape_cast %add3A_230 : vector<16xi32> to vector<16xi32>
    tpu.vector_store %arg8[%swap3A_231], %swap3A_234 {strides = array<i32>} : memref<160xi32, #tpu.memory_space<vmem>>, vector<16xi32>,
    %dma_start3A_235 = arith.constant 0 : i32
    %dma_start3A_236 = tpu.memref_slice %arg3[%dma_start3A_235] : memref<537600xf32, #tpu.memory_space<hbm>> -> memref<537600xf32, #tpu.memory_space<hbm>>
    tpu.enqueue_indirect_dma source(%dma_start3A_236 : memref<537600xf32, #tpu.memory_space<hbm>>) target(%arg9 : memref<160xf32, #tpu.memory_space<vmem>>) offsets(%arg8 : memref<160xi32, #tpu.memory_space<vmem>>) semaphore(%arg11 : memref<!tpu.dma_semaphore, #tpu.memory_space<semaphore_mem>>)
    %dma_wait3A_237 = arith.constant 0 : i32
    %dma_wait3A_238 = tpu.memref_slice %arg3[%dma_wait3A_237] : memref<537600xf32, #tpu.memory_space<hbm>> -> memref<537600xf32, #tpu.memory_space<hbm>>
    tpu.wait_indirect_dma semaphore(%arg11 : memref<!tpu.dma_semaphore, #tpu.memory_space<semaphore_mem>>) src(%dma_wait3A_238 : memref<537600xf32, #tpu.memory_space<hbm>>) dst(%arg9 : memref<160xf32, #tpu.memory_space<vmem>>)
    %mul3A_239 = arith.constant 4 : i32
    %mul3A_240 = arith.muli %select_n3A, %mul3A_239 : i32
    %add3A_241 = arith.constant 1 : i32
    %add3A_242 = arith.addi %mul3A_240, %add3A_241 : i32
    %mul3A_243 = arith.constant 320 : i32
    %mul3A_244 = arith.muli %add3A_242, %mul3A_243 : i32
    %add3A_245 = arith.addi %mul3A_244, %mul3A_32 : i32
    "tpu.region"() ({
      %run_scoped3A = tpu.sem_alloc : memref<!tpu.dma_semaphore, #tpu.memory_space<semaphore_mem>>
      %dma_start3A_456 = tpu.memref_slice %arg5[%add3A_245] : memref<20480xf32, #tpu.memory_space<hbm>> -> memref<160xf32, #tpu.memory_space<hbm>>
      %dma_start3A_457 = tpu.memref_slice %arg5[%add3A_245] : memref<20480xf32, #tpu.memory_space<hbm>> -> memref<160xf32, #tpu.memory_space<hbm>>
      tpu.enqueue_dma source(%arg9 : memref<160xf32, #tpu.memory_space<vmem>>) target(%dma_start3A_457 : memref<160xf32, #tpu.memory_space<hbm>>) target_semaphore(%run_scoped3A : memref<!tpu.dma_semaphore, #tpu.memory_space<semaphore_mem>>)
      %dma_wait3A_458 = tpu.memref_slice %arg5[%add3A_245] : memref<20480xf32, #tpu.memory_space<hbm>> -> memref<160xf32, #tpu.memory_space<hbm>>
      %dma_wait3A_459 = tpu.memref_slice %arg5[%add3A_245] : memref<20480xf32, #tpu.memory_space<hbm>> -> memref<160xf32, #tpu.memory_space<hbm>>
      tpu.wait_dma2 semaphore(%run_scoped3A : memref<!tpu.dma_semaphore, #tpu.memory_space<semaphore_mem>>) src(%arg9 : memref<160xf32, #tpu.memory_space<vmem>>) dst(%dma_wait3A_459 : memref<160xf32, #tpu.memory_space<hbm>>)
      tpu.yield
    }) : () -> ()
    %mul3A_246 = arith.constant 25200 : i32
    %mul3A_247 = arith.muli %mul3A_246, %select_n3A : i32
    %add3A_248 = arith.constant 16800 : i32
    %add3A_249 = arith.addi %mul3A_247, %add3A_248 : i32
    %get3A_250 = arith.constant 0 : index
    %get3A_251 = tpu.vector_load %arg7[%get3A_250] {strides = array<i32>} : memref<160xi32, #tpu.memory_space<vmem>>, vector<16xi32>,
    %get3A_252 = vector.shape_cast %get3A_251 : vector<16xi32> to vector<16xi32>
    %add3A_253 = vector.broadcast %add3A_249 : i32 to vector<16xi32>
    %add3A_254 = arith.addi %get3A_252, %add3A_253 : vector<16xi32>
    %swap3A_255 = arith.constant 0 : index
    %swap3A_256 = tpu.vector_load %arg8[%swap3A_255] {strides = array<i32>} : memref<160xi32, #tpu.memory_space<vmem>>, vector<16xi32>,
    %swap3A_257 = vector.shape_cast %swap3A_256 : vector<16xi32> to vector<16xi32>
    %swap3A_258 = vector.shape_cast %add3A_254 : vector<16xi32> to vector<16xi32>
    tpu.vector_store %arg8[%swap3A_255], %swap3A_258 {strides = array<i32>} : memref<160xi32, #tpu.memory_space<vmem>>, vector<16xi32>,
    %get3A_259 = arith.constant 16 : index
    %get3A_260 = tpu.vector_load %arg7[%get3A_259] {strides = array<i32>} : memref<160xi32, #tpu.memory_space<vmem>>, vector<16xi32>,
    %get3A_261 = vector.shape_cast %get3A_260 : vector<16xi32> to vector<16xi32>
    %add3A_262 = vector.broadcast %add3A_249 : i32 to vector<16xi32>
    %add3A_263 = arith.addi %get3A_261, %add3A_262 : vector<16xi32>
    %swap3A_264 = arith.constant 16 : index
    %swap3A_265 = tpu.vector_load %arg8[%swap3A_264] {strides = array<i32>} : memref<160xi32, #tpu.memory_space<vmem>>, vector<16xi32>,
    %swap3A_266 = vector.shape_cast %swap3A_265 : vector<16xi32> to vector<16xi32>
    %swap3A_267 = vector.shape_cast %add3A_263 : vector<16xi32> to vector<16xi32>
    tpu.vector_store %arg8[%swap3A_264], %swap3A_267 {strides = array<i32>} : memref<160xi32, #tpu.memory_space<vmem>>, vector<16xi32>,
    %get3A_268 = arith.constant 32 : index
    %get3A_269 = tpu.vector_load %arg7[%get3A_268] {strides = array<i32>} : memref<160xi32, #tpu.memory_space<vmem>>, vector<16xi32>,
    %get3A_270 = vector.shape_cast %get3A_269 : vector<16xi32> to vector<16xi32>
    %add3A_271 = vector.broadcast %add3A_249 : i32 to vector<16xi32>
    %add3A_272 = arith.addi %get3A_270, %add3A_271 : vector<16xi32>
    %swap3A_273 = arith.constant 32 : index
    %swap3A_274 = tpu.vector_load %arg8[%swap3A_273] {strides = array<i32>} : memref<160xi32, #tpu.memory_space<vmem>>, vector<16xi32>,
    %swap3A_275 = vector.shape_cast %swap3A_274 : vector<16xi32> to vector<16xi32>
    %swap3A_276 = vector.shape_cast %add3A_272 : vector<16xi32> to vector<16xi32>
    tpu.vector_store %arg8[%swap3A_273], %swap3A_276 {strides = array<i32>} : memref<160xi32, #tpu.memory_space<vmem>>, vector<16xi32>,
    %get3A_277 = arith.constant 48 : index
    %get3A_278 = tpu.vector_load %arg7[%get3A_277] {strides = array<i32>} : memref<160xi32, #tpu.memory_space<vmem>>, vector<16xi32>,
    %get3A_279 = vector.shape_cast %get3A_278 : vector<16xi32> to vector<16xi32>
    %add3A_280 = vector.broadcast %add3A_249 : i32 to vector<16xi32>
    %add3A_281 = arith.addi %get3A_279, %add3A_280 : vector<16xi32>
    %swap3A_282 = arith.constant 48 : index
    %swap3A_283 = tpu.vector_load %arg8[%swap3A_282] {strides = array<i32>} : memref<160xi32, #tpu.memory_space<vmem>>, vector<16xi32>,
    %swap3A_284 = vector.shape_cast %swap3A_283 : vector<16xi32> to vector<16xi32>
    %swap3A_285 = vector.shape_cast %add3A_281 : vector<16xi32> to vector<16xi32>
    tpu.vector_store %arg8[%swap3A_282], %swap3A_285 {strides = array<i32>} : memref<160xi32, #tpu.memory_space<vmem>>, vector<16xi32>,
    %get3A_286 = arith.constant 64 : index
    %get3A_287 = tpu.vector_load %arg7[%get3A_286] {strides = array<i32>} : memref<160xi32, #tpu.memory_space<vmem>>, vector<16xi32>,
    %get3A_288 = vector.shape_cast %get3A_287 : vector<16xi32> to vector<16xi32>
    %add3A_289 = vector.broadcast %add3A_249 : i32 to vector<16xi32>
    %add3A_290 = arith.addi %get3A_288, %add3A_289 : vector<16xi32>
    %swap3A_291 = arith.constant 64 : index
    %swap3A_292 = tpu.vector_load %arg8[%swap3A_291] {strides = array<i32>} : memref<160xi32, #tpu.memory_space<vmem>>, vector<16xi32>,
    %swap3A_293 = vector.shape_cast %swap3A_292 : vector<16xi32> to vector<16xi32>
    %swap3A_294 = vector.shape_cast %add3A_290 : vector<16xi32> to vector<16xi32>
    tpu.vector_store %arg8[%swap3A_291], %swap3A_294 {strides = array<i32>} : memref<160xi32, #tpu.memory_space<vmem>>, vector<16xi32>,
    %get3A_295 = arith.constant 80 : index
    %get3A_296 = tpu.vector_load %arg7[%get3A_295] {strides = array<i32>} : memref<160xi32, #tpu.memory_space<vmem>>, vector<16xi32>,
    %get3A_297 = vector.shape_cast %get3A_296 : vector<16xi32> to vector<16xi32>
    %add3A_298 = vector.broadcast %add3A_249 : i32 to vector<16xi32>
    %add3A_299 = arith.addi %get3A_297, %add3A_298 : vector<16xi32>
    %swap3A_300 = arith.constant 80 : index
    %swap3A_301 = tpu.vector_load %arg8[%swap3A_300] {strides = array<i32>} : memref<160xi32, #tpu.memory_space<vmem>>, vector<16xi32>,
    %swap3A_302 = vector.shape_cast %swap3A_301 : vector<16xi32> to vector<16xi32>
    %swap3A_303 = vector.shape_cast %add3A_299 : vector<16xi32> to vector<16xi32>
    tpu.vector_store %arg8[%swap3A_300], %swap3A_303 {strides = array<i32>} : memref<160xi32, #tpu.memory_space<vmem>>, vector<16xi32>,
    %get3A_304 = arith.constant 96 : index
    %get3A_305 = tpu.vector_load %arg7[%get3A_304] {strides = array<i32>} : memref<160xi32, #tpu.memory_space<vmem>>, vector<16xi32>,
    %get3A_306 = vector.shape_cast %get3A_305 : vector<16xi32> to vector<16xi32>
    %add3A_307 = vector.broadcast %add3A_249 : i32 to vector<16xi32>
    %add3A_308 = arith.addi %get3A_306, %add3A_307 : vector<16xi32>
    %swap3A_309 = arith.constant 96 : index
    %swap3A_310 = tpu.vector_load %arg8[%swap3A_309] {strides = array<i32>} : memref<160xi32, #tpu.memory_space<vmem>>, vector<16xi32>,
    %swap3A_311 = vector.shape_cast %swap3A_310 : vector<16xi32> to vector<16xi32>
    %swap3A_312 = vector.shape_cast %add3A_308 : vector<16xi32> to vector<16xi32>
    tpu.vector_store %arg8[%swap3A_309], %swap3A_312 {strides = array<i32>} : memref<160xi32, #tpu.memory_space<vmem>>, vector<16xi32>,
    %get3A_313 = arith.constant 112 : index
    %get3A_314 = tpu.vector_load %arg7[%get3A_313] {strides = array<i32>} : memref<160xi32, #tpu.memory_space<vmem>>, vector<16xi32>,
    %get3A_315 = vector.shape_cast %get3A_314 : vector<16xi32> to vector<16xi32>
    %add3A_316 = vector.broadcast %add3A_249 : i32 to vector<16xi32>
    %add3A_317 = arith.addi %get3A_315, %add3A_316 : vector<16xi32>
    %swap3A_318 = arith.constant 112 : index
    %swap3A_319 = tpu.vector_load %arg8[%swap3A_318] {strides = array<i32>} : memref<160xi32, #tpu.memory_space<vmem>>, vector<16xi32>,
    %swap3A_320 = vector.shape_cast %swap3A_319 : vector<16xi32> to vector<16xi32>
    %swap3A_321 = vector.shape_cast %add3A_317 : vector<16xi32> to vector<16xi32>
    tpu.vector_store %arg8[%swap3A_318], %swap3A_321 {strides = array<i32>} : memref<160xi32, #tpu.memory_space<vmem>>, vector<16xi32>,
    %get3A_322 = arith.constant 128 : index
    %get3A_323 = tpu.vector_load %arg7[%get3A_322] {strides = array<i32>} : memref<160xi32, #tpu.memory_space<vmem>>, vector<16xi32>,
    %get3A_324 = vector.shape_cast %get3A_323 : vector<16xi32> to vector<16xi32>
    %add3A_325 = vector.broadcast %add3A_249 : i32 to vector<16xi32>
    %add3A_326 = arith.addi %get3A_324, %add3A_325 : vector<16xi32>
    %swap3A_327 = arith.constant 128 : index
    %swap3A_328 = tpu.vector_load %arg8[%swap3A_327] {strides = array<i32>} : memref<160xi32, #tpu.memory_space<vmem>>, vector<16xi32>,
    %swap3A_329 = vector.shape_cast %swap3A_328 : vector<16xi32> to vector<16xi32>
    %swap3A_330 = vector.shape_cast %add3A_326 : vector<16xi32> to vector<16xi32>
    tpu.vector_store %arg8[%swap3A_327], %swap3A_330 {strides = array<i32>} : memref<160xi32, #tpu.memory_space<vmem>>, vector<16xi32>,
    %get3A_331 = arith.constant 144 : index
    %get3A_332 = tpu.vector_load %arg7[%get3A_331] {strides = array<i32>} : memref<160xi32, #tpu.memory_space<vmem>>, vector<16xi32>,
    %get3A_333 = vector.shape_cast %get3A_332 : vector<16xi32> to vector<16xi32>
    %add3A_334 = vector.broadcast %add3A_249 : i32 to vector<16xi32>
    %add3A_335 = arith.addi %get3A_333, %add3A_334 : vector<16xi32>
    %swap3A_336 = arith.constant 144 : index
    %swap3A_337 = tpu.vector_load %arg8[%swap3A_336] {strides = array<i32>} : memref<160xi32, #tpu.memory_space<vmem>>, vector<16xi32>,
    %swap3A_338 = vector.shape_cast %swap3A_337 : vector<16xi32> to vector<16xi32>
    %swap3A_339 = vector.shape_cast %add3A_335 : vector<16xi32> to vector<16xi32>
    tpu.vector_store %arg8[%swap3A_336], %swap3A_339 {strides = array<i32>} : memref<160xi32, #tpu.memory_space<vmem>>, vector<16xi32>,
    %dma_start3A_340 = arith.constant 0 : i32
    %dma_start3A_341 = tpu.memref_slice %arg3[%dma_start3A_340] : memref<537600xf32, #tpu.memory_space<hbm>> -> memref<537600xf32, #tpu.memory_space<hbm>>
    tpu.enqueue_indirect_dma source(%dma_start3A_341 : memref<537600xf32, #tpu.memory_space<hbm>>) target(%arg9 : memref<160xf32, #tpu.memory_space<vmem>>) offsets(%arg8 : memref<160xi32, #tpu.memory_space<vmem>>) semaphore(%arg11 : memref<!tpu.dma_semaphore, #tpu.memory_space<semaphore_mem>>)
    %dma_wait3A_342 = arith.constant 0 : i32
    %dma_wait3A_343 = tpu.memref_slice %arg3[%dma_wait3A_342] : memref<537600xf32, #tpu.memory_space<hbm>> -> memref<537600xf32, #tpu.memory_space<hbm>>
    tpu.wait_indirect_dma semaphore(%arg11 : memref<!tpu.dma_semaphore, #tpu.memory_space<semaphore_mem>>) src(%dma_wait3A_343 : memref<537600xf32, #tpu.memory_space<hbm>>) dst(%arg9 : memref<160xf32, #tpu.memory_space<vmem>>)
    %mul3A_344 = arith.constant 4 : i32
    %mul3A_345 = arith.muli %select_n3A, %mul3A_344 : i32
    %add3A_346 = arith.constant 2 : i32
    %add3A_347 = arith.addi %mul3A_345, %add3A_346 : i32
    %mul3A_348 = arith.constant 320 : i32
    %mul3A_349 = arith.muli %add3A_347, %mul3A_348 : i32
    %add3A_350 = arith.addi %mul3A_349, %mul3A_32 : i32
    "tpu.region"() ({
      %run_scoped3A = tpu.sem_alloc : memref<!tpu.dma_semaphore, #tpu.memory_space<semaphore_mem>>
      %dma_start3A_456 = tpu.memref_slice %arg5[%add3A_350] : memref<20480xf32, #tpu.memory_space<hbm>> -> memref<160xf32, #tpu.memory_space<hbm>>
      %dma_start3A_457 = tpu.memref_slice %arg5[%add3A_350] : memref<20480xf32, #tpu.memory_space<hbm>> -> memref<160xf32, #tpu.memory_space<hbm>>
      tpu.enqueue_dma source(%arg9 : memref<160xf32, #tpu.memory_space<vmem>>) target(%dma_start3A_457 : memref<160xf32, #tpu.memory_space<hbm>>) target_semaphore(%run_scoped3A : memref<!tpu.dma_semaphore, #tpu.memory_space<semaphore_mem>>)
      %dma_wait3A_458 = tpu.memref_slice %arg5[%add3A_350] : memref<20480xf32, #tpu.memory_space<hbm>> -> memref<160xf32, #tpu.memory_space<hbm>>
      %dma_wait3A_459 = tpu.memref_slice %arg5[%add3A_350] : memref<20480xf32, #tpu.memory_space<hbm>> -> memref<160xf32, #tpu.memory_space<hbm>>
      tpu.wait_dma2 semaphore(%run_scoped3A : memref<!tpu.dma_semaphore, #tpu.memory_space<semaphore_mem>>) src(%arg9 : memref<160xf32, #tpu.memory_space<vmem>>) dst(%dma_wait3A_459 : memref<160xf32, #tpu.memory_space<hbm>>)
      tpu.yield
    }) : () -> ()
    %mul3A_351 = arith.constant 25200 : i32
    %mul3A_352 = arith.muli %mul3A_351, %select_n3A : i32
    %add3A_353 = arith.constant 25200 : i32
    %add3A_354 = arith.addi %mul3A_352, %add3A_353 : i32
    %get3A_355 = arith.constant 0 : index
    %get3A_356 = tpu.vector_load %arg7[%get3A_355] {strides = array<i32>} : memref<160xi32, #tpu.memory_space<vmem>>, vector<16xi32>,
    %get3A_357 = vector.shape_cast %get3A_356 : vector<16xi32> to vector<16xi32>
    %add3A_358 = vector.broadcast %add3A_354 : i32 to vector<16xi32>
    %add3A_359 = arith.addi %get3A_357, %add3A_358 : vector<16xi32>
    %swap3A_360 = arith.constant 0 : index
    %swap3A_361 = tpu.vector_load %arg8[%swap3A_360] {strides = array<i32>} : memref<160xi32, #tpu.memory_space<vmem>>, vector<16xi32>,
    %swap3A_362 = vector.shape_cast %swap3A_361 : vector<16xi32> to vector<16xi32>
    %swap3A_363 = vector.shape_cast %add3A_359 : vector<16xi32> to vector<16xi32>
    tpu.vector_store %arg8[%swap3A_360], %swap3A_363 {strides = array<i32>} : memref<160xi32, #tpu.memory_space<vmem>>, vector<16xi32>,
    %get3A_364 = arith.constant 16 : index
    %get3A_365 = tpu.vector_load %arg7[%get3A_364] {strides = array<i32>} : memref<160xi32, #tpu.memory_space<vmem>>, vector<16xi32>,
    %get3A_366 = vector.shape_cast %get3A_365 : vector<16xi32> to vector<16xi32>
    %add3A_367 = vector.broadcast %add3A_354 : i32 to vector<16xi32>
    %add3A_368 = arith.addi %get3A_366, %add3A_367 : vector<16xi32>
    %swap3A_369 = arith.constant 16 : index
    %swap3A_370 = tpu.vector_load %arg8[%swap3A_369] {strides = array<i32>} : memref<160xi32, #tpu.memory_space<vmem>>, vector<16xi32>,
    %swap3A_371 = vector.shape_cast %swap3A_370 : vector<16xi32> to vector<16xi32>
    %swap3A_372 = vector.shape_cast %add3A_368 : vector<16xi32> to vector<16xi32>
    tpu.vector_store %arg8[%swap3A_369], %swap3A_372 {strides = array<i32>} : memref<160xi32, #tpu.memory_space<vmem>>, vector<16xi32>,
    %get3A_373 = arith.constant 32 : index
    %get3A_374 = tpu.vector_load %arg7[%get3A_373] {strides = array<i32>} : memref<160xi32, #tpu.memory_space<vmem>>, vector<16xi32>,
    %get3A_375 = vector.shape_cast %get3A_374 : vector<16xi32> to vector<16xi32>
    %add3A_376 = vector.broadcast %add3A_354 : i32 to vector<16xi32>
    %add3A_377 = arith.addi %get3A_375, %add3A_376 : vector<16xi32>
    %swap3A_378 = arith.constant 32 : index
    %swap3A_379 = tpu.vector_load %arg8[%swap3A_378] {strides = array<i32>} : memref<160xi32, #tpu.memory_space<vmem>>, vector<16xi32>,
    %swap3A_380 = vector.shape_cast %swap3A_379 : vector<16xi32> to vector<16xi32>
    %swap3A_381 = vector.shape_cast %add3A_377 : vector<16xi32> to vector<16xi32>
    tpu.vector_store %arg8[%swap3A_378], %swap3A_381 {strides = array<i32>} : memref<160xi32, #tpu.memory_space<vmem>>, vector<16xi32>,
    %get3A_382 = arith.constant 48 : index
    %get3A_383 = tpu.vector_load %arg7[%get3A_382] {strides = array<i32>} : memref<160xi32, #tpu.memory_space<vmem>>, vector<16xi32>,
    %get3A_384 = vector.shape_cast %get3A_383 : vector<16xi32> to vector<16xi32>
    %add3A_385 = vector.broadcast %add3A_354 : i32 to vector<16xi32>
    %add3A_386 = arith.addi %get3A_384, %add3A_385 : vector<16xi32>
    %swap3A_387 = arith.constant 48 : index
    %swap3A_388 = tpu.vector_load %arg8[%swap3A_387] {strides = array<i32>} : memref<160xi32, #tpu.memory_space<vmem>>, vector<16xi32>,
    %swap3A_389 = vector.shape_cast %swap3A_388 : vector<16xi32> to vector<16xi32>
    %swap3A_390 = vector.shape_cast %add3A_386 : vector<16xi32> to vector<16xi32>
    tpu.vector_store %arg8[%swap3A_387], %swap3A_390 {strides = array<i32>} : memref<160xi32, #tpu.memory_space<vmem>>, vector<16xi32>,
    %get3A_391 = arith.constant 64 : index
    %get3A_392 = tpu.vector_load %arg7[%get3A_391] {strides = array<i32>} : memref<160xi32, #tpu.memory_space<vmem>>, vector<16xi32>,
    %get3A_393 = vector.shape_cast %get3A_392 : vector<16xi32> to vector<16xi32>
    %add3A_394 = vector.broadcast %add3A_354 : i32 to vector<16xi32>
    %add3A_395 = arith.addi %get3A_393, %add3A_394 : vector<16xi32>
    %swap3A_396 = arith.constant 64 : index
    %swap3A_397 = tpu.vector_load %arg8[%swap3A_396] {strides = array<i32>} : memref<160xi32, #tpu.memory_space<vmem>>, vector<16xi32>,
    %swap3A_398 = vector.shape_cast %swap3A_397 : vector<16xi32> to vector<16xi32>
    %swap3A_399 = vector.shape_cast %add3A_395 : vector<16xi32> to vector<16xi32>
    tpu.vector_store %arg8[%swap3A_396], %swap3A_399 {strides = array<i32>} : memref<160xi32, #tpu.memory_space<vmem>>, vector<16xi32>,
    %get3A_400 = arith.constant 80 : index
    %get3A_401 = tpu.vector_load %arg7[%get3A_400] {strides = array<i32>} : memref<160xi32, #tpu.memory_space<vmem>>, vector<16xi32>,
    %get3A_402 = vector.shape_cast %get3A_401 : vector<16xi32> to vector<16xi32>
    %add3A_403 = vector.broadcast %add3A_354 : i32 to vector<16xi32>
    %add3A_404 = arith.addi %get3A_402, %add3A_403 : vector<16xi32>
    %swap3A_405 = arith.constant 80 : index
    %swap3A_406 = tpu.vector_load %arg8[%swap3A_405] {strides = array<i32>} : memref<160xi32, #tpu.memory_space<vmem>>, vector<16xi32>,
    %swap3A_407 = vector.shape_cast %swap3A_406 : vector<16xi32> to vector<16xi32>
    %swap3A_408 = vector.shape_cast %add3A_404 : vector<16xi32> to vector<16xi32>
    tpu.vector_store %arg8[%swap3A_405], %swap3A_408 {strides = array<i32>} : memref<160xi32, #tpu.memory_space<vmem>>, vector<16xi32>,
    %get3A_409 = arith.constant 96 : index
    %get3A_410 = tpu.vector_load %arg7[%get3A_409] {strides = array<i32>} : memref<160xi32, #tpu.memory_space<vmem>>, vector<16xi32>,
    %get3A_411 = vector.shape_cast %get3A_410 : vector<16xi32> to vector<16xi32>
    %add3A_412 = vector.broadcast %add3A_354 : i32 to vector<16xi32>
    %add3A_413 = arith.addi %get3A_411, %add3A_412 : vector<16xi32>
    %swap3A_414 = arith.constant 96 : index
    %swap3A_415 = tpu.vector_load %arg8[%swap3A_414] {strides = array<i32>} : memref<160xi32, #tpu.memory_space<vmem>>, vector<16xi32>,
    %swap3A_416 = vector.shape_cast %swap3A_415 : vector<16xi32> to vector<16xi32>
    %swap3A_417 = vector.shape_cast %add3A_413 : vector<16xi32> to vector<16xi32>
    tpu.vector_store %arg8[%swap3A_414], %swap3A_417 {strides = array<i32>} : memref<160xi32, #tpu.memory_space<vmem>>, vector<16xi32>,
    %get3A_418 = arith.constant 112 : index
    %get3A_419 = tpu.vector_load %arg7[%get3A_418] {strides = array<i32>} : memref<160xi32, #tpu.memory_space<vmem>>, vector<16xi32>,
    %get3A_420 = vector.shape_cast %get3A_419 : vector<16xi32> to vector<16xi32>
    %add3A_421 = vector.broadcast %add3A_354 : i32 to vector<16xi32>
    %add3A_422 = arith.addi %get3A_420, %add3A_421 : vector<16xi32>
    %swap3A_423 = arith.constant 112 : index
    %swap3A_424 = tpu.vector_load %arg8[%swap3A_423] {strides = array<i32>} : memref<160xi32, #tpu.memory_space<vmem>>, vector<16xi32>,
    %swap3A_425 = vector.shape_cast %swap3A_424 : vector<16xi32> to vector<16xi32>
    %swap3A_426 = vector.shape_cast %add3A_422 : vector<16xi32> to vector<16xi32>
    tpu.vector_store %arg8[%swap3A_423], %swap3A_426 {strides = array<i32>} : memref<160xi32, #tpu.memory_space<vmem>>, vector<16xi32>,
    %get3A_427 = arith.constant 128 : index
    %get3A_428 = tpu.vector_load %arg7[%get3A_427] {strides = array<i32>} : memref<160xi32, #tpu.memory_space<vmem>>, vector<16xi32>,
    %get3A_429 = vector.shape_cast %get3A_428 : vector<16xi32> to vector<16xi32>
    %add3A_430 = vector.broadcast %add3A_354 : i32 to vector<16xi32>
    %add3A_431 = arith.addi %get3A_429, %add3A_430 : vector<16xi32>
    %swap3A_432 = arith.constant 128 : index
    %swap3A_433 = tpu.vector_load %arg8[%swap3A_432] {strides = array<i32>} : memref<160xi32, #tpu.memory_space<vmem>>, vector<16xi32>,
    %swap3A_434 = vector.shape_cast %swap3A_433 : vector<16xi32> to vector<16xi32>
    %swap3A_435 = vector.shape_cast %add3A_431 : vector<16xi32> to vector<16xi32>
    tpu.vector_store %arg8[%swap3A_432], %swap3A_435 {strides = array<i32>} : memref<160xi32, #tpu.memory_space<vmem>>, vector<16xi32>,
    %get3A_436 = arith.constant 144 : index
    %get3A_437 = tpu.vector_load %arg7[%get3A_436] {strides = array<i32>} : memref<160xi32, #tpu.memory_space<vmem>>, vector<16xi32>,
    %get3A_438 = vector.shape_cast %get3A_437 : vector<16xi32> to vector<16xi32>
    %add3A_439 = vector.broadcast %add3A_354 : i32 to vector<16xi32>
    %add3A_440 = arith.addi %get3A_438, %add3A_439 : vector<16xi32>
    %swap3A_441 = arith.constant 144 : index
    %swap3A_442 = tpu.vector_load %arg8[%swap3A_441] {strides = array<i32>} : memref<160xi32, #tpu.memory_space<vmem>>, vector<16xi32>,
    %swap3A_443 = vector.shape_cast %swap3A_442 : vector<16xi32> to vector<16xi32>
    %swap3A_444 = vector.shape_cast %add3A_440 : vector<16xi32> to vector<16xi32>
    tpu.vector_store %arg8[%swap3A_441], %swap3A_444 {strides = array<i32>} : memref<160xi32, #tpu.memory_space<vmem>>, vector<16xi32>,
    %dma_start3A_445 = arith.constant 0 : i32
    %dma_start3A_446 = tpu.memref_slice %arg3[%dma_start3A_445] : memref<537600xf32, #tpu.memory_space<hbm>> -> memref<537600xf32, #tpu.memory_space<hbm>>
    tpu.enqueue_indirect_dma source(%dma_start3A_446 : memref<537600xf32, #tpu.memory_space<hbm>>) target(%arg9 : memref<160xf32, #tpu.memory_space<vmem>>) offsets(%arg8 : memref<160xi32, #tpu.memory_space<vmem>>) semaphore(%arg11 : memref<!tpu.dma_semaphore, #tpu.memory_space<semaphore_mem>>)
    %dma_wait3A_447 = arith.constant 0 : i32
    %dma_wait3A_448 = tpu.memref_slice %arg3[%dma_wait3A_447] : memref<537600xf32, #tpu.memory_space<hbm>> -> memref<537600xf32, #tpu.memory_space<hbm>>
    tpu.wait_indirect_dma semaphore(%arg11 : memref<!tpu.dma_semaphore, #tpu.memory_space<semaphore_mem>>) src(%dma_wait3A_448 : memref<537600xf32, #tpu.memory_space<hbm>>) dst(%arg9 : memref<160xf32, #tpu.memory_space<vmem>>)
    %mul3A_449 = arith.constant 4 : i32
    %mul3A_450 = arith.muli %select_n3A, %mul3A_449 : i32
    %add3A_451 = arith.constant 3 : i32
    %add3A_452 = arith.addi %mul3A_450, %add3A_451 : i32
    %mul3A_453 = arith.constant 320 : i32
    %mul3A_454 = arith.muli %add3A_452, %mul3A_453 : i32
    %add3A_455 = arith.addi %mul3A_454, %mul3A_32 : i32
    "tpu.region"() ({
      %run_scoped3A = tpu.sem_alloc : memref<!tpu.dma_semaphore, #tpu.memory_space<semaphore_mem>>
      %dma_start3A_456 = tpu.memref_slice %arg5[%add3A_455] : memref<20480xf32, #tpu.memory_space<hbm>> -> memref<160xf32, #tpu.memory_space<hbm>>
      %dma_start3A_457 = tpu.memref_slice %arg5[%add3A_455] : memref<20480xf32, #tpu.memory_space<hbm>> -> memref<160xf32, #tpu.memory_space<hbm>>
      tpu.enqueue_dma source(%arg9 : memref<160xf32, #tpu.memory_space<vmem>>) target(%dma_start3A_457 : memref<160xf32, #tpu.memory_space<hbm>>) target_semaphore(%run_scoped3A : memref<!tpu.dma_semaphore, #tpu.memory_space<semaphore_mem>>)
      %dma_wait3A_458 = tpu.memref_slice %arg5[%add3A_455] : memref<20480xf32, #tpu.memory_space<hbm>> -> memref<160xf32, #tpu.memory_space<hbm>>
      %dma_wait3A_459 = tpu.memref_slice %arg5[%add3A_455] : memref<20480xf32, #tpu.memory_space<hbm>> -> memref<160xf32, #tpu.memory_space<hbm>>
      tpu.wait_dma2 semaphore(%run_scoped3A : memref<!tpu.dma_semaphore, #tpu.memory_space<semaphore_mem>>) src(%arg9 : memref<160xf32, #tpu.memory_space<vmem>>) dst(%dma_wait3A_459 : memref<160xf32, #tpu.memory_space<hbm>>)
      tpu.yield
    }) : () -> ()
    return
  }
}

module attributes {stable_mosaic.version = 14 : i64} {
  func.func @_topk_body(%arg0: memref<16x8400xf32, #tpu.memory_space<vmem>>, %arg1: memref<16x320xf32, #tpu.memory_space<vmem>>, %arg2: memref<16x320xi32, #tpu.memory_space<vmem>>, %arg3: memref<16x8400xf32, #tpu.memory_space<vmem>>) attributes {dimension_semantics = [], scalar_prefetch = 0 : i64, scratch_operands = 1 : i64, tpu.core_type = #tpu.core_type<tc>} {
    %get3A = arith.constant 0 : index
    %get3A_0 = arith.constant 0 : index
    %get3A_1 = vector.load %arg0[%get3A, %get3A_0] : memref<16x8400xf32, #tpu.memory_space<vmem>>, vector<16x8400xf32>
    %swap3A = arith.constant 0 : index
    %swap3A_2 = arith.constant 0 : index
    %swap3A_3 = vector.load %arg3[%swap3A, %swap3A_2] : memref<16x8400xf32, #tpu.memory_space<vmem>>, vector<16x8400xf32>
    tpu.vector_store %arg3[%swap3A, %swap3A_2], %get3A_1 {strides = array<i32>} : memref<16x8400xf32, #tpu.memory_space<vmem>>, vector<16x8400xf32>,
    %iota3A = tpu.iota {dimensions = array<i32: 0>} : vector<16x1xi32>
    %mul3A = arith.constant 8400 : i32
    %mul3A_4 = vector.broadcast %mul3A : i32 to vector<16x1xi32>
    %mul3A_5 = arith.muli %iota3A, %mul3A_4 : vector<16x1xi32>
    %iota3A_6 = tpu.iota {dimensions = array<i32: 1>} : vector<16x8400xi32>
    %iota3A_7 = tpu.iota {dimensions = array<i32: 1>} : vector<16x320xi32>
    %broadcast_in_dim3A = arith.constant 0.000000e+00 : f32
    %broadcast_in_dim3A_8 = vector.broadcast %broadcast_in_dim3A : f32 to vector<16x320xf32>
    %broadcast_in_dim3A_9 = arith.constant 0 : i32
    %broadcast_in_dim3A_10 = vector.broadcast %broadcast_in_dim3A_9 : i32 to vector<16x320xi32>
    %add3A = vector.broadcast %mul3A_5 : vector<16x1xi32> to vector<16x320xi32>
    %add3A_11 = arith.addi %broadcast_in_dim3A_10, %add3A : vector<16x320xi32>
    %scan3A = arith.constant 0 : i32
    %get3A_12 = arith.constant 0 : index
    %get3A_13 = arith.constant 0 : index
    %get3A_14 = vector.load %arg3[%get3A_12, %get3A_13] : memref<16x8400xf32, #tpu.memory_space<vmem>>, vector<16x8400xf32>
    %reduce_max3A = arith.constant dense<0xFF800000> : vector<16xf32>
    %reduce_max3A_15 = vector.multi_reduction <maximumf>, %get3A_14, %reduce_max3A [1] : vector<16x8400xf32> to vector<16xf32>
    %broadcast_in_dim3A_16 = vector.shape_cast %reduce_max3A_15 : vector<16xf32> to vector<16x1xf32>
    %eq3A = vector.broadcast %broadcast_in_dim3A_16 : vector<16x1xf32> to vector<16x8400xf32>
    %eq3A_17 = arith.cmpf oeq, %get3A_14, %eq3A : vector<16x8400xf32>
    %jit3A = arith.constant 8400 : i32
    %broadcast_in_dim3A_18 = vector.broadcast %jit3A : i32 to vector<16x8400xi32>
    %select_n3A = arith.select %eq3A_17, %iota3A_6, %broadcast_in_dim3A_18 : vector<16x8400xi1>, vector<16x8400xi32>
    %reduce_min3A = arith.constant dense<2147483647> : vector<16xi32>
    %reduce_min3A_19 = vector.multi_reduction <minsi>, %select_n3A, %reduce_min3A [1] : vector<16x8400xi32> to vector<16xi32>
    %broadcast_in_dim3A_20 = vector.shape_cast %reduce_min3A_19 : vector<16xi32> to vector<16x1xi32>
    %eq3A_21 = vector.broadcast %broadcast_in_dim3A_20 : vector<16x1xi32> to vector<16x8400xi32>
    %eq3A_22 = arith.cmpi eq, %iota3A_6, %eq3A_21 : vector<16x8400xi32>
    %jit3A_23 = arith.constant -1.000000e+00 : f32
    %broadcast_in_dim3A_24 = vector.broadcast %jit3A_23 : f32 to vector<16x8400xf32>
    %select_n3A_25 = arith.select %eq3A_22, %broadcast_in_dim3A_24, %get3A_14 : vector<16x8400xi1>, vector<16x8400xf32>
    %swap3A_26 = arith.constant 0 : index
    %swap3A_27 = arith.constant 0 : index
    %swap3A_28 = vector.load %arg3[%swap3A_26, %swap3A_27] : memref<16x8400xf32, #tpu.memory_space<vmem>>, vector<16x8400xf32>
    tpu.vector_store %arg3[%swap3A_26, %swap3A_27], %select_n3A_25 {strides = array<i32>} : memref<16x8400xf32, #tpu.memory_space<vmem>>, vector<16x8400xf32>,
    %eq3A_29 = vector.broadcast %scan3A : i32 to vector<16x320xi32>
    %eq3A_30 = arith.cmpi eq, %iota3A_7, %eq3A_29 : vector<16x320xi32>
    %broadcast_in_dim3A_31 = vector.shape_cast %broadcast_in_dim3A_16 : vector<16x1xf32> to vector<16x1xf32>
    %broadcast_in_dim3A_32 = vector.broadcast %broadcast_in_dim3A_31 : vector<16x1xf32> to vector<16x320xf32>
    %select_n3A_33 = arith.select %eq3A_30, %broadcast_in_dim3A_32, %broadcast_in_dim3A_8 : vector<16x320xi1>, vector<16x320xf32>
    %add3A_34 = arith.addi %broadcast_in_dim3A_20, %mul3A_5 : vector<16x1xi32>
    %broadcast_in_dim3A_35 = vector.shape_cast %add3A_34 : vector<16x1xi32> to vector<16x1xi32>
    %broadcast_in_dim3A_36 = vector.broadcast %broadcast_in_dim3A_35 : vector<16x1xi32> to vector<16x320xi32>
    %select_n3A_37 = arith.select %eq3A_30, %broadcast_in_dim3A_36, %add3A_11 : vector<16x320xi1>, vector<16x320xi32>
    %scan3A_38 = arith.constant 1 : i32
    %swap3A_39 = arith.constant 0 : index
    %swap3A_40 = arith.constant 0 : index
    %swap3A_41 = vector.load %arg1[%swap3A_39, %swap3A_40] : memref<16x320xf32, #tpu.memory_space<vmem>>, vector<16x320xf32>
    tpu.vector_store %arg1[%swap3A_39, %swap3A_40], %select_n3A_33 {strides = array<i32>} : memref<16x320xf32, #tpu.memory_space<vmem>>, vector<16x320xf32>,
    %swap3A_42 = arith.constant 0 : index
    %swap3A_43 = arith.constant 0 : index
    %swap3A_44 = vector.load %arg2[%swap3A_42, %swap3A_43] : memref<16x320xi32, #tpu.memory_space<vmem>>, vector<16x320xi32>
    tpu.vector_store %arg2[%swap3A_42, %swap3A_43], %select_n3A_37 {strides = array<i32>} : memref<16x320xi32, #tpu.memory_space<vmem>>, vector<16x320xi32>,
    return
  }
}

module attributes {stable_mosaic.version = 14 : i64} {
  func.func @_nms_body(%arg0: memref<16x4x320xf32, #tpu.memory_space<vmem>>, %arg1: memref<16x320xf32, #tpu.memory_space<vmem>>, %arg2: memref<16x320xi32, #tpu.memory_space<vmem>>, %arg3: memref<16x4x300xf32, #tpu.memory_space<vmem>>, %arg4: memref<16x300xf32, #tpu.memory_space<vmem>>, %arg5: memref<16x300xi32, #tpu.memory_space<vmem>>, %arg6: memref<38x16x8x320xf32, #tpu.memory_space<vmem>>) attributes {dimension_semantics = [], scalar_prefetch = 0 : i64, scratch_operands = 1 : i64, tpu.core_type = #tpu.core_type<tc>} {
    %get3A = arith.constant 0 : index
    %get3A_0 = arith.constant 0 : index
    %get3A_1 = arith.constant 0 : index
    %get3A_2 = vector.load %arg0[%get3A, %get3A_0, %get3A_1] : memref<16x4x320xf32, #tpu.memory_space<vmem>>, vector<16x1x320xf32>
    %get3A_3 = vector.shape_cast %get3A_2 : vector<16x1x320xf32> to vector<16x320xf32>
    %get3A_4 = arith.constant 0 : index
    %get3A_5 = arith.constant 1 : index
    %get3A_6 = arith.constant 0 : index
    %get3A_7 = vector.load %arg0[%get3A_4, %get3A_5, %get3A_6] : memref<16x4x320xf32, #tpu.memory_space<vmem>>, vector<16x1x320xf32>
    %get3A_8 = vector.shape_cast %get3A_7 : vector<16x1x320xf32> to vector<16x320xf32>
    %get3A_9 = arith.constant 0 : index
    %get3A_10 = arith.constant 2 : index
    %get3A_11 = arith.constant 0 : index
    %get3A_12 = vector.load %arg0[%get3A_9, %get3A_10, %get3A_11] : memref<16x4x320xf32, #tpu.memory_space<vmem>>, vector<16x1x320xf32>
    %get3A_13 = vector.shape_cast %get3A_12 : vector<16x1x320xf32> to vector<16x320xf32>
    %get3A_14 = arith.constant 0 : index
    %get3A_15 = arith.constant 3 : index
    %get3A_16 = arith.constant 0 : index
    %get3A_17 = vector.load %arg0[%get3A_14, %get3A_15, %get3A_16] : memref<16x4x320xf32, #tpu.memory_space<vmem>>, vector<16x1x320xf32>
    %get3A_18 = vector.shape_cast %get3A_17 : vector<16x1x320xf32> to vector<16x320xf32>
    %get3A_19 = arith.constant 0 : index
    %get3A_20 = arith.constant 0 : index
    %get3A_21 = vector.load %arg1[%get3A_19, %get3A_20] : memref<16x320xf32, #tpu.memory_space<vmem>>, vector<16x320xf32>
    %get3A_22 = arith.constant 0 : index
    %get3A_23 = arith.constant 0 : index
    %get3A_24 = vector.load %arg2[%get3A_22, %get3A_23] : memref<16x320xi32, #tpu.memory_space<vmem>>, vector<16x320xi32>
    %convert_element_type3A = arith.sitofp %get3A_24 : vector<16x320xi32> to vector<16x320xf32>
    %mul3A = arith.constant 4.096000e+03 : f32
    %mul3A_25 = vector.broadcast %mul3A : f32 to vector<16x320xf32>
    %mul3A_26 = arith.mulf %convert_element_type3A, %mul3A_25 : vector<16x320xf32>
    %add3A = arith.addf %get3A_3, %mul3A_26 : vector<16x320xf32>
    %add3A_27 = arith.addf %get3A_8, %mul3A_26 : vector<16x320xf32>
    %add3A_28 = arith.addf %get3A_13, %mul3A_26 : vector<16x320xf32>
    %add3A_29 = arith.addf %get3A_18, %mul3A_26 : vector<16x320xf32>
    %sub3A = arith.subf %add3A_28, %add3A : vector<16x320xf32>
    %sub3A_30 = arith.subf %add3A_29, %add3A_27 : vector<16x320xf32>
    %mul3A_31 = arith.mulf %sub3A, %sub3A_30 : vector<16x320xf32>
    %iota3A = tpu.iota {dimensions = array<i32: 1>} : vector<16x320xi32>
    %gt3A = arith.constant 0.000000e+00 : f32
    %gt3A_32 = vector.broadcast %gt3A : f32 to vector<16x320xf32>
    %gt3A_33 = arith.cmpf ogt, %get3A_21, %gt3A_32 : vector<16x320xf32>
    %lt3A = arith.constant 300 : i32
    %lt3A_34 = vector.broadcast %lt3A : i32 to vector<16x320xi32>
    %lt3A_35 = arith.cmpi slt, %iota3A, %lt3A_34 : vector<16x320xi32>
    %and3A = arith.andi %gt3A_33, %lt3A_35 : vector<16x320xi1>
    %jit3A = arith.constant 1.000000e+00 : f32
    %jit3A_36 = arith.constant 0.000000e+00 : f32
    %broadcast_in_dim3A = vector.broadcast %jit3A : f32 to vector<16x320xf32>
    %broadcast_in_dim3A_37 = vector.broadcast %jit3A_36 : f32 to vector<16x320xf32>
    %select_n3A = arith.select %and3A, %broadcast_in_dim3A, %broadcast_in_dim3A_37 : vector<16x320xi1>, vector<16x320xf32>
    %slice3A = vector.extract_strided_slice %add3A {offsets = [0, 0], sizes = [16, 8], strides = [1, 1]} : vector<16x320xf32> to vector<16x8xf32>
    %broadcast_in_dim3A_38 = vector.shape_cast %slice3A : vector<16x8xf32> to vector<16x8x1xf32>
    %slice3A_39 = vector.extract_strided_slice %add3A_27 {offsets = [0, 0], sizes = [16, 8], strides = [1, 1]} : vector<16x320xf32> to vector<16x8xf32>
    %broadcast_in_dim3A_40 = vector.shape_cast %slice3A_39 : vector<16x8xf32> to vector<16x8x1xf32>
    %slice3A_41 = vector.extract_strided_slice %add3A_28 {offsets = [0, 0], sizes = [16, 8], strides = [1, 1]} : vector<16x320xf32> to vector<16x8xf32>
    %broadcast_in_dim3A_42 = vector.shape_cast %slice3A_41 : vector<16x8xf32> to vector<16x8x1xf32>
    %slice3A_43 = vector.extract_strided_slice %add3A_29 {offsets = [0, 0], sizes = [16, 8], strides = [1, 1]} : vector<16x320xf32> to vector<16x8xf32>
    %broadcast_in_dim3A_44 = vector.shape_cast %slice3A_43 : vector<16x8xf32> to vector<16x8x1xf32>
    %slice3A_45 = vector.extract_strided_slice %mul3A_31 {offsets = [0, 0], sizes = [16, 8], strides = [1, 1]} : vector<16x320xf32> to vector<16x8xf32>
    %broadcast_in_dim3A_46 = vector.shape_cast %slice3A_45 : vector<16x8xf32> to vector<16x8x1xf32>
    %broadcast_in_dim3A_47 = vector.shape_cast %add3A_28 : vector<16x320xf32> to vector<16x1x320xf32>
    %min3A = vector.broadcast %broadcast_in_dim3A_47 : vector<16x1x320xf32> to vector<16x8x320xf32>
    %min3A_48 = vector.broadcast %broadcast_in_dim3A_42 : vector<16x8x1xf32> to vector<16x8x320xf32>
    %min3A_49 = arith.minimumf %min3A, %min3A_48 : vector<16x8x320xf32>
    %broadcast_in_dim3A_50 = vector.shape_cast %add3A : vector<16x320xf32> to vector<16x1x320xf32>
    %max3A = vector.broadcast %broadcast_in_dim3A_50 : vector<16x1x320xf32> to vector<16x8x320xf32>
    %max3A_51 = vector.broadcast %broadcast_in_dim3A_38 : vector<16x8x1xf32> to vector<16x8x320xf32>
    %max3A_52 = arith.maximumf %max3A, %max3A_51 : vector<16x8x320xf32>
    %sub3A_53 = arith.subf %min3A_49, %max3A_52 : vector<16x8x320xf32>
    %jit3A_54 = arith.constant 0.000000e+00 : f32
    %max3A_55 = vector.broadcast %jit3A_54 : f32 to vector<16x8x320xf32>
    %max3A_56 = arith.maximumf %max3A_55, %sub3A_53 : vector<16x8x320xf32>
    %broadcast_in_dim3A_57 = vector.shape_cast %add3A_29 : vector<16x320xf32> to vector<16x1x320xf32>
    %min3A_58 = vector.broadcast %broadcast_in_dim3A_57 : vector<16x1x320xf32> to vector<16x8x320xf32>
    %min3A_59 = vector.broadcast %broadcast_in_dim3A_44 : vector<16x8x1xf32> to vector<16x8x320xf32>
    %min3A_60 = arith.minimumf %min3A_58, %min3A_59 : vector<16x8x320xf32>
    %broadcast_in_dim3A_61 = vector.shape_cast %add3A_27 : vector<16x320xf32> to vector<16x1x320xf32>
    %max3A_62 = vector.broadcast %broadcast_in_dim3A_61 : vector<16x1x320xf32> to vector<16x8x320xf32>
    %max3A_63 = vector.broadcast %broadcast_in_dim3A_40 : vector<16x8x1xf32> to vector<16x8x320xf32>
    %max3A_64 = arith.maximumf %max3A_62, %max3A_63 : vector<16x8x320xf32>
    %sub3A_65 = arith.subf %min3A_60, %max3A_64 : vector<16x8x320xf32>
    %jit3A_66 = arith.constant 0.000000e+00 : f32
    %max3A_67 = vector.broadcast %jit3A_66 : f32 to vector<16x8x320xf32>
    %max3A_68 = arith.maximumf %max3A_67, %sub3A_65 : vector<16x8x320xf32>
    %mul3A_69 = arith.mulf %max3A_56, %max3A_68 : vector<16x8x320xf32>
    %broadcast_in_dim3A_70 = vector.shape_cast %mul3A_31 : vector<16x320xf32> to vector<16x1x320xf32>
    %add3A_71 = vector.broadcast %broadcast_in_dim3A_46 : vector<16x8x1xf32> to vector<16x8x320xf32>
    %add3A_72 = vector.broadcast %broadcast_in_dim3A_70 : vector<16x1x320xf32> to vector<16x8x320xf32>
    %add3A_73 = arith.addf %add3A_71, %add3A_72 : vector<16x8x320xf32>
    %sub3A_74 = arith.subf %add3A_73, %mul3A_69 : vector<16x8x320xf32>
    %add3A_75 = arith.constant 9.99999971E-10 : f32
    %add3A_76 = vector.broadcast %add3A_75 : f32 to vector<16x8x320xf32>
    %add3A_77 = arith.addf %sub3A_74, %add3A_76 : vector<16x8x320xf32>
    %div3A = arith.divf %mul3A_69, %add3A_77 : vector<16x8x320xf32>
    %swap3A = arith.constant 0 : index
    %swap3A_78 = arith.constant 0 : index
    %swap3A_79 = arith.constant 0 : index
    %swap3A_80 = arith.constant 0 : index
    %swap3A_81 = vector.load %arg6[%swap3A, %swap3A_78, %swap3A_79, %swap3A_80] : memref<38x16x8x320xf32, #tpu.memory_space<vmem>>, vector<1x16x8x320xf32>
    %swap3A_82 = vector.shape_cast %swap3A_81 : vector<1x16x8x320xf32> to vector<16x8x320xf32>
    %swap3A_83 = vector.shape_cast %div3A : vector<16x8x320xf32> to vector<1x16x8x320xf32>
    tpu.vector_store %arg6[%swap3A, %swap3A_78, %swap3A_79, %swap3A_80], %swap3A_83 {strides = array<i32>} : memref<38x16x8x320xf32, #tpu.memory_space<vmem>>, vector<1x16x8x320xf32>,
    %slice3A_84 = vector.extract_strided_slice %add3A {offsets = [0, 8], sizes = [16, 8], strides = [1, 1]} : vector<16x320xf32> to vector<16x8xf32>
    %broadcast_in_dim3A_85 = vector.shape_cast %slice3A_84 : vector<16x8xf32> to vector<16x8x1xf32>
    %slice3A_86 = vector.extract_strided_slice %add3A_27 {offsets = [0, 8], sizes = [16, 8], strides = [1, 1]} : vector<16x320xf32> to vector<16x8xf32>
    %broadcast_in_dim3A_87 = vector.shape_cast %slice3A_86 : vector<16x8xf32> to vector<16x8x1xf32>
    %slice3A_88 = vector.extract_strided_slice %add3A_28 {offsets = [0, 8], sizes = [16, 8], strides = [1, 1]} : vector<16x320xf32> to vector<16x8xf32>
    %broadcast_in_dim3A_89 = vector.shape_cast %slice3A_88 : vector<16x8xf32> to vector<16x8x1xf32>
    %slice3A_90 = vector.extract_strided_slice %add3A_29 {offsets = [0, 8], sizes = [16, 8], strides = [1, 1]} : vector<16x320xf32> to vector<16x8xf32>
    %broadcast_in_dim3A_91 = vector.shape_cast %slice3A_90 : vector<16x8xf32> to vector<16x8x1xf32>
    %slice3A_92 = vector.extract_strided_slice %mul3A_31 {offsets = [0, 8], sizes = [16, 8], strides = [1, 1]} : vector<16x320xf32> to vector<16x8xf32>
    %broadcast_in_dim3A_93 = vector.shape_cast %slice3A_92 : vector<16x8xf32> to vector<16x8x1xf32>
    %broadcast_in_dim3A_94 = vector.shape_cast %add3A_28 : vector<16x320xf32> to vector<16x1x320xf32>
    %min3A_95 = vector.broadcast %broadcast_in_dim3A_94 : vector<16x1x320xf32> to vector<16x8x320xf32>
    %min3A_96 = vector.broadcast %broadcast_in_dim3A_89 : vector<16x8x1xf32> to vector<16x8x320xf32>
    %min3A_97 = arith.minimumf %min3A_95, %min3A_96 : vector<16x8x320xf32>
    %broadcast_in_dim3A_98 = vector.shape_cast %add3A : vector<16x320xf32> to vector<16x1x320xf32>
    %max3A_99 = vector.broadcast %broadcast_in_dim3A_98 : vector<16x1x320xf32> to vector<16x8x320xf32>
    %max3A_100 = vector.broadcast %broadcast_in_dim3A_85 : vector<16x8x1xf32> to vector<16x8x320xf32>
    %max3A_101 = arith.maximumf %max3A_99, %max3A_100 : vector<16x8x320xf32>
    %sub3A_102 = arith.subf %min3A_97, %max3A_101 : vector<16x8x320xf32>
    %jit3A_103 = arith.constant 0.000000e+00 : f32
    %max3A_104 = vector.broadcast %jit3A_103 : f32 to vector<16x8x320xf32>
    %max3A_105 = arith.maximumf %max3A_104, %sub3A_102 : vector<16x8x320xf32>
    %broadcast_in_dim3A_106 = vector.shape_cast %add3A_29 : vector<16x320xf32> to vector<16x1x320xf32>
    %min3A_107 = vector.broadcast %broadcast_in_dim3A_106 : vector<16x1x320xf32> to vector<16x8x320xf32>
    %min3A_108 = vector.broadcast %broadcast_in_dim3A_91 : vector<16x8x1xf32> to vector<16x8x320xf32>
    %min3A_109 = arith.minimumf %min3A_107, %min3A_108 : vector<16x8x320xf32>
    %broadcast_in_dim3A_110 = vector.shape_cast %add3A_27 : vector<16x320xf32> to vector<16x1x320xf32>
    %max3A_111 = vector.broadcast %broadcast_in_dim3A_110 : vector<16x1x320xf32> to vector<16x8x320xf32>
    %max3A_112 = vector.broadcast %broadcast_in_dim3A_87 : vector<16x8x1xf32> to vector<16x8x320xf32>
    %max3A_113 = arith.maximumf %max3A_111, %max3A_112 : vector<16x8x320xf32>
    %sub3A_114 = arith.subf %min3A_109, %max3A_113 : vector<16x8x320xf32>
    %jit3A_115 = arith.constant 0.000000e+00 : f32
    %max3A_116 = vector.broadcast %jit3A_115 : f32 to vector<16x8x320xf32>
    %max3A_117 = arith.maximumf %max3A_116, %sub3A_114 : vector<16x8x320xf32>
    %mul3A_118 = arith.mulf %max3A_105, %max3A_117 : vector<16x8x320xf32>
    %broadcast_in_dim3A_119 = vector.shape_cast %mul3A_31 : vector<16x320xf32> to vector<16x1x320xf32>
    %add3A_120 = vector.broadcast %broadcast_in_dim3A_93 : vector<16x8x1xf32> to vector<16x8x320xf32>
    %add3A_121 = vector.broadcast %broadcast_in_dim3A_119 : vector<16x1x320xf32> to vector<16x8x320xf32>
    %add3A_122 = arith.addf %add3A_120, %add3A_121 : vector<16x8x320xf32>
    %sub3A_123 = arith.subf %add3A_122, %mul3A_118 : vector<16x8x320xf32>
    %add3A_124 = arith.constant 9.99999971E-10 : f32
    %add3A_125 = vector.broadcast %add3A_124 : f32 to vector<16x8x320xf32>
    %add3A_126 = arith.addf %sub3A_123, %add3A_125 : vector<16x8x320xf32>
    %div3A_127 = arith.divf %mul3A_118, %add3A_126 : vector<16x8x320xf32>
    %swap3A_128 = arith.constant 1 : index
    %swap3A_129 = arith.constant 0 : index
    %swap3A_130 = arith.constant 0 : index
    %swap3A_131 = arith.constant 0 : index
    %swap3A_132 = vector.load %arg6[%swap3A_128, %swap3A_129, %swap3A_130, %swap3A_131] : memref<38x16x8x320xf32, #tpu.memory_space<vmem>>, vector<1x16x8x320xf32>
    %swap3A_133 = vector.shape_cast %swap3A_132 : vector<1x16x8x320xf32> to vector<16x8x320xf32>
    %swap3A_134 = vector.shape_cast %div3A_127 : vector<16x8x320xf32> to vector<1x16x8x320xf32>
    tpu.vector_store %arg6[%swap3A_128, %swap3A_129, %swap3A_130, %swap3A_131], %swap3A_134 {strides = array<i32>} : memref<38x16x8x320xf32, #tpu.memory_space<vmem>>, vector<1x16x8x320xf32>,
    %slice3A_135 = vector.extract_strided_slice %add3A {offsets = [0, 16], sizes = [16, 8], strides = [1, 1]} : vector<16x320xf32> to vector<16x8xf32>
    %broadcast_in_dim3A_136 = vector.shape_cast %slice3A_135 : vector<16x8xf32> to vector<16x8x1xf32>
    %slice3A_137 = vector.extract_strided_slice %add3A_27 {offsets = [0, 16], sizes = [16, 8], strides = [1, 1]} : vector<16x320xf32> to vector<16x8xf32>
    %broadcast_in_dim3A_138 = vector.shape_cast %slice3A_137 : vector<16x8xf32> to vector<16x8x1xf32>
    %slice3A_139 = vector.extract_strided_slice %add3A_28 {offsets = [0, 16], sizes = [16, 8], strides = [1, 1]} : vector<16x320xf32> to vector<16x8xf32>
    %broadcast_in_dim3A_140 = vector.shape_cast %slice3A_139 : vector<16x8xf32> to vector<16x8x1xf32>
    %slice3A_141 = vector.extract_strided_slice %add3A_29 {offsets = [0, 16], sizes = [16, 8], strides = [1, 1]} : vector<16x320xf32> to vector<16x8xf32>
    %broadcast_in_dim3A_142 = vector.shape_cast %slice3A_141 : vector<16x8xf32> to vector<16x8x1xf32>
    %slice3A_143 = vector.extract_strided_slice %mul3A_31 {offsets = [0, 16], sizes = [16, 8], strides = [1, 1]} : vector<16x320xf32> to vector<16x8xf32>
    %broadcast_in_dim3A_144 = vector.shape_cast %slice3A_143 : vector<16x8xf32> to vector<16x8x1xf32>
    %broadcast_in_dim3A_145 = vector.shape_cast %add3A_28 : vector<16x320xf32> to vector<16x1x320xf32>
    %min3A_146 = vector.broadcast %broadcast_in_dim3A_145 : vector<16x1x320xf32> to vector<16x8x320xf32>
    %min3A_147 = vector.broadcast %broadcast_in_dim3A_140 : vector<16x8x1xf32> to vector<16x8x320xf32>
    %min3A_148 = arith.minimumf %min3A_146, %min3A_147 : vector<16x8x320xf32>
    %broadcast_in_dim3A_149 = vector.shape_cast %add3A : vector<16x320xf32> to vector<16x1x320xf32>
    %max3A_150 = vector.broadcast %broadcast_in_dim3A_149 : vector<16x1x320xf32> to vector<16x8x320xf32>
    %max3A_151 = vector.broadcast %broadcast_in_dim3A_136 : vector<16x8x1xf32> to vector<16x8x320xf32>
    %max3A_152 = arith.maximumf %max3A_150, %max3A_151 : vector<16x8x320xf32>
    %sub3A_153 = arith.subf %min3A_148, %max3A_152 : vector<16x8x320xf32>
    %jit3A_154 = arith.constant 0.000000e+00 : f32
    %max3A_155 = vector.broadcast %jit3A_154 : f32 to vector<16x8x320xf32>
    %max3A_156 = arith.maximumf %max3A_155, %sub3A_153 : vector<16x8x320xf32>
    %broadcast_in_dim3A_157 = vector.shape_cast %add3A_29 : vector<16x320xf32> to vector<16x1x320xf32>
    %min3A_158 = vector.broadcast %broadcast_in_dim3A_157 : vector<16x1x320xf32> to vector<16x8x320xf32>
    %min3A_159 = vector.broadcast %broadcast_in_dim3A_142 : vector<16x8x1xf32> to vector<16x8x320xf32>
    %min3A_160 = arith.minimumf %min3A_158, %min3A_159 : vector<16x8x320xf32>
    %broadcast_in_dim3A_161 = vector.shape_cast %add3A_27 : vector<16x320xf32> to vector<16x1x320xf32>
    %max3A_162 = vector.broadcast %broadcast_in_dim3A_161 : vector<16x1x320xf32> to vector<16x8x320xf32>
    %max3A_163 = vector.broadcast %broadcast_in_dim3A_138 : vector<16x8x1xf32> to vector<16x8x320xf32>
    %max3A_164 = arith.maximumf %max3A_162, %max3A_163 : vector<16x8x320xf32>
    %sub3A_165 = arith.subf %min3A_160, %max3A_164 : vector<16x8x320xf32>
    %jit3A_166 = arith.constant 0.000000e+00 : f32
    %max3A_167 = vector.broadcast %jit3A_166 : f32 to vector<16x8x320xf32>
    %max3A_168 = arith.maximumf %max3A_167, %sub3A_165 : vector<16x8x320xf32>
    %mul3A_169 = arith.mulf %max3A_156, %max3A_168 : vector<16x8x320xf32>
    %broadcast_in_dim3A_170 = vector.shape_cast %mul3A_31 : vector<16x320xf32> to vector<16x1x320xf32>
    %add3A_171 = vector.broadcast %broadcast_in_dim3A_144 : vector<16x8x1xf32> to vector<16x8x320xf32>
    %add3A_172 = vector.broadcast %broadcast_in_dim3A_170 : vector<16x1x320xf32> to vector<16x8x320xf32>
    %add3A_173 = arith.addf %add3A_171, %add3A_172 : vector<16x8x320xf32>
    %sub3A_174 = arith.subf %add3A_173, %mul3A_169 : vector<16x8x320xf32>
    %add3A_175 = arith.constant 9.99999971E-10 : f32
    %add3A_176 = vector.broadcast %add3A_175 : f32 to vector<16x8x320xf32>
    %add3A_177 = arith.addf %sub3A_174, %add3A_176 : vector<16x8x320xf32>
    %div3A_178 = arith.divf %mul3A_169, %add3A_177 : vector<16x8x320xf32>
    %swap3A_179 = arith.constant 2 : index
    %swap3A_180 = arith.constant 0 : index
    %swap3A_181 = arith.constant 0 : index
    %swap3A_182 = arith.constant 0 : index
    %swap3A_183 = vector.load %arg6[%swap3A_179, %swap3A_180, %swap3A_181, %swap3A_182] : memref<38x16x8x320xf32, #tpu.memory_space<vmem>>, vector<1x16x8x320xf32>
    %swap3A_184 = vector.shape_cast %swap3A_183 : vector<1x16x8x320xf32> to vector<16x8x320xf32>
    %swap3A_185 = vector.shape_cast %div3A_178 : vector<16x8x320xf32> to vector<1x16x8x320xf32>
    tpu.vector_store %arg6[%swap3A_179, %swap3A_180, %swap3A_181, %swap3A_182], %swap3A_185 {strides = array<i32>} : memref<38x16x8x320xf32, #tpu.memory_space<vmem>>, vector<1x16x8x320xf32>,
    %slice3A_186 = vector.extract_strided_slice %add3A {offsets = [0, 24], sizes = [16, 8], strides = [1, 1]} : vector<16x320xf32> to vector<16x8xf32>
    %broadcast_in_dim3A_187 = vector.shape_cast %slice3A_186 : vector<16x8xf32> to vector<16x8x1xf32>
    %slice3A_188 = vector.extract_strided_slice %add3A_27 {offsets = [0, 24], sizes = [16, 8], strides = [1, 1]} : vector<16x320xf32> to vector<16x8xf32>
    %broadcast_in_dim3A_189 = vector.shape_cast %slice3A_188 : vector<16x8xf32> to vector<16x8x1xf32>
    %slice3A_190 = vector.extract_strided_slice %add3A_28 {offsets = [0, 24], sizes = [16, 8], strides = [1, 1]} : vector<16x320xf32> to vector<16x8xf32>
    %broadcast_in_dim3A_191 = vector.shape_cast %slice3A_190 : vector<16x8xf32> to vector<16x8x1xf32>
    %slice3A_192 = vector.extract_strided_slice %add3A_29 {offsets = [0, 24], sizes = [16, 8], strides = [1, 1]} : vector<16x320xf32> to vector<16x8xf32>
    %broadcast_in_dim3A_193 = vector.shape_cast %slice3A_192 : vector<16x8xf32> to vector<16x8x1xf32>
    %slice3A_194 = vector.extract_strided_slice %mul3A_31 {offsets = [0, 24], sizes = [16, 8], strides = [1, 1]} : vector<16x320xf32> to vector<16x8xf32>
    %broadcast_in_dim3A_195 = vector.shape_cast %slice3A_194 : vector<16x8xf32> to vector<16x8x1xf32>
    %broadcast_in_dim3A_196 = vector.shape_cast %add3A_28 : vector<16x320xf32> to vector<16x1x320xf32>
    %min3A_197 = vector.broadcast %broadcast_in_dim3A_196 : vector<16x1x320xf32> to vector<16x8x320xf32>
    %min3A_198 = vector.broadcast %broadcast_in_dim3A_191 : vector<16x8x1xf32> to vector<16x8x320xf32>
    %min3A_199 = arith.minimumf %min3A_197, %min3A_198 : vector<16x8x320xf32>
    %broadcast_in_dim3A_200 = vector.shape_cast %add3A : vector<16x320xf32> to vector<16x1x320xf32>
    %max3A_201 = vector.broadcast %broadcast_in_dim3A_200 : vector<16x1x320xf32> to vector<16x8x320xf32>
    %max3A_202 = vector.broadcast %broadcast_in_dim3A_187 : vector<16x8x1xf32> to vector<16x8x320xf32>
    %max3A_203 = arith.maximumf %max3A_201, %max3A_202 : vector<16x8x320xf32>
    %sub3A_204 = arith.subf %min3A_199, %max3A_203 : vector<16x8x320xf32>
    %jit3A_205 = arith.constant 0.000000e+00 : f32
    %max3A_206 = vector.broadcast %jit3A_205 : f32 to vector<16x8x320xf32>
    %max3A_207 = arith.maximumf %max3A_206, %sub3A_204 : vector<16x8x320xf32>
    %broadcast_in_dim3A_208 = vector.shape_cast %add3A_29 : vector<16x320xf32> to vector<16x1x320xf32>
    %min3A_209 = vector.broadcast %broadcast_in_dim3A_208 : vector<16x1x320xf32> to vector<16x8x320xf32>
    %min3A_210 = vector.broadcast %broadcast_in_dim3A_193 : vector<16x8x1xf32> to vector<16x8x320xf32>
    %min3A_211 = arith.minimumf %min3A_209, %min3A_210 : vector<16x8x320xf32>
    %broadcast_in_dim3A_212 = vector.shape_cast %add3A_27 : vector<16x320xf32> to vector<16x1x320xf32>
    %max3A_213 = vector.broadcast %broadcast_in_dim3A_212 : vector<16x1x320xf32> to vector<16x8x320xf32>
    %max3A_214 = vector.broadcast %broadcast_in_dim3A_189 : vector<16x8x1xf32> to vector<16x8x320xf32>
    %max3A_215 = arith.maximumf %max3A_213, %max3A_214 : vector<16x8x320xf32>
    %sub3A_216 = arith.subf %min3A_211, %max3A_215 : vector<16x8x320xf32>
    %jit3A_217 = arith.constant 0.000000e+00 : f32
    %max3A_218 = vector.broadcast %jit3A_217 : f32 to vector<16x8x320xf32>
    %max3A_219 = arith.maximumf %max3A_218, %sub3A_216 : vector<16x8x320xf32>
    %mul3A_220 = arith.mulf %max3A_207, %max3A_219 : vector<16x8x320xf32>
    %broadcast_in_dim3A_221 = vector.shape_cast %mul3A_31 : vector<16x320xf32> to vector<16x1x320xf32>
    %add3A_222 = vector.broadcast %broadcast_in_dim3A_195 : vector<16x8x1xf32> to vector<16x8x320xf32>
    %add3A_223 = vector.broadcast %broadcast_in_dim3A_221 : vector<16x1x320xf32> to vector<16x8x320xf32>
    %add3A_224 = arith.addf %add3A_222, %add3A_223 : vector<16x8x320xf32>
    %sub3A_225 = arith.subf %add3A_224, %mul3A_220 : vector<16x8x320xf32>
    %add3A_226 = arith.constant 9.99999971E-10 : f32
    %add3A_227 = vector.broadcast %add3A_226 : f32 to vector<16x8x320xf32>
    %add3A_228 = arith.addf %sub3A_225, %add3A_227 : vector<16x8x320xf32>
    %div3A_229 = arith.divf %mul3A_220, %add3A_228 : vector<16x8x320xf32>
    %swap3A_230 = arith.constant 3 : index
    %swap3A_231 = arith.constant 0 : index
    %swap3A_232 = arith.constant 0 : index
    %swap3A_233 = arith.constant 0 : index
    %swap3A_234 = vector.load %arg6[%swap3A_230, %swap3A_231, %swap3A_232, %swap3A_233] : memref<38x16x8x320xf32, #tpu.memory_space<vmem>>, vector<1x16x8x320xf32>
    %swap3A_235 = vector.shape_cast %swap3A_234 : vector<1x16x8x320xf32> to vector<16x8x320xf32>
    %swap3A_236 = vector.shape_cast %div3A_229 : vector<16x8x320xf32> to vector<1x16x8x320xf32>
    tpu.vector_store %arg6[%swap3A_230, %swap3A_231, %swap3A_232, %swap3A_233], %swap3A_236 {strides = array<i32>} : memref<38x16x8x320xf32, #tpu.memory_space<vmem>>, vector<1x16x8x320xf32>,
    %slice3A_237 = vector.extract_strided_slice %add3A {offsets = [0, 32], sizes = [16, 8], strides = [1, 1]} : vector<16x320xf32> to vector<16x8xf32>
    %broadcast_in_dim3A_238 = vector.shape_cast %slice3A_237 : vector<16x8xf32> to vector<16x8x1xf32>
    %slice3A_239 = vector.extract_strided_slice %add3A_27 {offsets = [0, 32], sizes = [16, 8], strides = [1, 1]} : vector<16x320xf32> to vector<16x8xf32>
    %broadcast_in_dim3A_240 = vector.shape_cast %slice3A_239 : vector<16x8xf32> to vector<16x8x1xf32>
    %slice3A_241 = vector.extract_strided_slice %add3A_28 {offsets = [0, 32], sizes = [16, 8], strides = [1, 1]} : vector<16x320xf32> to vector<16x8xf32>
    %broadcast_in_dim3A_242 = vector.shape_cast %slice3A_241 : vector<16x8xf32> to vector<16x8x1xf32>
    %slice3A_243 = vector.extract_strided_slice %add3A_29 {offsets = [0, 32], sizes = [16, 8], strides = [1, 1]} : vector<16x320xf32> to vector<16x8xf32>
    %broadcast_in_dim3A_244 = vector.shape_cast %slice3A_243 : vector<16x8xf32> to vector<16x8x1xf32>
    %slice3A_245 = vector.extract_strided_slice %mul3A_31 {offsets = [0, 32], sizes = [16, 8], strides = [1, 1]} : vector<16x320xf32> to vector<16x8xf32>
    %broadcast_in_dim3A_246 = vector.shape_cast %slice3A_245 : vector<16x8xf32> to vector<16x8x1xf32>
    %broadcast_in_dim3A_247 = vector.shape_cast %add3A_28 : vector<16x320xf32> to vector<16x1x320xf32>
    %min3A_248 = vector.broadcast %broadcast_in_dim3A_247 : vector<16x1x320xf32> to vector<16x8x320xf32>
    %min3A_249 = vector.broadcast %broadcast_in_dim3A_242 : vector<16x8x1xf32> to vector<16x8x320xf32>
    %min3A_250 = arith.minimumf %min3A_248, %min3A_249 : vector<16x8x320xf32>
    %broadcast_in_dim3A_251 = vector.shape_cast %add3A : vector<16x320xf32> to vector<16x1x320xf32>
    %max3A_252 = vector.broadcast %broadcast_in_dim3A_251 : vector<16x1x320xf32> to vector<16x8x320xf32>
    %max3A_253 = vector.broadcast %broadcast_in_dim3A_238 : vector<16x8x1xf32> to vector<16x8x320xf32>
    %max3A_254 = arith.maximumf %max3A_252, %max3A_253 : vector<16x8x320xf32>
    %sub3A_255 = arith.subf %min3A_250, %max3A_254 : vector<16x8x320xf32>
    %jit3A_256 = arith.constant 0.000000e+00 : f32
    %max3A_257 = vector.broadcast %jit3A_256 : f32 to vector<16x8x320xf32>
    %max3A_258 = arith.maximumf %max3A_257, %sub3A_255 : vector<16x8x320xf32>
    %broadcast_in_dim3A_259 = vector.shape_cast %add3A_29 : vector<16x320xf32> to vector<16x1x320xf32>
    %min3A_260 = vector.broadcast %broadcast_in_dim3A_259 : vector<16x1x320xf32> to vector<16x8x320xf32>
    %min3A_261 = vector.broadcast %broadcast_in_dim3A_244 : vector<16x8x1xf32> to vector<16x8x320xf32>
    %min3A_262 = arith.minimumf %min3A_260, %min3A_261 : vector<16x8x320xf32>
    %broadcast_in_dim3A_263 = vector.shape_cast %add3A_27 : vector<16x320xf32> to vector<16x1x320xf32>
    %max3A_264 = vector.broadcast %broadcast_in_dim3A_263 : vector<16x1x320xf32> to vector<16x8x320xf32>
    %max3A_265 = vector.broadcast %broadcast_in_dim3A_240 : vector<16x8x1xf32> to vector<16x8x320xf32>
    %max3A_266 = arith.maximumf %max3A_264, %max3A_265 : vector<16x8x320xf32>
    %sub3A_267 = arith.subf %min3A_262, %max3A_266 : vector<16x8x320xf32>
    %jit3A_268 = arith.constant 0.000000e+00 : f32
    %max3A_269 = vector.broadcast %jit3A_268 : f32 to vector<16x8x320xf32>
    %max3A_270 = arith.maximumf %max3A_269, %sub3A_267 : vector<16x8x320xf32>
    %mul3A_271 = arith.mulf %max3A_258, %max3A_270 : vector<16x8x320xf32>
    %broadcast_in_dim3A_272 = vector.shape_cast %mul3A_31 : vector<16x320xf32> to vector<16x1x320xf32>
    %add3A_273 = vector.broadcast %broadcast_in_dim3A_246 : vector<16x8x1xf32> to vector<16x8x320xf32>
    %add3A_274 = vector.broadcast %broadcast_in_dim3A_272 : vector<16x1x320xf32> to vector<16x8x320xf32>
    %add3A_275 = arith.addf %add3A_273, %add3A_274 : vector<16x8x320xf32>
    %sub3A_276 = arith.subf %add3A_275, %mul3A_271 : vector<16x8x320xf32>
    %add3A_277 = arith.constant 9.99999971E-10 : f32
    %add3A_278 = vector.broadcast %add3A_277 : f32 to vector<16x8x320xf32>
    %add3A_279 = arith.addf %sub3A_276, %add3A_278 : vector<16x8x320xf32>
    %div3A_280 = arith.divf %mul3A_271, %add3A_279 : vector<16x8x320xf32>
    %swap3A_281 = arith.constant 4 : index
    %swap3A_282 = arith.constant 0 : index
    %swap3A_283 = arith.constant 0 : index
    %swap3A_284 = arith.constant 0 : index
    %swap3A_285 = vector.load %arg6[%swap3A_281, %swap3A_282, %swap3A_283, %swap3A_284] : memref<38x16x8x320xf32, #tpu.memory_space<vmem>>, vector<1x16x8x320xf32>
    %swap3A_286 = vector.shape_cast %swap3A_285 : vector<1x16x8x320xf32> to vector<16x8x320xf32>
    %swap3A_287 = vector.shape_cast %div3A_280 : vector<16x8x320xf32> to vector<1x16x8x320xf32>
    tpu.vector_store %arg6[%swap3A_281, %swap3A_282, %swap3A_283, %swap3A_284], %swap3A_287 {strides = array<i32>} : memref<38x16x8x320xf32, #tpu.memory_space<vmem>>, vector<1x16x8x320xf32>,
    %slice3A_288 = vector.extract_strided_slice %add3A {offsets = [0, 40], sizes = [16, 8], strides = [1, 1]} : vector<16x320xf32> to vector<16x8xf32>
    %broadcast_in_dim3A_289 = vector.shape_cast %slice3A_288 : vector<16x8xf32> to vector<16x8x1xf32>
    %slice3A_290 = vector.extract_strided_slice %add3A_27 {offsets = [0, 40], sizes = [16, 8], strides = [1, 1]} : vector<16x320xf32> to vector<16x8xf32>
    %broadcast_in_dim3A_291 = vector.shape_cast %slice3A_290 : vector<16x8xf32> to vector<16x8x1xf32>
    %slice3A_292 = vector.extract_strided_slice %add3A_28 {offsets = [0, 40], sizes = [16, 8], strides = [1, 1]} : vector<16x320xf32> to vector<16x8xf32>
    %broadcast_in_dim3A_293 = vector.shape_cast %slice3A_292 : vector<16x8xf32> to vector<16x8x1xf32>
    %slice3A_294 = vector.extract_strided_slice %add3A_29 {offsets = [0, 40], sizes = [16, 8], strides = [1, 1]} : vector<16x320xf32> to vector<16x8xf32>
    %broadcast_in_dim3A_295 = vector.shape_cast %slice3A_294 : vector<16x8xf32> to vector<16x8x1xf32>
    %slice3A_296 = vector.extract_strided_slice %mul3A_31 {offsets = [0, 40], sizes = [16, 8], strides = [1, 1]} : vector<16x320xf32> to vector<16x8xf32>
    %broadcast_in_dim3A_297 = vector.shape_cast %slice3A_296 : vector<16x8xf32> to vector<16x8x1xf32>
    %broadcast_in_dim3A_298 = vector.shape_cast %add3A_28 : vector<16x320xf32> to vector<16x1x320xf32>
    %min3A_299 = vector.broadcast %broadcast_in_dim3A_298 : vector<16x1x320xf32> to vector<16x8x320xf32>
    %min3A_300 = vector.broadcast %broadcast_in_dim3A_293 : vector<16x8x1xf32> to vector<16x8x320xf32>
    %min3A_301 = arith.minimumf %min3A_299, %min3A_300 : vector<16x8x320xf32>
    %broadcast_in_dim3A_302 = vector.shape_cast %add3A : vector<16x320xf32> to vector<16x1x320xf32>
    %max3A_303 = vector.broadcast %broadcast_in_dim3A_302 : vector<16x1x320xf32> to vector<16x8x320xf32>
    %max3A_304 = vector.broadcast %broadcast_in_dim3A_289 : vector<16x8x1xf32> to vector<16x8x320xf32>
    %max3A_305 = arith.maximumf %max3A_303, %max3A_304 : vector<16x8x320xf32>
    %sub3A_306 = arith.subf %min3A_301, %max3A_305 : vector<16x8x320xf32>
    %jit3A_307 = arith.constant 0.000000e+00 : f32
    %max3A_308 = vector.broadcast %jit3A_307 : f32 to vector<16x8x320xf32>
    %max3A_309 = arith.maximumf %max3A_308, %sub3A_306 : vector<16x8x320xf32>
    %broadcast_in_dim3A_310 = vector.shape_cast %add3A_29 : vector<16x320xf32> to vector<16x1x320xf32>
    %min3A_311 = vector.broadcast %broadcast_in_dim3A_310 : vector<16x1x320xf32> to vector<16x8x320xf32>
    %min3A_312 = vector.broadcast %broadcast_in_dim3A_295 : vector<16x8x1xf32> to vector<16x8x320xf32>
    %min3A_313 = arith.minimumf %min3A_311, %min3A_312 : vector<16x8x320xf32>
    %broadcast_in_dim3A_314 = vector.shape_cast %add3A_27 : vector<16x320xf32> to vector<16x1x320xf32>
    %max3A_315 = vector.broadcast %broadcast_in_dim3A_314 : vector<16x1x320xf32> to vector<16x8x320xf32>
    %max3A_316 = vector.broadcast %broadcast_in_dim3A_291 : vector<16x8x1xf32> to vector<16x8x320xf32>
    %max3A_317 = arith.maximumf %max3A_315, %max3A_316 : vector<16x8x320xf32>
    %sub3A_318 = arith.subf %min3A_313, %max3A_317 : vector<16x8x320xf32>
    %jit3A_319 = arith.constant 0.000000e+00 : f32
    %max3A_320 = vector.broadcast %jit3A_319 : f32 to vector<16x8x320xf32>
    %max3A_321 = arith.maximumf %max3A_320, %sub3A_318 : vector<16x8x320xf32>
    %mul3A_322 = arith.mulf %max3A_309, %max3A_321 : vector<16x8x320xf32>
    %broadcast_in_dim3A_323 = vector.shape_cast %mul3A_31 : vector<16x320xf32> to vector<16x1x320xf32>
    %add3A_324 = vector.broadcast %broadcast_in_dim3A_297 : vector<16x8x1xf32> to vector<16x8x320xf32>
    %add3A_325 = vector.broadcast %broadcast_in_dim3A_323 : vector<16x1x320xf32> to vector<16x8x320xf32>
    %add3A_326 = arith.addf %add3A_324, %add3A_325 : vector<16x8x320xf32>
    %sub3A_327 = arith.subf %add3A_326, %mul3A_322 : vector<16x8x320xf32>
    %add3A_328 = arith.constant 9.99999971E-10 : f32
    %add3A_329 = vector.broadcast %add3A_328 : f32 to vector<16x8x320xf32>
    %add3A_330 = arith.addf %sub3A_327, %add3A_329 : vector<16x8x320xf32>
    %div3A_331 = arith.divf %mul3A_322, %add3A_330 : vector<16x8x320xf32>
    %swap3A_332 = arith.constant 5 : index
    %swap3A_333 = arith.constant 0 : index
    %swap3A_334 = arith.constant 0 : index
    %swap3A_335 = arith.constant 0 : index
    %swap3A_336 = vector.load %arg6[%swap3A_332, %swap3A_333, %swap3A_334, %swap3A_335] : memref<38x16x8x320xf32, #tpu.memory_space<vmem>>, vector<1x16x8x320xf32>
    %swap3A_337 = vector.shape_cast %swap3A_336 : vector<1x16x8x320xf32> to vector<16x8x320xf32>
    %swap3A_338 = vector.shape_cast %div3A_331 : vector<16x8x320xf32> to vector<1x16x8x320xf32>
    tpu.vector_store %arg6[%swap3A_332, %swap3A_333, %swap3A_334, %swap3A_335], %swap3A_338 {strides = array<i32>} : memref<38x16x8x320xf32, #tpu.memory_space<vmem>>, vector<1x16x8x320xf32>,
    %slice3A_339 = vector.extract_strided_slice %add3A {offsets = [0, 48], sizes = [16, 8], strides = [1, 1]} : vector<16x320xf32> to vector<16x8xf32>
    %broadcast_in_dim3A_340 = vector.shape_cast %slice3A_339 : vector<16x8xf32> to vector<16x8x1xf32>
    %slice3A_341 = vector.extract_strided_slice %add3A_27 {offsets = [0, 48], sizes = [16, 8], strides = [1, 1]} : vector<16x320xf32> to vector<16x8xf32>
    %broadcast_in_dim3A_342 = vector.shape_cast %slice3A_341 : vector<16x8xf32> to vector<16x8x1xf32>
    %slice3A_343 = vector.extract_strided_slice %add3A_28 {offsets = [0, 48], sizes = [16, 8], strides = [1, 1]} : vector<16x320xf32> to vector<16x8xf32>
    %broadcast_in_dim3A_344 = vector.shape_cast %slice3A_343 : vector<16x8xf32> to vector<16x8x1xf32>
    %slice3A_345 = vector.extract_strided_slice %add3A_29 {offsets = [0, 48], sizes = [16, 8], strides = [1, 1]} : vector<16x320xf32> to vector<16x8xf32>
    %broadcast_in_dim3A_346 = vector.shape_cast %slice3A_345 : vector<16x8xf32> to vector<16x8x1xf32>
    %slice3A_347 = vector.extract_strided_slice %mul3A_31 {offsets = [0, 48], sizes = [16, 8], strides = [1, 1]} : vector<16x320xf32> to vector<16x8xf32>
    %broadcast_in_dim3A_348 = vector.shape_cast %slice3A_347 : vector<16x8xf32> to vector<16x8x1xf32>
    %broadcast_in_dim3A_349 = vector.shape_cast %add3A_28 : vector<16x320xf32> to vector<16x1x320xf32>
    %min3A_350 = vector.broadcast %broadcast_in_dim3A_349 : vector<16x1x320xf32> to vector<16x8x320xf32>
    %min3A_351 = vector.broadcast %broadcast_in_dim3A_344 : vector<16x8x1xf32> to vector<16x8x320xf32>
    %min3A_352 = arith.minimumf %min3A_350, %min3A_351 : vector<16x8x320xf32>
    %broadcast_in_dim3A_353 = vector.shape_cast %add3A : vector<16x320xf32> to vector<16x1x320xf32>
    %max3A_354 = vector.broadcast %broadcast_in_dim3A_353 : vector<16x1x320xf32> to vector<16x8x320xf32>
    %max3A_355 = vector.broadcast %broadcast_in_dim3A_340 : vector<16x8x1xf32> to vector<16x8x320xf32>
    %max3A_356 = arith.maximumf %max3A_354, %max3A_355 : vector<16x8x320xf32>
    %sub3A_357 = arith.subf %min3A_352, %max3A_356 : vector<16x8x320xf32>
    %jit3A_358 = arith.constant 0.000000e+00 : f32
    %max3A_359 = vector.broadcast %jit3A_358 : f32 to vector<16x8x320xf32>
    %max3A_360 = arith.maximumf %max3A_359, %sub3A_357 : vector<16x8x320xf32>
    %broadcast_in_dim3A_361 = vector.shape_cast %add3A_29 : vector<16x320xf32> to vector<16x1x320xf32>
    %min3A_362 = vector.broadcast %broadcast_in_dim3A_361 : vector<16x1x320xf32> to vector<16x8x320xf32>
    %min3A_363 = vector.broadcast %broadcast_in_dim3A_346 : vector<16x8x1xf32> to vector<16x8x320xf32>
    %min3A_364 = arith.minimumf %min3A_362, %min3A_363 : vector<16x8x320xf32>
    %broadcast_in_dim3A_365 = vector.shape_cast %add3A_27 : vector<16x320xf32> to vector<16x1x320xf32>
    %max3A_366 = vector.broadcast %broadcast_in_dim3A_365 : vector<16x1x320xf32> to vector<16x8x320xf32>
    %max3A_367 = vector.broadcast %broadcast_in_dim3A_342 : vector<16x8x1xf32> to vector<16x8x320xf32>
    %max3A_368 = arith.maximumf %max3A_366, %max3A_367 : vector<16x8x320xf32>
    %sub3A_369 = arith.subf %min3A_364, %max3A_368 : vector<16x8x320xf32>
    %jit3A_370 = arith.constant 0.000000e+00 : f32
    %max3A_371 = vector.broadcast %jit3A_370 : f32 to vector<16x8x320xf32>
    %max3A_372 = arith.maximumf %max3A_371, %sub3A_369 : vector<16x8x320xf32>
    %mul3A_373 = arith.mulf %max3A_360, %max3A_372 : vector<16x8x320xf32>
    %broadcast_in_dim3A_374 = vector.shape_cast %mul3A_31 : vector<16x320xf32> to vector<16x1x320xf32>
    %add3A_375 = vector.broadcast %broadcast_in_dim3A_348 : vector<16x8x1xf32> to vector<16x8x320xf32>
    %add3A_376 = vector.broadcast %broadcast_in_dim3A_374 : vector<16x1x320xf32> to vector<16x8x320xf32>
    %add3A_377 = arith.addf %add3A_375, %add3A_376 : vector<16x8x320xf32>
    %sub3A_378 = arith.subf %add3A_377, %mul3A_373 : vector<16x8x320xf32>
    %add3A_379 = arith.constant 9.99999971E-10 : f32
    %add3A_380 = vector.broadcast %add3A_379 : f32 to vector<16x8x320xf32>
    %add3A_381 = arith.addf %sub3A_378, %add3A_380 : vector<16x8x320xf32>
    %div3A_382 = arith.divf %mul3A_373, %add3A_381 : vector<16x8x320xf32>
    %swap3A_383 = arith.constant 6 : index
    %swap3A_384 = arith.constant 0 : index
    %swap3A_385 = arith.constant 0 : index
    %swap3A_386 = arith.constant 0 : index
    %swap3A_387 = vector.load %arg6[%swap3A_383, %swap3A_384, %swap3A_385, %swap3A_386] : memref<38x16x8x320xf32, #tpu.memory_space<vmem>>, vector<1x16x8x320xf32>
    %swap3A_388 = vector.shape_cast %swap3A_387 : vector<1x16x8x320xf32> to vector<16x8x320xf32>
    %swap3A_389 = vector.shape_cast %div3A_382 : vector<16x8x320xf32> to vector<1x16x8x320xf32>
    tpu.vector_store %arg6[%swap3A_383, %swap3A_384, %swap3A_385, %swap3A_386], %swap3A_389 {strides = array<i32>} : memref<38x16x8x320xf32, #tpu.memory_space<vmem>>, vector<1x16x8x320xf32>,
    %slice3A_390 = vector.extract_strided_slice %add3A {offsets = [0, 56], sizes = [16, 8], strides = [1, 1]} : vector<16x320xf32> to vector<16x8xf32>
    %broadcast_in_dim3A_391 = vector.shape_cast %slice3A_390 : vector<16x8xf32> to vector<16x8x1xf32>
    %slice3A_392 = vector.extract_strided_slice %add3A_27 {offsets = [0, 56], sizes = [16, 8], strides = [1, 1]} : vector<16x320xf32> to vector<16x8xf32>
    %broadcast_in_dim3A_393 = vector.shape_cast %slice3A_392 : vector<16x8xf32> to vector<16x8x1xf32>
    %slice3A_394 = vector.extract_strided_slice %add3A_28 {offsets = [0, 56], sizes = [16, 8], strides = [1, 1]} : vector<16x320xf32> to vector<16x8xf32>
    %broadcast_in_dim3A_395 = vector.shape_cast %slice3A_394 : vector<16x8xf32> to vector<16x8x1xf32>
    %slice3A_396 = vector.extract_strided_slice %add3A_29 {offsets = [0, 56], sizes = [16, 8], strides = [1, 1]} : vector<16x320xf32> to vector<16x8xf32>
    %broadcast_in_dim3A_397 = vector.shape_cast %slice3A_396 : vector<16x8xf32> to vector<16x8x1xf32>
    %slice3A_398 = vector.extract_strided_slice %mul3A_31 {offsets = [0, 56], sizes = [16, 8], strides = [1, 1]} : vector<16x320xf32> to vector<16x8xf32>
    %broadcast_in_dim3A_399 = vector.shape_cast %slice3A_398 : vector<16x8xf32> to vector<16x8x1xf32>
    %broadcast_in_dim3A_400 = vector.shape_cast %add3A_28 : vector<16x320xf32> to vector<16x1x320xf32>
    %min3A_401 = vector.broadcast %broadcast_in_dim3A_400 : vector<16x1x320xf32> to vector<16x8x320xf32>
    %min3A_402 = vector.broadcast %broadcast_in_dim3A_395 : vector<16x8x1xf32> to vector<16x8x320xf32>
    %min3A_403 = arith.minimumf %min3A_401, %min3A_402 : vector<16x8x320xf32>
    %broadcast_in_dim3A_404 = vector.shape_cast %add3A : vector<16x320xf32> to vector<16x1x320xf32>
    %max3A_405 = vector.broadcast %broadcast_in_dim3A_404 : vector<16x1x320xf32> to vector<16x8x320xf32>
    %max3A_406 = vector.broadcast %broadcast_in_dim3A_391 : vector<16x8x1xf32> to vector<16x8x320xf32>
    %max3A_407 = arith.maximumf %max3A_405, %max3A_406 : vector<16x8x320xf32>
    %sub3A_408 = arith.subf %min3A_403, %max3A_407 : vector<16x8x320xf32>
    %jit3A_409 = arith.constant 0.000000e+00 : f32
    %max3A_410 = vector.broadcast %jit3A_409 : f32 to vector<16x8x320xf32>
    %max3A_411 = arith.maximumf %max3A_410, %sub3A_408 : vector<16x8x320xf32>
    %broadcast_in_dim3A_412 = vector.shape_cast %add3A_29 : vector<16x320xf32> to vector<16x1x320xf32>
    %min3A_413 = vector.broadcast %broadcast_in_dim3A_412 : vector<16x1x320xf32> to vector<16x8x320xf32>
    %min3A_414 = vector.broadcast %broadcast_in_dim3A_397 : vector<16x8x1xf32> to vector<16x8x320xf32>
    %min3A_415 = arith.minimumf %min3A_413, %min3A_414 : vector<16x8x320xf32>
    %broadcast_in_dim3A_416 = vector.shape_cast %add3A_27 : vector<16x320xf32> to vector<16x1x320xf32>
    %max3A_417 = vector.broadcast %broadcast_in_dim3A_416 : vector<16x1x320xf32> to vector<16x8x320xf32>
    %max3A_418 = vector.broadcast %broadcast_in_dim3A_393 : vector<16x8x1xf32> to vector<16x8x320xf32>
    %max3A_419 = arith.maximumf %max3A_417, %max3A_418 : vector<16x8x320xf32>
    %sub3A_420 = arith.subf %min3A_415, %max3A_419 : vector<16x8x320xf32>
    %jit3A_421 = arith.constant 0.000000e+00 : f32
    %max3A_422 = vector.broadcast %jit3A_421 : f32 to vector<16x8x320xf32>
    %max3A_423 = arith.maximumf %max3A_422, %sub3A_420 : vector<16x8x320xf32>
    %mul3A_424 = arith.mulf %max3A_411, %max3A_423 : vector<16x8x320xf32>
    %broadcast_in_dim3A_425 = vector.shape_cast %mul3A_31 : vector<16x320xf32> to vector<16x1x320xf32>
    %add3A_426 = vector.broadcast %broadcast_in_dim3A_399 : vector<16x8x1xf32> to vector<16x8x320xf32>
    %add3A_427 = vector.broadcast %broadcast_in_dim3A_425 : vector<16x1x320xf32> to vector<16x8x320xf32>
    %add3A_428 = arith.addf %add3A_426, %add3A_427 : vector<16x8x320xf32>
    %sub3A_429 = arith.subf %add3A_428, %mul3A_424 : vector<16x8x320xf32>
    %add3A_430 = arith.constant 9.99999971E-10 : f32
    %add3A_431 = vector.broadcast %add3A_430 : f32 to vector<16x8x320xf32>
    %add3A_432 = arith.addf %sub3A_429, %add3A_431 : vector<16x8x320xf32>
    %div3A_433 = arith.divf %mul3A_424, %add3A_432 : vector<16x8x320xf32>
    %swap3A_434 = arith.constant 7 : index
    %swap3A_435 = arith.constant 0 : index
    %swap3A_436 = arith.constant 0 : index
    %swap3A_437 = arith.constant 0 : index
    %swap3A_438 = vector.load %arg6[%swap3A_434, %swap3A_435, %swap3A_436, %swap3A_437] : memref<38x16x8x320xf32, #tpu.memory_space<vmem>>, vector<1x16x8x320xf32>
    %swap3A_439 = vector.shape_cast %swap3A_438 : vector<1x16x8x320xf32> to vector<16x8x320xf32>
    %swap3A_440 = vector.shape_cast %div3A_433 : vector<16x8x320xf32> to vector<1x16x8x320xf32>
    tpu.vector_store %arg6[%swap3A_434, %swap3A_435, %swap3A_436, %swap3A_437], %swap3A_440 {strides = array<i32>} : memref<38x16x8x320xf32, #tpu.memory_space<vmem>>, vector<1x16x8x320xf32>,
    %slice3A_441 = vector.extract_strided_slice %add3A {offsets = [0, 64], sizes = [16, 8], strides = [1, 1]} : vector<16x320xf32> to vector<16x8xf32>
    %broadcast_in_dim3A_442 = vector.shape_cast %slice3A_441 : vector<16x8xf32> to vector<16x8x1xf32>
    %slice3A_443 = vector.extract_strided_slice %add3A_27 {offsets = [0, 64], sizes = [16, 8], strides = [1, 1]} : vector<16x320xf32> to vector<16x8xf32>
    %broadcast_in_dim3A_444 = vector.shape_cast %slice3A_443 : vector<16x8xf32> to vector<16x8x1xf32>
    %slice3A_445 = vector.extract_strided_slice %add3A_28 {offsets = [0, 64], sizes = [16, 8], strides = [1, 1]} : vector<16x320xf32> to vector<16x8xf32>
    %broadcast_in_dim3A_446 = vector.shape_cast %slice3A_445 : vector<16x8xf32> to vector<16x8x1xf32>
    %slice3A_447 = vector.extract_strided_slice %add3A_29 {offsets = [0, 64], sizes = [16, 8], strides = [1, 1]} : vector<16x320xf32> to vector<16x8xf32>
    %broadcast_in_dim3A_448 = vector.shape_cast %slice3A_447 : vector<16x8xf32> to vector<16x8x1xf32>
    %slice3A_449 = vector.extract_strided_slice %mul3A_31 {offsets = [0, 64], sizes = [16, 8], strides = [1, 1]} : vector<16x320xf32> to vector<16x8xf32>
    %broadcast_in_dim3A_450 = vector.shape_cast %slice3A_449 : vector<16x8xf32> to vector<16x8x1xf32>
    %broadcast_in_dim3A_451 = vector.shape_cast %add3A_28 : vector<16x320xf32> to vector<16x1x320xf32>
    %min3A_452 = vector.broadcast %broadcast_in_dim3A_451 : vector<16x1x320xf32> to vector<16x8x320xf32>
    %min3A_453 = vector.broadcast %broadcast_in_dim3A_446 : vector<16x8x1xf32> to vector<16x8x320xf32>
    %min3A_454 = arith.minimumf %min3A_452, %min3A_453 : vector<16x8x320xf32>
    %broadcast_in_dim3A_455 = vector.shape_cast %add3A : vector<16x320xf32> to vector<16x1x320xf32>
    %max3A_456 = vector.broadcast %broadcast_in_dim3A_455 : vector<16x1x320xf32> to vector<16x8x320xf32>
    %max3A_457 = vector.broadcast %broadcast_in_dim3A_442 : vector<16x8x1xf32> to vector<16x8x320xf32>
    %max3A_458 = arith.maximumf %max3A_456, %max3A_457 : vector<16x8x320xf32>
    %sub3A_459 = arith.subf %min3A_454, %max3A_458 : vector<16x8x320xf32>
    %jit3A_460 = arith.constant 0.000000e+00 : f32
    %max3A_461 = vector.broadcast %jit3A_460 : f32 to vector<16x8x320xf32>
    %max3A_462 = arith.maximumf %max3A_461, %sub3A_459 : vector<16x8x320xf32>
    %broadcast_in_dim3A_463 = vector.shape_cast %add3A_29 : vector<16x320xf32> to vector<16x1x320xf32>
    %min3A_464 = vector.broadcast %broadcast_in_dim3A_463 : vector<16x1x320xf32> to vector<16x8x320xf32>
    %min3A_465 = vector.broadcast %broadcast_in_dim3A_448 : vector<16x8x1xf32> to vector<16x8x320xf32>
    %min3A_466 = arith.minimumf %min3A_464, %min3A_465 : vector<16x8x320xf32>
    %broadcast_in_dim3A_467 = vector.shape_cast %add3A_27 : vector<16x320xf32> to vector<16x1x320xf32>
    %max3A_468 = vector.broadcast %broadcast_in_dim3A_467 : vector<16x1x320xf32> to vector<16x8x320xf32>
    %max3A_469 = vector.broadcast %broadcast_in_dim3A_444 : vector<16x8x1xf32> to vector<16x8x320xf32>
    %max3A_470 = arith.maximumf %max3A_468, %max3A_469 : vector<16x8x320xf32>
    %sub3A_471 = arith.subf %min3A_466, %max3A_470 : vector<16x8x320xf32>
    %jit3A_472 = arith.constant 0.000000e+00 : f32
    %max3A_473 = vector.broadcast %jit3A_472 : f32 to vector<16x8x320xf32>
    %max3A_474 = arith.maximumf %max3A_473, %sub3A_471 : vector<16x8x320xf32>
    %mul3A_475 = arith.mulf %max3A_462, %max3A_474 : vector<16x8x320xf32>
    %broadcast_in_dim3A_476 = vector.shape_cast %mul3A_31 : vector<16x320xf32> to vector<16x1x320xf32>
    %add3A_477 = vector.broadcast %broadcast_in_dim3A_450 : vector<16x8x1xf32> to vector<16x8x320xf32>
    %add3A_478 = vector.broadcast %broadcast_in_dim3A_476 : vector<16x1x320xf32> to vector<16x8x320xf32>
    %add3A_479 = arith.addf %add3A_477, %add3A_478 : vector<16x8x320xf32>
    %sub3A_480 = arith.subf %add3A_479, %mul3A_475 : vector<16x8x320xf32>
    %add3A_481 = arith.constant 9.99999971E-10 : f32
    %add3A_482 = vector.broadcast %add3A_481 : f32 to vector<16x8x320xf32>
    %add3A_483 = arith.addf %sub3A_480, %add3A_482 : vector<16x8x320xf32>
    %div3A_484 = arith.divf %mul3A_475, %add3A_483 : vector<16x8x320xf32>
    %swap3A_485 = arith.constant 8 : index
    %swap3A_486 = arith.constant 0 : index
    %swap3A_487 = arith.constant 0 : index
    %swap3A_488 = arith.constant 0 : index
    %swap3A_489 = vector.load %arg6[%swap3A_485, %swap3A_486, %swap3A_487, %swap3A_488] : memref<38x16x8x320xf32, #tpu.memory_space<vmem>>, vector<1x16x8x320xf32>
    %swap3A_490 = vector.shape_cast %swap3A_489 : vector<1x16x8x320xf32> to vector<16x8x320xf32>
    %swap3A_491 = vector.shape_cast %div3A_484 : vector<16x8x320xf32> to vector<1x16x8x320xf32>
    tpu.vector_store %arg6[%swap3A_485, %swap3A_486, %swap3A_487, %swap3A_488], %swap3A_491 {strides = array<i32>} : memref<38x16x8x320xf32, #tpu.memory_space<vmem>>, vector<1x16x8x320xf32>,
    %slice3A_492 = vector.extract_strided_slice %add3A {offsets = [0, 72], sizes = [16, 8], strides = [1, 1]} : vector<16x320xf32> to vector<16x8xf32>
    %broadcast_in_dim3A_493 = vector.shape_cast %slice3A_492 : vector<16x8xf32> to vector<16x8x1xf32>
    %slice3A_494 = vector.extract_strided_slice %add3A_27 {offsets = [0, 72], sizes = [16, 8], strides = [1, 1]} : vector<16x320xf32> to vector<16x8xf32>
    %broadcast_in_dim3A_495 = vector.shape_cast %slice3A_494 : vector<16x8xf32> to vector<16x8x1xf32>
    %slice3A_496 = vector.extract_strided_slice %add3A_28 {offsets = [0, 72], sizes = [16, 8], strides = [1, 1]} : vector<16x320xf32> to vector<16x8xf32>
    %broadcast_in_dim3A_497 = vector.shape_cast %slice3A_496 : vector<16x8xf32> to vector<16x8x1xf32>
    %slice3A_498 = vector.extract_strided_slice %add3A_29 {offsets = [0, 72], sizes = [16, 8], strides = [1, 1]} : vector<16x320xf32> to vector<16x8xf32>
    %broadcast_in_dim3A_499 = vector.shape_cast %slice3A_498 : vector<16x8xf32> to vector<16x8x1xf32>
    %slice3A_500 = vector.extract_strided_slice %mul3A_31 {offsets = [0, 72], sizes = [16, 8], strides = [1, 1]} : vector<16x320xf32> to vector<16x8xf32>
    %broadcast_in_dim3A_501 = vector.shape_cast %slice3A_500 : vector<16x8xf32> to vector<16x8x1xf32>
    %broadcast_in_dim3A_502 = vector.shape_cast %add3A_28 : vector<16x320xf32> to vector<16x1x320xf32>
    %min3A_503 = vector.broadcast %broadcast_in_dim3A_502 : vector<16x1x320xf32> to vector<16x8x320xf32>
    %min3A_504 = vector.broadcast %broadcast_in_dim3A_497 : vector<16x8x1xf32> to vector<16x8x320xf32>
    %min3A_505 = arith.minimumf %min3A_503, %min3A_504 : vector<16x8x320xf32>
    %broadcast_in_dim3A_506 = vector.shape_cast %add3A : vector<16x320xf32> to vector<16x1x320xf32>
    %max3A_507 = vector.broadcast %broadcast_in_dim3A_506 : vector<16x1x320xf32> to vector<16x8x320xf32>
    %max3A_508 = vector.broadcast %broadcast_in_dim3A_493 : vector<16x8x1xf32> to vector<16x8x320xf32>
    %max3A_509 = arith.maximumf %max3A_507, %max3A_508 : vector<16x8x320xf32>
    %sub3A_510 = arith.subf %min3A_505, %max3A_509 : vector<16x8x320xf32>
    %jit3A_511 = arith.constant 0.000000e+00 : f32
    %max3A_512 = vector.broadcast %jit3A_511 : f32 to vector<16x8x320xf32>
    %max3A_513 = arith.maximumf %max3A_512, %sub3A_510 : vector<16x8x320xf32>
    %broadcast_in_dim3A_514 = vector.shape_cast %add3A_29 : vector<16x320xf32> to vector<16x1x320xf32>
    %min3A_515 = vector.broadcast %broadcast_in_dim3A_514 : vector<16x1x320xf32> to vector<16x8x320xf32>
    %min3A_516 = vector.broadcast %broadcast_in_dim3A_499 : vector<16x8x1xf32> to vector<16x8x320xf32>
    %min3A_517 = arith.minimumf %min3A_515, %min3A_516 : vector<16x8x320xf32>
    %broadcast_in_dim3A_518 = vector.shape_cast %add3A_27 : vector<16x320xf32> to vector<16x1x320xf32>
    %max3A_519 = vector.broadcast %broadcast_in_dim3A_518 : vector<16x1x320xf32> to vector<16x8x320xf32>
    %max3A_520 = vector.broadcast %broadcast_in_dim3A_495 : vector<16x8x1xf32> to vector<16x8x320xf32>
    %max3A_521 = arith.maximumf %max3A_519, %max3A_520 : vector<16x8x320xf32>
    %sub3A_522 = arith.subf %min3A_517, %max3A_521 : vector<16x8x320xf32>
    %jit3A_523 = arith.constant 0.000000e+00 : f32
    %max3A_524 = vector.broadcast %jit3A_523 : f32 to vector<16x8x320xf32>
    %max3A_525 = arith.maximumf %max3A_524, %sub3A_522 : vector<16x8x320xf32>
    %mul3A_526 = arith.mulf %max3A_513, %max3A_525 : vector<16x8x320xf32>
    %broadcast_in_dim3A_527 = vector.shape_cast %mul3A_31 : vector<16x320xf32> to vector<16x1x320xf32>
    %add3A_528 = vector.broadcast %broadcast_in_dim3A_501 : vector<16x8x1xf32> to vector<16x8x320xf32>
    %add3A_529 = vector.broadcast %broadcast_in_dim3A_527 : vector<16x1x320xf32> to vector<16x8x320xf32>
    %add3A_530 = arith.addf %add3A_528, %add3A_529 : vector<16x8x320xf32>
    %sub3A_531 = arith.subf %add3A_530, %mul3A_526 : vector<16x8x320xf32>
    %add3A_532 = arith.constant 9.99999971E-10 : f32
    %add3A_533 = vector.broadcast %add3A_532 : f32 to vector<16x8x320xf32>
    %add3A_534 = arith.addf %sub3A_531, %add3A_533 : vector<16x8x320xf32>
    %div3A_535 = arith.divf %mul3A_526, %add3A_534 : vector<16x8x320xf32>
    %swap3A_536 = arith.constant 9 : index
    %swap3A_537 = arith.constant 0 : index
    %swap3A_538 = arith.constant 0 : index
    %swap3A_539 = arith.constant 0 : index
    %swap3A_540 = vector.load %arg6[%swap3A_536, %swap3A_537, %swap3A_538, %swap3A_539] : memref<38x16x8x320xf32, #tpu.memory_space<vmem>>, vector<1x16x8x320xf32>
    %swap3A_541 = vector.shape_cast %swap3A_540 : vector<1x16x8x320xf32> to vector<16x8x320xf32>
    %swap3A_542 = vector.shape_cast %div3A_535 : vector<16x8x320xf32> to vector<1x16x8x320xf32>
    tpu.vector_store %arg6[%swap3A_536, %swap3A_537, %swap3A_538, %swap3A_539], %swap3A_542 {strides = array<i32>} : memref<38x16x8x320xf32, #tpu.memory_space<vmem>>, vector<1x16x8x320xf32>,
    %slice3A_543 = vector.extract_strided_slice %add3A {offsets = [0, 80], sizes = [16, 8], strides = [1, 1]} : vector<16x320xf32> to vector<16x8xf32>
    %broadcast_in_dim3A_544 = vector.shape_cast %slice3A_543 : vector<16x8xf32> to vector<16x8x1xf32>
    %slice3A_545 = vector.extract_strided_slice %add3A_27 {offsets = [0, 80], sizes = [16, 8], strides = [1, 1]} : vector<16x320xf32> to vector<16x8xf32>
    %broadcast_in_dim3A_546 = vector.shape_cast %slice3A_545 : vector<16x8xf32> to vector<16x8x1xf32>
    %slice3A_547 = vector.extract_strided_slice %add3A_28 {offsets = [0, 80], sizes = [16, 8], strides = [1, 1]} : vector<16x320xf32> to vector<16x8xf32>
    %broadcast_in_dim3A_548 = vector.shape_cast %slice3A_547 : vector<16x8xf32> to vector<16x8x1xf32>
    %slice3A_549 = vector.extract_strided_slice %add3A_29 {offsets = [0, 80], sizes = [16, 8], strides = [1, 1]} : vector<16x320xf32> to vector<16x8xf32>
    %broadcast_in_dim3A_550 = vector.shape_cast %slice3A_549 : vector<16x8xf32> to vector<16x8x1xf32>
    %slice3A_551 = vector.extract_strided_slice %mul3A_31 {offsets = [0, 80], sizes = [16, 8], strides = [1, 1]} : vector<16x320xf32> to vector<16x8xf32>
    %broadcast_in_dim3A_552 = vector.shape_cast %slice3A_551 : vector<16x8xf32> to vector<16x8x1xf32>
    %broadcast_in_dim3A_553 = vector.shape_cast %add3A_28 : vector<16x320xf32> to vector<16x1x320xf32>
    %min3A_554 = vector.broadcast %broadcast_in_dim3A_553 : vector<16x1x320xf32> to vector<16x8x320xf32>
    %min3A_555 = vector.broadcast %broadcast_in_dim3A_548 : vector<16x8x1xf32> to vector<16x8x320xf32>
    %min3A_556 = arith.minimumf %min3A_554, %min3A_555 : vector<16x8x320xf32>
    %broadcast_in_dim3A_557 = vector.shape_cast %add3A : vector<16x320xf32> to vector<16x1x320xf32>
    %max3A_558 = vector.broadcast %broadcast_in_dim3A_557 : vector<16x1x320xf32> to vector<16x8x320xf32>
    %max3A_559 = vector.broadcast %broadcast_in_dim3A_544 : vector<16x8x1xf32> to vector<16x8x320xf32>
    %max3A_560 = arith.maximumf %max3A_558, %max3A_559 : vector<16x8x320xf32>
    %sub3A_561 = arith.subf %min3A_556, %max3A_560 : vector<16x8x320xf32>
    %jit3A_562 = arith.constant 0.000000e+00 : f32
    %max3A_563 = vector.broadcast %jit3A_562 : f32 to vector<16x8x320xf32>
    %max3A_564 = arith.maximumf %max3A_563, %sub3A_561 : vector<16x8x320xf32>
    %broadcast_in_dim3A_565 = vector.shape_cast %add3A_29 : vector<16x320xf32> to vector<16x1x320xf32>
    %min3A_566 = vector.broadcast %broadcast_in_dim3A_565 : vector<16x1x320xf32> to vector<16x8x320xf32>
    %min3A_567 = vector.broadcast %broadcast_in_dim3A_550 : vector<16x8x1xf32> to vector<16x8x320xf32>
    %min3A_568 = arith.minimumf %min3A_566, %min3A_567 : vector<16x8x320xf32>
    %broadcast_in_dim3A_569 = vector.shape_cast %add3A_27 : vector<16x320xf32> to vector<16x1x320xf32>
    %max3A_570 = vector.broadcast %broadcast_in_dim3A_569 : vector<16x1x320xf32> to vector<16x8x320xf32>
    %max3A_571 = vector.broadcast %broadcast_in_dim3A_546 : vector<16x8x1xf32> to vector<16x8x320xf32>
    %max3A_572 = arith.maximumf %max3A_570, %max3A_571 : vector<16x8x320xf32>
    %sub3A_573 = arith.subf %min3A_568, %max3A_572 : vector<16x8x320xf32>
    %jit3A_574 = arith.constant 0.000000e+00 : f32
    %max3A_575 = vector.broadcast %jit3A_574 : f32 to vector<16x8x320xf32>
    %max3A_576 = arith.maximumf %max3A_575, %sub3A_573 : vector<16x8x320xf32>
    %mul3A_577 = arith.mulf %max3A_564, %max3A_576 : vector<16x8x320xf32>
    %broadcast_in_dim3A_578 = vector.shape_cast %mul3A_31 : vector<16x320xf32> to vector<16x1x320xf32>
    %add3A_579 = vector.broadcast %broadcast_in_dim3A_552 : vector<16x8x1xf32> to vector<16x8x320xf32>
    %add3A_580 = vector.broadcast %broadcast_in_dim3A_578 : vector<16x1x320xf32> to vector<16x8x320xf32>
    %add3A_581 = arith.addf %add3A_579, %add3A_580 : vector<16x8x320xf32>
    %sub3A_582 = arith.subf %add3A_581, %mul3A_577 : vector<16x8x320xf32>
    %add3A_583 = arith.constant 9.99999971E-10 : f32
    %add3A_584 = vector.broadcast %add3A_583 : f32 to vector<16x8x320xf32>
    %add3A_585 = arith.addf %sub3A_582, %add3A_584 : vector<16x8x320xf32>
    %div3A_586 = arith.divf %mul3A_577, %add3A_585 : vector<16x8x320xf32>
    %swap3A_587 = arith.constant 10 : index
    %swap3A_588 = arith.constant 0 : index
    %swap3A_589 = arith.constant 0 : index
    %swap3A_590 = arith.constant 0 : index
    %swap3A_591 = vector.load %arg6[%swap3A_587, %swap3A_588, %swap3A_589, %swap3A_590] : memref<38x16x8x320xf32, #tpu.memory_space<vmem>>, vector<1x16x8x320xf32>
    %swap3A_592 = vector.shape_cast %swap3A_591 : vector<1x16x8x320xf32> to vector<16x8x320xf32>
    %swap3A_593 = vector.shape_cast %div3A_586 : vector<16x8x320xf32> to vector<1x16x8x320xf32>
    tpu.vector_store %arg6[%swap3A_587, %swap3A_588, %swap3A_589, %swap3A_590], %swap3A_593 {strides = array<i32>} : memref<38x16x8x320xf32, #tpu.memory_space<vmem>>, vector<1x16x8x320xf32>,
    %slice3A_594 = vector.extract_strided_slice %add3A {offsets = [0, 88], sizes = [16, 8], strides = [1, 1]} : vector<16x320xf32> to vector<16x8xf32>
    %broadcast_in_dim3A_595 = vector.shape_cast %slice3A_594 : vector<16x8xf32> to vector<16x8x1xf32>
    %slice3A_596 = vector.extract_strided_slice %add3A_27 {offsets = [0, 88], sizes = [16, 8], strides = [1, 1]} : vector<16x320xf32> to vector<16x8xf32>
    %broadcast_in_dim3A_597 = vector.shape_cast %slice3A_596 : vector<16x8xf32> to vector<16x8x1xf32>
    %slice3A_598 = vector.extract_strided_slice %add3A_28 {offsets = [0, 88], sizes = [16, 8], strides = [1, 1]} : vector<16x320xf32> to vector<16x8xf32>
    %broadcast_in_dim3A_599 = vector.shape_cast %slice3A_598 : vector<16x8xf32> to vector<16x8x1xf32>
    %slice3A_600 = vector.extract_strided_slice %add3A_29 {offsets = [0, 88], sizes = [16, 8], strides = [1, 1]} : vector<16x320xf32> to vector<16x8xf32>
    %broadcast_in_dim3A_601 = vector.shape_cast %slice3A_600 : vector<16x8xf32> to vector<16x8x1xf32>
    %slice3A_602 = vector.extract_strided_slice %mul3A_31 {offsets = [0, 88], sizes = [16, 8], strides = [1, 1]} : vector<16x320xf32> to vector<16x8xf32>
    %broadcast_in_dim3A_603 = vector.shape_cast %slice3A_602 : vector<16x8xf32> to vector<16x8x1xf32>
    %broadcast_in_dim3A_604 = vector.shape_cast %add3A_28 : vector<16x320xf32> to vector<16x1x320xf32>
    %min3A_605 = vector.broadcast %broadcast_in_dim3A_604 : vector<16x1x320xf32> to vector<16x8x320xf32>
    %min3A_606 = vector.broadcast %broadcast_in_dim3A_599 : vector<16x8x1xf32> to vector<16x8x320xf32>
    %min3A_607 = arith.minimumf %min3A_605, %min3A_606 : vector<16x8x320xf32>
    %broadcast_in_dim3A_608 = vector.shape_cast %add3A : vector<16x320xf32> to vector<16x1x320xf32>
    %max3A_609 = vector.broadcast %broadcast_in_dim3A_608 : vector<16x1x320xf32> to vector<16x8x320xf32>
    %max3A_610 = vector.broadcast %broadcast_in_dim3A_595 : vector<16x8x1xf32> to vector<16x8x320xf32>
    %max3A_611 = arith.maximumf %max3A_609, %max3A_610 : vector<16x8x320xf32>
    %sub3A_612 = arith.subf %min3A_607, %max3A_611 : vector<16x8x320xf32>
    %jit3A_613 = arith.constant 0.000000e+00 : f32
    %max3A_614 = vector.broadcast %jit3A_613 : f32 to vector<16x8x320xf32>
    %max3A_615 = arith.maximumf %max3A_614, %sub3A_612 : vector<16x8x320xf32>
    %broadcast_in_dim3A_616 = vector.shape_cast %add3A_29 : vector<16x320xf32> to vector<16x1x320xf32>
    %min3A_617 = vector.broadcast %broadcast_in_dim3A_616 : vector<16x1x320xf32> to vector<16x8x320xf32>
    %min3A_618 = vector.broadcast %broadcast_in_dim3A_601 : vector<16x8x1xf32> to vector<16x8x320xf32>
    %min3A_619 = arith.minimumf %min3A_617, %min3A_618 : vector<16x8x320xf32>
    %broadcast_in_dim3A_620 = vector.shape_cast %add3A_27 : vector<16x320xf32> to vector<16x1x320xf32>
    %max3A_621 = vector.broadcast %broadcast_in_dim3A_620 : vector<16x1x320xf32> to vector<16x8x320xf32>
    %max3A_622 = vector.broadcast %broadcast_in_dim3A_597 : vector<16x8x1xf32> to vector<16x8x320xf32>
    %max3A_623 = arith.maximumf %max3A_621, %max3A_622 : vector<16x8x320xf32>
    %sub3A_624 = arith.subf %min3A_619, %max3A_623 : vector<16x8x320xf32>
    %jit3A_625 = arith.constant 0.000000e+00 : f32
    %max3A_626 = vector.broadcast %jit3A_625 : f32 to vector<16x8x320xf32>
    %max3A_627 = arith.maximumf %max3A_626, %sub3A_624 : vector<16x8x320xf32>
    %mul3A_628 = arith.mulf %max3A_615, %max3A_627 : vector<16x8x320xf32>
    %broadcast_in_dim3A_629 = vector.shape_cast %mul3A_31 : vector<16x320xf32> to vector<16x1x320xf32>
    %add3A_630 = vector.broadcast %broadcast_in_dim3A_603 : vector<16x8x1xf32> to vector<16x8x320xf32>
    %add3A_631 = vector.broadcast %broadcast_in_dim3A_629 : vector<16x1x320xf32> to vector<16x8x320xf32>
    %add3A_632 = arith.addf %add3A_630, %add3A_631 : vector<16x8x320xf32>
    %sub3A_633 = arith.subf %add3A_632, %mul3A_628 : vector<16x8x320xf32>
    %add3A_634 = arith.constant 9.99999971E-10 : f32
    %add3A_635 = vector.broadcast %add3A_634 : f32 to vector<16x8x320xf32>
    %add3A_636 = arith.addf %sub3A_633, %add3A_635 : vector<16x8x320xf32>
    %div3A_637 = arith.divf %mul3A_628, %add3A_636 : vector<16x8x320xf32>
    %swap3A_638 = arith.constant 11 : index
    %swap3A_639 = arith.constant 0 : index
    %swap3A_640 = arith.constant 0 : index
    %swap3A_641 = arith.constant 0 : index
    %swap3A_642 = vector.load %arg6[%swap3A_638, %swap3A_639, %swap3A_640, %swap3A_641] : memref<38x16x8x320xf32, #tpu.memory_space<vmem>>, vector<1x16x8x320xf32>
    %swap3A_643 = vector.shape_cast %swap3A_642 : vector<1x16x8x320xf32> to vector<16x8x320xf32>
    %swap3A_644 = vector.shape_cast %div3A_637 : vector<16x8x320xf32> to vector<1x16x8x320xf32>
    tpu.vector_store %arg6[%swap3A_638, %swap3A_639, %swap3A_640, %swap3A_641], %swap3A_644 {strides = array<i32>} : memref<38x16x8x320xf32, #tpu.memory_space<vmem>>, vector<1x16x8x320xf32>,
    %slice3A_645 = vector.extract_strided_slice %add3A {offsets = [0, 96], sizes = [16, 8], strides = [1, 1]} : vector<16x320xf32> to vector<16x8xf32>
    %broadcast_in_dim3A_646 = vector.shape_cast %slice3A_645 : vector<16x8xf32> to vector<16x8x1xf32>
    %slice3A_647 = vector.extract_strided_slice %add3A_27 {offsets = [0, 96], sizes = [16, 8], strides = [1, 1]} : vector<16x320xf32> to vector<16x8xf32>
    %broadcast_in_dim3A_648 = vector.shape_cast %slice3A_647 : vector<16x8xf32> to vector<16x8x1xf32>
    %slice3A_649 = vector.extract_strided_slice %add3A_28 {offsets = [0, 96], sizes = [16, 8], strides = [1, 1]} : vector<16x320xf32> to vector<16x8xf32>
    %broadcast_in_dim3A_650 = vector.shape_cast %slice3A_649 : vector<16x8xf32> to vector<16x8x1xf32>
    %slice3A_651 = vector.extract_strided_slice %add3A_29 {offsets = [0, 96], sizes = [16, 8], strides = [1, 1]} : vector<16x320xf32> to vector<16x8xf32>
    %broadcast_in_dim3A_652 = vector.shape_cast %slice3A_651 : vector<16x8xf32> to vector<16x8x1xf32>
    %slice3A_653 = vector.extract_strided_slice %mul3A_31 {offsets = [0, 96], sizes = [16, 8], strides = [1, 1]} : vector<16x320xf32> to vector<16x8xf32>
    %broadcast_in_dim3A_654 = vector.shape_cast %slice3A_653 : vector<16x8xf32> to vector<16x8x1xf32>
    %broadcast_in_dim3A_655 = vector.shape_cast %add3A_28 : vector<16x320xf32> to vector<16x1x320xf32>
    %min3A_656 = vector.broadcast %broadcast_in_dim3A_655 : vector<16x1x320xf32> to vector<16x8x320xf32>
    %min3A_657 = vector.broadcast %broadcast_in_dim3A_650 : vector<16x8x1xf32> to vector<16x8x320xf32>
    %min3A_658 = arith.minimumf %min3A_656, %min3A_657 : vector<16x8x320xf32>
    %broadcast_in_dim3A_659 = vector.shape_cast %add3A : vector<16x320xf32> to vector<16x1x320xf32>
    %max3A_660 = vector.broadcast %broadcast_in_dim3A_659 : vector<16x1x320xf32> to vector<16x8x320xf32>
    %max3A_661 = vector.broadcast %broadcast_in_dim3A_646 : vector<16x8x1xf32> to vector<16x8x320xf32>
    %max3A_662 = arith.maximumf %max3A_660, %max3A_661 : vector<16x8x320xf32>
    %sub3A_663 = arith.subf %min3A_658, %max3A_662 : vector<16x8x320xf32>
    %jit3A_664 = arith.constant 0.000000e+00 : f32
    %max3A_665 = vector.broadcast %jit3A_664 : f32 to vector<16x8x320xf32>
    %max3A_666 = arith.maximumf %max3A_665, %sub3A_663 : vector<16x8x320xf32>
    %broadcast_in_dim3A_667 = vector.shape_cast %add3A_29 : vector<16x320xf32> to vector<16x1x320xf32>
    %min3A_668 = vector.broadcast %broadcast_in_dim3A_667 : vector<16x1x320xf32> to vector<16x8x320xf32>
    %min3A_669 = vector.broadcast %broadcast_in_dim3A_652 : vector<16x8x1xf32> to vector<16x8x320xf32>
    %min3A_670 = arith.minimumf %min3A_668, %min3A_669 : vector<16x8x320xf32>
    %broadcast_in_dim3A_671 = vector.shape_cast %add3A_27 : vector<16x320xf32> to vector<16x1x320xf32>
    %max3A_672 = vector.broadcast %broadcast_in_dim3A_671 : vector<16x1x320xf32> to vector<16x8x320xf32>
    %max3A_673 = vector.broadcast %broadcast_in_dim3A_648 : vector<16x8x1xf32> to vector<16x8x320xf32>
    %max3A_674 = arith.maximumf %max3A_672, %max3A_673 : vector<16x8x320xf32>
    %sub3A_675 = arith.subf %min3A_670, %max3A_674 : vector<16x8x320xf32>
    %jit3A_676 = arith.constant 0.000000e+00 : f32
    %max3A_677 = vector.broadcast %jit3A_676 : f32 to vector<16x8x320xf32>
    %max3A_678 = arith.maximumf %max3A_677, %sub3A_675 : vector<16x8x320xf32>
    %mul3A_679 = arith.mulf %max3A_666, %max3A_678 : vector<16x8x320xf32>
    %broadcast_in_dim3A_680 = vector.shape_cast %mul3A_31 : vector<16x320xf32> to vector<16x1x320xf32>
    %add3A_681 = vector.broadcast %broadcast_in_dim3A_654 : vector<16x8x1xf32> to vector<16x8x320xf32>
    %add3A_682 = vector.broadcast %broadcast_in_dim3A_680 : vector<16x1x320xf32> to vector<16x8x320xf32>
    %add3A_683 = arith.addf %add3A_681, %add3A_682 : vector<16x8x320xf32>
    %sub3A_684 = arith.subf %add3A_683, %mul3A_679 : vector<16x8x320xf32>
    %add3A_685 = arith.constant 9.99999971E-10 : f32
    %add3A_686 = vector.broadcast %add3A_685 : f32 to vector<16x8x320xf32>
    %add3A_687 = arith.addf %sub3A_684, %add3A_686 : vector<16x8x320xf32>
    %div3A_688 = arith.divf %mul3A_679, %add3A_687 : vector<16x8x320xf32>
    %swap3A_689 = arith.constant 12 : index
    %swap3A_690 = arith.constant 0 : index
    %swap3A_691 = arith.constant 0 : index
    %swap3A_692 = arith.constant 0 : index
    %swap3A_693 = vector.load %arg6[%swap3A_689, %swap3A_690, %swap3A_691, %swap3A_692] : memref<38x16x8x320xf32, #tpu.memory_space<vmem>>, vector<1x16x8x320xf32>
    %swap3A_694 = vector.shape_cast %swap3A_693 : vector<1x16x8x320xf32> to vector<16x8x320xf32>
    %swap3A_695 = vector.shape_cast %div3A_688 : vector<16x8x320xf32> to vector<1x16x8x320xf32>
    tpu.vector_store %arg6[%swap3A_689, %swap3A_690, %swap3A_691, %swap3A_692], %swap3A_695 {strides = array<i32>} : memref<38x16x8x320xf32, #tpu.memory_space<vmem>>, vector<1x16x8x320xf32>,
    %slice3A_696 = vector.extract_strided_slice %add3A {offsets = [0, 104], sizes = [16, 8], strides = [1, 1]} : vector<16x320xf32> to vector<16x8xf32>
    %broadcast_in_dim3A_697 = vector.shape_cast %slice3A_696 : vector<16x8xf32> to vector<16x8x1xf32>
    %slice3A_698 = vector.extract_strided_slice %add3A_27 {offsets = [0, 104], sizes = [16, 8], strides = [1, 1]} : vector<16x320xf32> to vector<16x8xf32>
    %broadcast_in_dim3A_699 = vector.shape_cast %slice3A_698 : vector<16x8xf32> to vector<16x8x1xf32>
    %slice3A_700 = vector.extract_strided_slice %add3A_28 {offsets = [0, 104], sizes = [16, 8], strides = [1, 1]} : vector<16x320xf32> to vector<16x8xf32>
    %broadcast_in_dim3A_701 = vector.shape_cast %slice3A_700 : vector<16x8xf32> to vector<16x8x1xf32>
    %slice3A_702 = vector.extract_strided_slice %add3A_29 {offsets = [0, 104], sizes = [16, 8], strides = [1, 1]} : vector<16x320xf32> to vector<16x8xf32>
    %broadcast_in_dim3A_703 = vector.shape_cast %slice3A_702 : vector<16x8xf32> to vector<16x8x1xf32>
    %slice3A_704 = vector.extract_strided_slice %mul3A_31 {offsets = [0, 104], sizes = [16, 8], strides = [1, 1]} : vector<16x320xf32> to vector<16x8xf32>
    %broadcast_in_dim3A_705 = vector.shape_cast %slice3A_704 : vector<16x8xf32> to vector<16x8x1xf32>
    %broadcast_in_dim3A_706 = vector.shape_cast %add3A_28 : vector<16x320xf32> to vector<16x1x320xf32>
    %min3A_707 = vector.broadcast %broadcast_in_dim3A_706 : vector<16x1x320xf32> to vector<16x8x320xf32>
    %min3A_708 = vector.broadcast %broadcast_in_dim3A_701 : vector<16x8x1xf32> to vector<16x8x320xf32>
    %min3A_709 = arith.minimumf %min3A_707, %min3A_708 : vector<16x8x320xf32>
    %broadcast_in_dim3A_710 = vector.shape_cast %add3A : vector<16x320xf32> to vector<16x1x320xf32>
    %max3A_711 = vector.broadcast %broadcast_in_dim3A_710 : vector<16x1x320xf32> to vector<16x8x320xf32>
    %max3A_712 = vector.broadcast %broadcast_in_dim3A_697 : vector<16x8x1xf32> to vector<16x8x320xf32>
    %max3A_713 = arith.maximumf %max3A_711, %max3A_712 : vector<16x8x320xf32>
    %sub3A_714 = arith.subf %min3A_709, %max3A_713 : vector<16x8x320xf32>
    %jit3A_715 = arith.constant 0.000000e+00 : f32
    %max3A_716 = vector.broadcast %jit3A_715 : f32 to vector<16x8x320xf32>
    %max3A_717 = arith.maximumf %max3A_716, %sub3A_714 : vector<16x8x320xf32>
    %broadcast_in_dim3A_718 = vector.shape_cast %add3A_29 : vector<16x320xf32> to vector<16x1x320xf32>
    %min3A_719 = vector.broadcast %broadcast_in_dim3A_718 : vector<16x1x320xf32> to vector<16x8x320xf32>
    %min3A_720 = vector.broadcast %broadcast_in_dim3A_703 : vector<16x8x1xf32> to vector<16x8x320xf32>
    %min3A_721 = arith.minimumf %min3A_719, %min3A_720 : vector<16x8x320xf32>
    %broadcast_in_dim3A_722 = vector.shape_cast %add3A_27 : vector<16x320xf32> to vector<16x1x320xf32>
    %max3A_723 = vector.broadcast %broadcast_in_dim3A_722 : vector<16x1x320xf32> to vector<16x8x320xf32>
    %max3A_724 = vector.broadcast %broadcast_in_dim3A_699 : vector<16x8x1xf32> to vector<16x8x320xf32>
    %max3A_725 = arith.maximumf %max3A_723, %max3A_724 : vector<16x8x320xf32>
    %sub3A_726 = arith.subf %min3A_721, %max3A_725 : vector<16x8x320xf32>
    %jit3A_727 = arith.constant 0.000000e+00 : f32
    %max3A_728 = vector.broadcast %jit3A_727 : f32 to vector<16x8x320xf32>
    %max3A_729 = arith.maximumf %max3A_728, %sub3A_726 : vector<16x8x320xf32>
    %mul3A_730 = arith.mulf %max3A_717, %max3A_729 : vector<16x8x320xf32>
    %broadcast_in_dim3A_731 = vector.shape_cast %mul3A_31 : vector<16x320xf32> to vector<16x1x320xf32>
    %add3A_732 = vector.broadcast %broadcast_in_dim3A_705 : vector<16x8x1xf32> to vector<16x8x320xf32>
    %add3A_733 = vector.broadcast %broadcast_in_dim3A_731 : vector<16x1x320xf32> to vector<16x8x320xf32>
    %add3A_734 = arith.addf %add3A_732, %add3A_733 : vector<16x8x320xf32>
    %sub3A_735 = arith.subf %add3A_734, %mul3A_730 : vector<16x8x320xf32>
    %add3A_736 = arith.constant 9.99999971E-10 : f32
    %add3A_737 = vector.broadcast %add3A_736 : f32 to vector<16x8x320xf32>
    %add3A_738 = arith.addf %sub3A_735, %add3A_737 : vector<16x8x320xf32>
    %div3A_739 = arith.divf %mul3A_730, %add3A_738 : vector<16x8x320xf32>
    %swap3A_740 = arith.constant 13 : index
    %swap3A_741 = arith.constant 0 : index
    %swap3A_742 = arith.constant 0 : index
    %swap3A_743 = arith.constant 0 : index
    %swap3A_744 = vector.load %arg6[%swap3A_740, %swap3A_741, %swap3A_742, %swap3A_743] : memref<38x16x8x320xf32, #tpu.memory_space<vmem>>, vector<1x16x8x320xf32>
    %swap3A_745 = vector.shape_cast %swap3A_744 : vector<1x16x8x320xf32> to vector<16x8x320xf32>
    %swap3A_746 = vector.shape_cast %div3A_739 : vector<16x8x320xf32> to vector<1x16x8x320xf32>
    tpu.vector_store %arg6[%swap3A_740, %swap3A_741, %swap3A_742, %swap3A_743], %swap3A_746 {strides = array<i32>} : memref<38x16x8x320xf32, #tpu.memory_space<vmem>>, vector<1x16x8x320xf32>,
    %slice3A_747 = vector.extract_strided_slice %add3A {offsets = [0, 112], sizes = [16, 8], strides = [1, 1]} : vector<16x320xf32> to vector<16x8xf32>
    %broadcast_in_dim3A_748 = vector.shape_cast %slice3A_747 : vector<16x8xf32> to vector<16x8x1xf32>
    %slice3A_749 = vector.extract_strided_slice %add3A_27 {offsets = [0, 112], sizes = [16, 8], strides = [1, 1]} : vector<16x320xf32> to vector<16x8xf32>
    %broadcast_in_dim3A_750 = vector.shape_cast %slice3A_749 : vector<16x8xf32> to vector<16x8x1xf32>
    %slice3A_751 = vector.extract_strided_slice %add3A_28 {offsets = [0, 112], sizes = [16, 8], strides = [1, 1]} : vector<16x320xf32> to vector<16x8xf32>
    %broadcast_in_dim3A_752 = vector.shape_cast %slice3A_751 : vector<16x8xf32> to vector<16x8x1xf32>
    %slice3A_753 = vector.extract_strided_slice %add3A_29 {offsets = [0, 112], sizes = [16, 8], strides = [1, 1]} : vector<16x320xf32> to vector<16x8xf32>
    %broadcast_in_dim3A_754 = vector.shape_cast %slice3A_753 : vector<16x8xf32> to vector<16x8x1xf32>
    %slice3A_755 = vector.extract_strided_slice %mul3A_31 {offsets = [0, 112], sizes = [16, 8], strides = [1, 1]} : vector<16x320xf32> to vector<16x8xf32>
    %broadcast_in_dim3A_756 = vector.shape_cast %slice3A_755 : vector<16x8xf32> to vector<16x8x1xf32>
    %broadcast_in_dim3A_757 = vector.shape_cast %add3A_28 : vector<16x320xf32> to vector<16x1x320xf32>
    %min3A_758 = vector.broadcast %broadcast_in_dim3A_757 : vector<16x1x320xf32> to vector<16x8x320xf32>
    %min3A_759 = vector.broadcast %broadcast_in_dim3A_752 : vector<16x8x1xf32> to vector<16x8x320xf32>
    %min3A_760 = arith.minimumf %min3A_758, %min3A_759 : vector<16x8x320xf32>
    %broadcast_in_dim3A_761 = vector.shape_cast %add3A : vector<16x320xf32> to vector<16x1x320xf32>
    %max3A_762 = vector.broadcast %broadcast_in_dim3A_761 : vector<16x1x320xf32> to vector<16x8x320xf32>
    %max3A_763 = vector.broadcast %broadcast_in_dim3A_748 : vector<16x8x1xf32> to vector<16x8x320xf32>
    %max3A_764 = arith.maximumf %max3A_762, %max3A_763 : vector<16x8x320xf32>
    %sub3A_765 = arith.subf %min3A_760, %max3A_764 : vector<16x8x320xf32>
    %jit3A_766 = arith.constant 0.000000e+00 : f32
    %max3A_767 = vector.broadcast %jit3A_766 : f32 to vector<16x8x320xf32>
    %max3A_768 = arith.maximumf %max3A_767, %sub3A_765 : vector<16x8x320xf32>
    %broadcast_in_dim3A_769 = vector.shape_cast %add3A_29 : vector<16x320xf32> to vector<16x1x320xf32>
    %min3A_770 = vector.broadcast %broadcast_in_dim3A_769 : vector<16x1x320xf32> to vector<16x8x320xf32>
    %min3A_771 = vector.broadcast %broadcast_in_dim3A_754 : vector<16x8x1xf32> to vector<16x8x320xf32>
    %min3A_772 = arith.minimumf %min3A_770, %min3A_771 : vector<16x8x320xf32>
    %broadcast_in_dim3A_773 = vector.shape_cast %add3A_27 : vector<16x320xf32> to vector<16x1x320xf32>
    %max3A_774 = vector.broadcast %broadcast_in_dim3A_773 : vector<16x1x320xf32> to vector<16x8x320xf32>
    %max3A_775 = vector.broadcast %broadcast_in_dim3A_750 : vector<16x8x1xf32> to vector<16x8x320xf32>
    %max3A_776 = arith.maximumf %max3A_774, %max3A_775 : vector<16x8x320xf32>
    %sub3A_777 = arith.subf %min3A_772, %max3A_776 : vector<16x8x320xf32>
    %jit3A_778 = arith.constant 0.000000e+00 : f32
    %max3A_779 = vector.broadcast %jit3A_778 : f32 to vector<16x8x320xf32>
    %max3A_780 = arith.maximumf %max3A_779, %sub3A_777 : vector<16x8x320xf32>
    %mul3A_781 = arith.mulf %max3A_768, %max3A_780 : vector<16x8x320xf32>
    %broadcast_in_dim3A_782 = vector.shape_cast %mul3A_31 : vector<16x320xf32> to vector<16x1x320xf32>
    %add3A_783 = vector.broadcast %broadcast_in_dim3A_756 : vector<16x8x1xf32> to vector<16x8x320xf32>
    %add3A_784 = vector.broadcast %broadcast_in_dim3A_782 : vector<16x1x320xf32> to vector<16x8x320xf32>
    %add3A_785 = arith.addf %add3A_783, %add3A_784 : vector<16x8x320xf32>
    %sub3A_786 = arith.subf %add3A_785, %mul3A_781 : vector<16x8x320xf32>
    %add3A_787 = arith.constant 9.99999971E-10 : f32
    %add3A_788 = vector.broadcast %add3A_787 : f32 to vector<16x8x320xf32>
    %add3A_789 = arith.addf %sub3A_786, %add3A_788 : vector<16x8x320xf32>
    %div3A_790 = arith.divf %mul3A_781, %add3A_789 : vector<16x8x320xf32>
    %swap3A_791 = arith.constant 14 : index
    %swap3A_792 = arith.constant 0 : index
    %swap3A_793 = arith.constant 0 : index
    %swap3A_794 = arith.constant 0 : index
    %swap3A_795 = vector.load %arg6[%swap3A_791, %swap3A_792, %swap3A_793, %swap3A_794] : memref<38x16x8x320xf32, #tpu.memory_space<vmem>>, vector<1x16x8x320xf32>
    %swap3A_796 = vector.shape_cast %swap3A_795 : vector<1x16x8x320xf32> to vector<16x8x320xf32>
    %swap3A_797 = vector.shape_cast %div3A_790 : vector<16x8x320xf32> to vector<1x16x8x320xf32>
    tpu.vector_store %arg6[%swap3A_791, %swap3A_792, %swap3A_793, %swap3A_794], %swap3A_797 {strides = array<i32>} : memref<38x16x8x320xf32, #tpu.memory_space<vmem>>, vector<1x16x8x320xf32>,
    %slice3A_798 = vector.extract_strided_slice %add3A {offsets = [0, 120], sizes = [16, 8], strides = [1, 1]} : vector<16x320xf32> to vector<16x8xf32>
    %broadcast_in_dim3A_799 = vector.shape_cast %slice3A_798 : vector<16x8xf32> to vector<16x8x1xf32>
    %slice3A_800 = vector.extract_strided_slice %add3A_27 {offsets = [0, 120], sizes = [16, 8], strides = [1, 1]} : vector<16x320xf32> to vector<16x8xf32>
    %broadcast_in_dim3A_801 = vector.shape_cast %slice3A_800 : vector<16x8xf32> to vector<16x8x1xf32>
    %slice3A_802 = vector.extract_strided_slice %add3A_28 {offsets = [0, 120], sizes = [16, 8], strides = [1, 1]} : vector<16x320xf32> to vector<16x8xf32>
    %broadcast_in_dim3A_803 = vector.shape_cast %slice3A_802 : vector<16x8xf32> to vector<16x8x1xf32>
    %slice3A_804 = vector.extract_strided_slice %add3A_29 {offsets = [0, 120], sizes = [16, 8], strides = [1, 1]} : vector<16x320xf32> to vector<16x8xf32>
    %broadcast_in_dim3A_805 = vector.shape_cast %slice3A_804 : vector<16x8xf32> to vector<16x8x1xf32>
    %slice3A_806 = vector.extract_strided_slice %mul3A_31 {offsets = [0, 120], sizes = [16, 8], strides = [1, 1]} : vector<16x320xf32> to vector<16x8xf32>
    %broadcast_in_dim3A_807 = vector.shape_cast %slice3A_806 : vector<16x8xf32> to vector<16x8x1xf32>
    %broadcast_in_dim3A_808 = vector.shape_cast %add3A_28 : vector<16x320xf32> to vector<16x1x320xf32>
    %min3A_809 = vector.broadcast %broadcast_in_dim3A_808 : vector<16x1x320xf32> to vector<16x8x320xf32>
    %min3A_810 = vector.broadcast %broadcast_in_dim3A_803 : vector<16x8x1xf32> to vector<16x8x320xf32>
    %min3A_811 = arith.minimumf %min3A_809, %min3A_810 : vector<16x8x320xf32>
    %broadcast_in_dim3A_812 = vector.shape_cast %add3A : vector<16x320xf32> to vector<16x1x320xf32>
    %max3A_813 = vector.broadcast %broadcast_in_dim3A_812 : vector<16x1x320xf32> to vector<16x8x320xf32>
    %max3A_814 = vector.broadcast %broadcast_in_dim3A_799 : vector<16x8x1xf32> to vector<16x8x320xf32>
    %max3A_815 = arith.maximumf %max3A_813, %max3A_814 : vector<16x8x320xf32>
    %sub3A_816 = arith.subf %min3A_811, %max3A_815 : vector<16x8x320xf32>
    %jit3A_817 = arith.constant 0.000000e+00 : f32
    %max3A_818 = vector.broadcast %jit3A_817 : f32 to vector<16x8x320xf32>
    %max3A_819 = arith.maximumf %max3A_818, %sub3A_816 : vector<16x8x320xf32>
    %broadcast_in_dim3A_820 = vector.shape_cast %add3A_29 : vector<16x320xf32> to vector<16x1x320xf32>
    %min3A_821 = vector.broadcast %broadcast_in_dim3A_820 : vector<16x1x320xf32> to vector<16x8x320xf32>
    %min3A_822 = vector.broadcast %broadcast_in_dim3A_805 : vector<16x8x1xf32> to vector<16x8x320xf32>
    %min3A_823 = arith.minimumf %min3A_821, %min3A_822 : vector<16x8x320xf32>
    %broadcast_in_dim3A_824 = vector.shape_cast %add3A_27 : vector<16x320xf32> to vector<16x1x320xf32>
    %max3A_825 = vector.broadcast %broadcast_in_dim3A_824 : vector<16x1x320xf32> to vector<16x8x320xf32>
    %max3A_826 = vector.broadcast %broadcast_in_dim3A_801 : vector<16x8x1xf32> to vector<16x8x320xf32>
    %max3A_827 = arith.maximumf %max3A_825, %max3A_826 : vector<16x8x320xf32>
    %sub3A_828 = arith.subf %min3A_823, %max3A_827 : vector<16x8x320xf32>
    %jit3A_829 = arith.constant 0.000000e+00 : f32
    %max3A_830 = vector.broadcast %jit3A_829 : f32 to vector<16x8x320xf32>
    %max3A_831 = arith.maximumf %max3A_830, %sub3A_828 : vector<16x8x320xf32>
    %mul3A_832 = arith.mulf %max3A_819, %max3A_831 : vector<16x8x320xf32>
    %broadcast_in_dim3A_833 = vector.shape_cast %mul3A_31 : vector<16x320xf32> to vector<16x1x320xf32>
    %add3A_834 = vector.broadcast %broadcast_in_dim3A_807 : vector<16x8x1xf32> to vector<16x8x320xf32>
    %add3A_835 = vector.broadcast %broadcast_in_dim3A_833 : vector<16x1x320xf32> to vector<16x8x320xf32>
    %add3A_836 = arith.addf %add3A_834, %add3A_835 : vector<16x8x320xf32>
    %sub3A_837 = arith.subf %add3A_836, %mul3A_832 : vector<16x8x320xf32>
    %add3A_838 = arith.constant 9.99999971E-10 : f32
    %add3A_839 = vector.broadcast %add3A_838 : f32 to vector<16x8x320xf32>
    %add3A_840 = arith.addf %sub3A_837, %add3A_839 : vector<16x8x320xf32>
    %div3A_841 = arith.divf %mul3A_832, %add3A_840 : vector<16x8x320xf32>
    %swap3A_842 = arith.constant 15 : index
    %swap3A_843 = arith.constant 0 : index
    %swap3A_844 = arith.constant 0 : index
    %swap3A_845 = arith.constant 0 : index
    %swap3A_846 = vector.load %arg6[%swap3A_842, %swap3A_843, %swap3A_844, %swap3A_845] : memref<38x16x8x320xf32, #tpu.memory_space<vmem>>, vector<1x16x8x320xf32>
    %swap3A_847 = vector.shape_cast %swap3A_846 : vector<1x16x8x320xf32> to vector<16x8x320xf32>
    %swap3A_848 = vector.shape_cast %div3A_841 : vector<16x8x320xf32> to vector<1x16x8x320xf32>
    tpu.vector_store %arg6[%swap3A_842, %swap3A_843, %swap3A_844, %swap3A_845], %swap3A_848 {strides = array<i32>} : memref<38x16x8x320xf32, #tpu.memory_space<vmem>>, vector<1x16x8x320xf32>,
    %slice3A_849 = vector.extract_strided_slice %add3A {offsets = [0, 128], sizes = [16, 8], strides = [1, 1]} : vector<16x320xf32> to vector<16x8xf32>
    %broadcast_in_dim3A_850 = vector.shape_cast %slice3A_849 : vector<16x8xf32> to vector<16x8x1xf32>
    %slice3A_851 = vector.extract_strided_slice %add3A_27 {offsets = [0, 128], sizes = [16, 8], strides = [1, 1]} : vector<16x320xf32> to vector<16x8xf32>
    %broadcast_in_dim3A_852 = vector.shape_cast %slice3A_851 : vector<16x8xf32> to vector<16x8x1xf32>
    %slice3A_853 = vector.extract_strided_slice %add3A_28 {offsets = [0, 128], sizes = [16, 8], strides = [1, 1]} : vector<16x320xf32> to vector<16x8xf32>
    %broadcast_in_dim3A_854 = vector.shape_cast %slice3A_853 : vector<16x8xf32> to vector<16x8x1xf32>
    %slice3A_855 = vector.extract_strided_slice %add3A_29 {offsets = [0, 128], sizes = [16, 8], strides = [1, 1]} : vector<16x320xf32> to vector<16x8xf32>
    %broadcast_in_dim3A_856 = vector.shape_cast %slice3A_855 : vector<16x8xf32> to vector<16x8x1xf32>
    %slice3A_857 = vector.extract_strided_slice %mul3A_31 {offsets = [0, 128], sizes = [16, 8], strides = [1, 1]} : vector<16x320xf32> to vector<16x8xf32>
    %broadcast_in_dim3A_858 = vector.shape_cast %slice3A_857 : vector<16x8xf32> to vector<16x8x1xf32>
    %broadcast_in_dim3A_859 = vector.shape_cast %add3A_28 : vector<16x320xf32> to vector<16x1x320xf32>
    %min3A_860 = vector.broadcast %broadcast_in_dim3A_859 : vector<16x1x320xf32> to vector<16x8x320xf32>
    %min3A_861 = vector.broadcast %broadcast_in_dim3A_854 : vector<16x8x1xf32> to vector<16x8x320xf32>
    %min3A_862 = arith.minimumf %min3A_860, %min3A_861 : vector<16x8x320xf32>
    %broadcast_in_dim3A_863 = vector.shape_cast %add3A : vector<16x320xf32> to vector<16x1x320xf32>
    %max3A_864 = vector.broadcast %broadcast_in_dim3A_863 : vector<16x1x320xf32> to vector<16x8x320xf32>
    %max3A_865 = vector.broadcast %broadcast_in_dim3A_850 : vector<16x8x1xf32> to vector<16x8x320xf32>
    %max3A_866 = arith.maximumf %max3A_864, %max3A_865 : vector<16x8x320xf32>
    %sub3A_867 = arith.subf %min3A_862, %max3A_866 : vector<16x8x320xf32>
    %jit3A_868 = arith.constant 0.000000e+00 : f32
    %max3A_869 = vector.broadcast %jit3A_868 : f32 to vector<16x8x320xf32>
    %max3A_870 = arith.maximumf %max3A_869, %sub3A_867 : vector<16x8x320xf32>
    %broadcast_in_dim3A_871 = vector.shape_cast %add3A_29 : vector<16x320xf32> to vector<16x1x320xf32>
    %min3A_872 = vector.broadcast %broadcast_in_dim3A_871 : vector<16x1x320xf32> to vector<16x8x320xf32>
    %min3A_873 = vector.broadcast %broadcast_in_dim3A_856 : vector<16x8x1xf32> to vector<16x8x320xf32>
    %min3A_874 = arith.minimumf %min3A_872, %min3A_873 : vector<16x8x320xf32>
    %broadcast_in_dim3A_875 = vector.shape_cast %add3A_27 : vector<16x320xf32> to vector<16x1x320xf32>
    %max3A_876 = vector.broadcast %broadcast_in_dim3A_875 : vector<16x1x320xf32> to vector<16x8x320xf32>
    %max3A_877 = vector.broadcast %broadcast_in_dim3A_852 : vector<16x8x1xf32> to vector<16x8x320xf32>
    %max3A_878 = arith.maximumf %max3A_876, %max3A_877 : vector<16x8x320xf32>
    %sub3A_879 = arith.subf %min3A_874, %max3A_878 : vector<16x8x320xf32>
    %jit3A_880 = arith.constant 0.000000e+00 : f32
    %max3A_881 = vector.broadcast %jit3A_880 : f32 to vector<16x8x320xf32>
    %max3A_882 = arith.maximumf %max3A_881, %sub3A_879 : vector<16x8x320xf32>
    %mul3A_883 = arith.mulf %max3A_870, %max3A_882 : vector<16x8x320xf32>
    %broadcast_in_dim3A_884 = vector.shape_cast %mul3A_31 : vector<16x320xf32> to vector<16x1x320xf32>
    %add3A_885 = vector.broadcast %broadcast_in_dim3A_858 : vector<16x8x1xf32> to vector<16x8x320xf32>
    %add3A_886 = vector.broadcast %broadcast_in_dim3A_884 : vector<16x1x320xf32> to vector<16x8x320xf32>
    %add3A_887 = arith.addf %add3A_885, %add3A_886 : vector<16x8x320xf32>
    %sub3A_888 = arith.subf %add3A_887, %mul3A_883 : vector<16x8x320xf32>
    %add3A_889 = arith.constant 9.99999971E-10 : f32
    %add3A_890 = vector.broadcast %add3A_889 : f32 to vector<16x8x320xf32>
    %add3A_891 = arith.addf %sub3A_888, %add3A_890 : vector<16x8x320xf32>
    %div3A_892 = arith.divf %mul3A_883, %add3A_891 : vector<16x8x320xf32>
    %swap3A_893 = arith.constant 16 : index
    %swap3A_894 = arith.constant 0 : index
    %swap3A_895 = arith.constant 0 : index
    %swap3A_896 = arith.constant 0 : index
    %swap3A_897 = vector.load %arg6[%swap3A_893, %swap3A_894, %swap3A_895, %swap3A_896] : memref<38x16x8x320xf32, #tpu.memory_space<vmem>>, vector<1x16x8x320xf32>
    %swap3A_898 = vector.shape_cast %swap3A_897 : vector<1x16x8x320xf32> to vector<16x8x320xf32>
    %swap3A_899 = vector.shape_cast %div3A_892 : vector<16x8x320xf32> to vector<1x16x8x320xf32>
    tpu.vector_store %arg6[%swap3A_893, %swap3A_894, %swap3A_895, %swap3A_896], %swap3A_899 {strides = array<i32>} : memref<38x16x8x320xf32, #tpu.memory_space<vmem>>, vector<1x16x8x320xf32>,
    %slice3A_900 = vector.extract_strided_slice %add3A {offsets = [0, 136], sizes = [16, 8], strides = [1, 1]} : vector<16x320xf32> to vector<16x8xf32>
    %broadcast_in_dim3A_901 = vector.shape_cast %slice3A_900 : vector<16x8xf32> to vector<16x8x1xf32>
    %slice3A_902 = vector.extract_strided_slice %add3A_27 {offsets = [0, 136], sizes = [16, 8], strides = [1, 1]} : vector<16x320xf32> to vector<16x8xf32>
    %broadcast_in_dim3A_903 = vector.shape_cast %slice3A_902 : vector<16x8xf32> to vector<16x8x1xf32>
    %slice3A_904 = vector.extract_strided_slice %add3A_28 {offsets = [0, 136], sizes = [16, 8], strides = [1, 1]} : vector<16x320xf32> to vector<16x8xf32>
    %broadcast_in_dim3A_905 = vector.shape_cast %slice3A_904 : vector<16x8xf32> to vector<16x8x1xf32>
    %slice3A_906 = vector.extract_strided_slice %add3A_29 {offsets = [0, 136], sizes = [16, 8], strides = [1, 1]} : vector<16x320xf32> to vector<16x8xf32>
    %broadcast_in_dim3A_907 = vector.shape_cast %slice3A_906 : vector<16x8xf32> to vector<16x8x1xf32>
    %slice3A_908 = vector.extract_strided_slice %mul3A_31 {offsets = [0, 136], sizes = [16, 8], strides = [1, 1]} : vector<16x320xf32> to vector<16x8xf32>
    %broadcast_in_dim3A_909 = vector.shape_cast %slice3A_908 : vector<16x8xf32> to vector<16x8x1xf32>
    %broadcast_in_dim3A_910 = vector.shape_cast %add3A_28 : vector<16x320xf32> to vector<16x1x320xf32>
    %min3A_911 = vector.broadcast %broadcast_in_dim3A_910 : vector<16x1x320xf32> to vector<16x8x320xf32>
    %min3A_912 = vector.broadcast %broadcast_in_dim3A_905 : vector<16x8x1xf32> to vector<16x8x320xf32>
    %min3A_913 = arith.minimumf %min3A_911, %min3A_912 : vector<16x8x320xf32>
    %broadcast_in_dim3A_914 = vector.shape_cast %add3A : vector<16x320xf32> to vector<16x1x320xf32>
    %max3A_915 = vector.broadcast %broadcast_in_dim3A_914 : vector<16x1x320xf32> to vector<16x8x320xf32>
    %max3A_916 = vector.broadcast %broadcast_in_dim3A_901 : vector<16x8x1xf32> to vector<16x8x320xf32>
    %max3A_917 = arith.maximumf %max3A_915, %max3A_916 : vector<16x8x320xf32>
    %sub3A_918 = arith.subf %min3A_913, %max3A_917 : vector<16x8x320xf32>
    %jit3A_919 = arith.constant 0.000000e+00 : f32
    %max3A_920 = vector.broadcast %jit3A_919 : f32 to vector<16x8x320xf32>
    %max3A_921 = arith.maximumf %max3A_920, %sub3A_918 : vector<16x8x320xf32>
    %broadcast_in_dim3A_922 = vector.shape_cast %add3A_29 : vector<16x320xf32> to vector<16x1x320xf32>
    %min3A_923 = vector.broadcast %broadcast_in_dim3A_922 : vector<16x1x320xf32> to vector<16x8x320xf32>
    %min3A_924 = vector.broadcast %broadcast_in_dim3A_907 : vector<16x8x1xf32> to vector<16x8x320xf32>
    %min3A_925 = arith.minimumf %min3A_923, %min3A_924 : vector<16x8x320xf32>
    %broadcast_in_dim3A_926 = vector.shape_cast %add3A_27 : vector<16x320xf32> to vector<16x1x320xf32>
    %max3A_927 = vector.broadcast %broadcast_in_dim3A_926 : vector<16x1x320xf32> to vector<16x8x320xf32>
    %max3A_928 = vector.broadcast %broadcast_in_dim3A_903 : vector<16x8x1xf32> to vector<16x8x320xf32>
    %max3A_929 = arith.maximumf %max3A_927, %max3A_928 : vector<16x8x320xf32>
    %sub3A_930 = arith.subf %min3A_925, %max3A_929 : vector<16x8x320xf32>
    %jit3A_931 = arith.constant 0.000000e+00 : f32
    %max3A_932 = vector.broadcast %jit3A_931 : f32 to vector<16x8x320xf32>
    %max3A_933 = arith.maximumf %max3A_932, %sub3A_930 : vector<16x8x320xf32>
    %mul3A_934 = arith.mulf %max3A_921, %max3A_933 : vector<16x8x320xf32>
    %broadcast_in_dim3A_935 = vector.shape_cast %mul3A_31 : vector<16x320xf32> to vector<16x1x320xf32>
    %add3A_936 = vector.broadcast %broadcast_in_dim3A_909 : vector<16x8x1xf32> to vector<16x8x320xf32>
    %add3A_937 = vector.broadcast %broadcast_in_dim3A_935 : vector<16x1x320xf32> to vector<16x8x320xf32>
    %add3A_938 = arith.addf %add3A_936, %add3A_937 : vector<16x8x320xf32>
    %sub3A_939 = arith.subf %add3A_938, %mul3A_934 : vector<16x8x320xf32>
    %add3A_940 = arith.constant 9.99999971E-10 : f32
    %add3A_941 = vector.broadcast %add3A_940 : f32 to vector<16x8x320xf32>
    %add3A_942 = arith.addf %sub3A_939, %add3A_941 : vector<16x8x320xf32>
    %div3A_943 = arith.divf %mul3A_934, %add3A_942 : vector<16x8x320xf32>
    %swap3A_944 = arith.constant 17 : index
    %swap3A_945 = arith.constant 0 : index
    %swap3A_946 = arith.constant 0 : index
    %swap3A_947 = arith.constant 0 : index
    %swap3A_948 = vector.load %arg6[%swap3A_944, %swap3A_945, %swap3A_946, %swap3A_947] : memref<38x16x8x320xf32, #tpu.memory_space<vmem>>, vector<1x16x8x320xf32>
    %swap3A_949 = vector.shape_cast %swap3A_948 : vector<1x16x8x320xf32> to vector<16x8x320xf32>
    %swap3A_950 = vector.shape_cast %div3A_943 : vector<16x8x320xf32> to vector<1x16x8x320xf32>
    tpu.vector_store %arg6[%swap3A_944, %swap3A_945, %swap3A_946, %swap3A_947], %swap3A_950 {strides = array<i32>} : memref<38x16x8x320xf32, #tpu.memory_space<vmem>>, vector<1x16x8x320xf32>,
    %slice3A_951 = vector.extract_strided_slice %add3A {offsets = [0, 144], sizes = [16, 8], strides = [1, 1]} : vector<16x320xf32> to vector<16x8xf32>
    %broadcast_in_dim3A_952 = vector.shape_cast %slice3A_951 : vector<16x8xf32> to vector<16x8x1xf32>
    %slice3A_953 = vector.extract_strided_slice %add3A_27 {offsets = [0, 144], sizes = [16, 8], strides = [1, 1]} : vector<16x320xf32> to vector<16x8xf32>
    %broadcast_in_dim3A_954 = vector.shape_cast %slice3A_953 : vector<16x8xf32> to vector<16x8x1xf32>
    %slice3A_955 = vector.extract_strided_slice %add3A_28 {offsets = [0, 144], sizes = [16, 8], strides = [1, 1]} : vector<16x320xf32> to vector<16x8xf32>
    %broadcast_in_dim3A_956 = vector.shape_cast %slice3A_955 : vector<16x8xf32> to vector<16x8x1xf32>
    %slice3A_957 = vector.extract_strided_slice %add3A_29 {offsets = [0, 144], sizes = [16, 8], strides = [1, 1]} : vector<16x320xf32> to vector<16x8xf32>
    %broadcast_in_dim3A_958 = vector.shape_cast %slice3A_957 : vector<16x8xf32> to vector<16x8x1xf32>
    %slice3A_959 = vector.extract_strided_slice %mul3A_31 {offsets = [0, 144], sizes = [16, 8], strides = [1, 1]} : vector<16x320xf32> to vector<16x8xf32>
    %broadcast_in_dim3A_960 = vector.shape_cast %slice3A_959 : vector<16x8xf32> to vector<16x8x1xf32>
    %broadcast_in_dim3A_961 = vector.shape_cast %add3A_28 : vector<16x320xf32> to vector<16x1x320xf32>
    %min3A_962 = vector.broadcast %broadcast_in_dim3A_961 : vector<16x1x320xf32> to vector<16x8x320xf32>
    %min3A_963 = vector.broadcast %broadcast_in_dim3A_956 : vector<16x8x1xf32> to vector<16x8x320xf32>
    %min3A_964 = arith.minimumf %min3A_962, %min3A_963 : vector<16x8x320xf32>
    %broadcast_in_dim3A_965 = vector.shape_cast %add3A : vector<16x320xf32> to vector<16x1x320xf32>
    %max3A_966 = vector.broadcast %broadcast_in_dim3A_965 : vector<16x1x320xf32> to vector<16x8x320xf32>
    %max3A_967 = vector.broadcast %broadcast_in_dim3A_952 : vector<16x8x1xf32> to vector<16x8x320xf32>
    %max3A_968 = arith.maximumf %max3A_966, %max3A_967 : vector<16x8x320xf32>
    %sub3A_969 = arith.subf %min3A_964, %max3A_968 : vector<16x8x320xf32>
    %jit3A_970 = arith.constant 0.000000e+00 : f32
    %max3A_971 = vector.broadcast %jit3A_970 : f32 to vector<16x8x320xf32>
    %max3A_972 = arith.maximumf %max3A_971, %sub3A_969 : vector<16x8x320xf32>
    %broadcast_in_dim3A_973 = vector.shape_cast %add3A_29 : vector<16x320xf32> to vector<16x1x320xf32>
    %min3A_974 = vector.broadcast %broadcast_in_dim3A_973 : vector<16x1x320xf32> to vector<16x8x320xf32>
    %min3A_975 = vector.broadcast %broadcast_in_dim3A_958 : vector<16x8x1xf32> to vector<16x8x320xf32>
    %min3A_976 = arith.minimumf %min3A_974, %min3A_975 : vector<16x8x320xf32>
    %broadcast_in_dim3A_977 = vector.shape_cast %add3A_27 : vector<16x320xf32> to vector<16x1x320xf32>
    %max3A_978 = vector.broadcast %broadcast_in_dim3A_977 : vector<16x1x320xf32> to vector<16x8x320xf32>
    %max3A_979 = vector.broadcast %broadcast_in_dim3A_954 : vector<16x8x1xf32> to vector<16x8x320xf32>
    %max3A_980 = arith.maximumf %max3A_978, %max3A_979 : vector<16x8x320xf32>
    %sub3A_981 = arith.subf %min3A_976, %max3A_980 : vector<16x8x320xf32>
    %jit3A_982 = arith.constant 0.000000e+00 : f32
    %max3A_983 = vector.broadcast %jit3A_982 : f32 to vector<16x8x320xf32>
    %max3A_984 = arith.maximumf %max3A_983, %sub3A_981 : vector<16x8x320xf32>
    %mul3A_985 = arith.mulf %max3A_972, %max3A_984 : vector<16x8x320xf32>
    %broadcast_in_dim3A_986 = vector.shape_cast %mul3A_31 : vector<16x320xf32> to vector<16x1x320xf32>
    %add3A_987 = vector.broadcast %broadcast_in_dim3A_960 : vector<16x8x1xf32> to vector<16x8x320xf32>
    %add3A_988 = vector.broadcast %broadcast_in_dim3A_986 : vector<16x1x320xf32> to vector<16x8x320xf32>
    %add3A_989 = arith.addf %add3A_987, %add3A_988 : vector<16x8x320xf32>
    %sub3A_990 = arith.subf %add3A_989, %mul3A_985 : vector<16x8x320xf32>
    %add3A_991 = arith.constant 9.99999971E-10 : f32
    %add3A_992 = vector.broadcast %add3A_991 : f32 to vector<16x8x320xf32>
    %add3A_993 = arith.addf %sub3A_990, %add3A_992 : vector<16x8x320xf32>
    %div3A_994 = arith.divf %mul3A_985, %add3A_993 : vector<16x8x320xf32>
    %swap3A_995 = arith.constant 18 : index
    %swap3A_996 = arith.constant 0 : index
    %swap3A_997 = arith.constant 0 : index
    %swap3A_998 = arith.constant 0 : index
    %swap3A_999 = vector.load %arg6[%swap3A_995, %swap3A_996, %swap3A_997, %swap3A_998] : memref<38x16x8x320xf32, #tpu.memory_space<vmem>>, vector<1x16x8x320xf32>
    %swap3A_1000 = vector.shape_cast %swap3A_999 : vector<1x16x8x320xf32> to vector<16x8x320xf32>
    %swap3A_1001 = vector.shape_cast %div3A_994 : vector<16x8x320xf32> to vector<1x16x8x320xf32>
    tpu.vector_store %arg6[%swap3A_995, %swap3A_996, %swap3A_997, %swap3A_998], %swap3A_1001 {strides = array<i32>} : memref<38x16x8x320xf32, #tpu.memory_space<vmem>>, vector<1x16x8x320xf32>,
    %slice3A_1002 = vector.extract_strided_slice %add3A {offsets = [0, 152], sizes = [16, 8], strides = [1, 1]} : vector<16x320xf32> to vector<16x8xf32>
    %broadcast_in_dim3A_1003 = vector.shape_cast %slice3A_1002 : vector<16x8xf32> to vector<16x8x1xf32>
    %slice3A_1004 = vector.extract_strided_slice %add3A_27 {offsets = [0, 152], sizes = [16, 8], strides = [1, 1]} : vector<16x320xf32> to vector<16x8xf32>
    %broadcast_in_dim3A_1005 = vector.shape_cast %slice3A_1004 : vector<16x8xf32> to vector<16x8x1xf32>
    %slice3A_1006 = vector.extract_strided_slice %add3A_28 {offsets = [0, 152], sizes = [16, 8], strides = [1, 1]} : vector<16x320xf32> to vector<16x8xf32>
    %broadcast_in_dim3A_1007 = vector.shape_cast %slice3A_1006 : vector<16x8xf32> to vector<16x8x1xf32>
    %slice3A_1008 = vector.extract_strided_slice %add3A_29 {offsets = [0, 152], sizes = [16, 8], strides = [1, 1]} : vector<16x320xf32> to vector<16x8xf32>
    %broadcast_in_dim3A_1009 = vector.shape_cast %slice3A_1008 : vector<16x8xf32> to vector<16x8x1xf32>
    %slice3A_1010 = vector.extract_strided_slice %mul3A_31 {offsets = [0, 152], sizes = [16, 8], strides = [1, 1]} : vector<16x320xf32> to vector<16x8xf32>
    %broadcast_in_dim3A_1011 = vector.shape_cast %slice3A_1010 : vector<16x8xf32> to vector<16x8x1xf32>
    %broadcast_in_dim3A_1012 = vector.shape_cast %add3A_28 : vector<16x320xf32> to vector<16x1x320xf32>
    %min3A_1013 = vector.broadcast %broadcast_in_dim3A_1012 : vector<16x1x320xf32> to vector<16x8x320xf32>
    %min3A_1014 = vector.broadcast %broadcast_in_dim3A_1007 : vector<16x8x1xf32> to vector<16x8x320xf32>
    %min3A_1015 = arith.minimumf %min3A_1013, %min3A_1014 : vector<16x8x320xf32>
    %broadcast_in_dim3A_1016 = vector.shape_cast %add3A : vector<16x320xf32> to vector<16x1x320xf32>
    %max3A_1017 = vector.broadcast %broadcast_in_dim3A_1016 : vector<16x1x320xf32> to vector<16x8x320xf32>
    %max3A_1018 = vector.broadcast %broadcast_in_dim3A_1003 : vector<16x8x1xf32> to vector<16x8x320xf32>
    %max3A_1019 = arith.maximumf %max3A_1017, %max3A_1018 : vector<16x8x320xf32>
    %sub3A_1020 = arith.subf %min3A_1015, %max3A_1019 : vector<16x8x320xf32>
    %jit3A_1021 = arith.constant 0.000000e+00 : f32
    %max3A_1022 = vector.broadcast %jit3A_1021 : f32 to vector<16x8x320xf32>
    %max3A_1023 = arith.maximumf %max3A_1022, %sub3A_1020 : vector<16x8x320xf32>
    %broadcast_in_dim3A_1024 = vector.shape_cast %add3A_29 : vector<16x320xf32> to vector<16x1x320xf32>
    %min3A_1025 = vector.broadcast %broadcast_in_dim3A_1024 : vector<16x1x320xf32> to vector<16x8x320xf32>
    %min3A_1026 = vector.broadcast %broadcast_in_dim3A_1009 : vector<16x8x1xf32> to vector<16x8x320xf32>
    %min3A_1027 = arith.minimumf %min3A_1025, %min3A_1026 : vector<16x8x320xf32>
    %broadcast_in_dim3A_1028 = vector.shape_cast %add3A_27 : vector<16x320xf32> to vector<16x1x320xf32>
    %max3A_1029 = vector.broadcast %broadcast_in_dim3A_1028 : vector<16x1x320xf32> to vector<16x8x320xf32>
    %max3A_1030 = vector.broadcast %broadcast_in_dim3A_1005 : vector<16x8x1xf32> to vector<16x8x320xf32>
    %max3A_1031 = arith.maximumf %max3A_1029, %max3A_1030 : vector<16x8x320xf32>
    %sub3A_1032 = arith.subf %min3A_1027, %max3A_1031 : vector<16x8x320xf32>
    %jit3A_1033 = arith.constant 0.000000e+00 : f32
    %max3A_1034 = vector.broadcast %jit3A_1033 : f32 to vector<16x8x320xf32>
    %max3A_1035 = arith.maximumf %max3A_1034, %sub3A_1032 : vector<16x8x320xf32>
    %mul3A_1036 = arith.mulf %max3A_1023, %max3A_1035 : vector<16x8x320xf32>
    %broadcast_in_dim3A_1037 = vector.shape_cast %mul3A_31 : vector<16x320xf32> to vector<16x1x320xf32>
    %add3A_1038 = vector.broadcast %broadcast_in_dim3A_1011 : vector<16x8x1xf32> to vector<16x8x320xf32>
    %add3A_1039 = vector.broadcast %broadcast_in_dim3A_1037 : vector<16x1x320xf32> to vector<16x8x320xf32>
    %add3A_1040 = arith.addf %add3A_1038, %add3A_1039 : vector<16x8x320xf32>
    %sub3A_1041 = arith.subf %add3A_1040, %mul3A_1036 : vector<16x8x320xf32>
    %add3A_1042 = arith.constant 9.99999971E-10 : f32
    %add3A_1043 = vector.broadcast %add3A_1042 : f32 to vector<16x8x320xf32>
    %add3A_1044 = arith.addf %sub3A_1041, %add3A_1043 : vector<16x8x320xf32>
    %div3A_1045 = arith.divf %mul3A_1036, %add3A_1044 : vector<16x8x320xf32>
    %swap3A_1046 = arith.constant 19 : index
    %swap3A_1047 = arith.constant 0 : index
    %swap3A_1048 = arith.constant 0 : index
    %swap3A_1049 = arith.constant 0 : index
    %swap3A_1050 = vector.load %arg6[%swap3A_1046, %swap3A_1047, %swap3A_1048, %swap3A_1049] : memref<38x16x8x320xf32, #tpu.memory_space<vmem>>, vector<1x16x8x320xf32>
    %swap3A_1051 = vector.shape_cast %swap3A_1050 : vector<1x16x8x320xf32> to vector<16x8x320xf32>
    %swap3A_1052 = vector.shape_cast %div3A_1045 : vector<16x8x320xf32> to vector<1x16x8x320xf32>
    tpu.vector_store %arg6[%swap3A_1046, %swap3A_1047, %swap3A_1048, %swap3A_1049], %swap3A_1052 {strides = array<i32>} : memref<38x16x8x320xf32, #tpu.memory_space<vmem>>, vector<1x16x8x320xf32>,
    %slice3A_1053 = vector.extract_strided_slice %add3A {offsets = [0, 160], sizes = [16, 8], strides = [1, 1]} : vector<16x320xf32> to vector<16x8xf32>
    %broadcast_in_dim3A_1054 = vector.shape_cast %slice3A_1053 : vector<16x8xf32> to vector<16x8x1xf32>
    %slice3A_1055 = vector.extract_strided_slice %add3A_27 {offsets = [0, 160], sizes = [16, 8], strides = [1, 1]} : vector<16x320xf32> to vector<16x8xf32>
    %broadcast_in_dim3A_1056 = vector.shape_cast %slice3A_1055 : vector<16x8xf32> to vector<16x8x1xf32>
    %slice3A_1057 = vector.extract_strided_slice %add3A_28 {offsets = [0, 160], sizes = [16, 8], strides = [1, 1]} : vector<16x320xf32> to vector<16x8xf32>
    %broadcast_in_dim3A_1058 = vector.shape_cast %slice3A_1057 : vector<16x8xf32> to vector<16x8x1xf32>
    %slice3A_1059 = vector.extract_strided_slice %add3A_29 {offsets = [0, 160], sizes = [16, 8], strides = [1, 1]} : vector<16x320xf32> to vector<16x8xf32>
    %broadcast_in_dim3A_1060 = vector.shape_cast %slice3A_1059 : vector<16x8xf32> to vector<16x8x1xf32>
    %slice3A_1061 = vector.extract_strided_slice %mul3A_31 {offsets = [0, 160], sizes = [16, 8], strides = [1, 1]} : vector<16x320xf32> to vector<16x8xf32>
    %broadcast_in_dim3A_1062 = vector.shape_cast %slice3A_1061 : vector<16x8xf32> to vector<16x8x1xf32>
    %broadcast_in_dim3A_1063 = vector.shape_cast %add3A_28 : vector<16x320xf32> to vector<16x1x320xf32>
    %min3A_1064 = vector.broadcast %broadcast_in_dim3A_1063 : vector<16x1x320xf32> to vector<16x8x320xf32>
    %min3A_1065 = vector.broadcast %broadcast_in_dim3A_1058 : vector<16x8x1xf32> to vector<16x8x320xf32>
    %min3A_1066 = arith.minimumf %min3A_1064, %min3A_1065 : vector<16x8x320xf32>
    %broadcast_in_dim3A_1067 = vector.shape_cast %add3A : vector<16x320xf32> to vector<16x1x320xf32>
    %max3A_1068 = vector.broadcast %broadcast_in_dim3A_1067 : vector<16x1x320xf32> to vector<16x8x320xf32>
    %max3A_1069 = vector.broadcast %broadcast_in_dim3A_1054 : vector<16x8x1xf32> to vector<16x8x320xf32>
    %max3A_1070 = arith.maximumf %max3A_1068, %max3A_1069 : vector<16x8x320xf32>
    %sub3A_1071 = arith.subf %min3A_1066, %max3A_1070 : vector<16x8x320xf32>
    %jit3A_1072 = arith.constant 0.000000e+00 : f32
    %max3A_1073 = vector.broadcast %jit3A_1072 : f32 to vector<16x8x320xf32>
    %max3A_1074 = arith.maximumf %max3A_1073, %sub3A_1071 : vector<16x8x320xf32>
    %broadcast_in_dim3A_1075 = vector.shape_cast %add3A_29 : vector<16x320xf32> to vector<16x1x320xf32>
    %min3A_1076 = vector.broadcast %broadcast_in_dim3A_1075 : vector<16x1x320xf32> to vector<16x8x320xf32>
    %min3A_1077 = vector.broadcast %broadcast_in_dim3A_1060 : vector<16x8x1xf32> to vector<16x8x320xf32>
    %min3A_1078 = arith.minimumf %min3A_1076, %min3A_1077 : vector<16x8x320xf32>
    %broadcast_in_dim3A_1079 = vector.shape_cast %add3A_27 : vector<16x320xf32> to vector<16x1x320xf32>
    %max3A_1080 = vector.broadcast %broadcast_in_dim3A_1079 : vector<16x1x320xf32> to vector<16x8x320xf32>
    %max3A_1081 = vector.broadcast %broadcast_in_dim3A_1056 : vector<16x8x1xf32> to vector<16x8x320xf32>
    %max3A_1082 = arith.maximumf %max3A_1080, %max3A_1081 : vector<16x8x320xf32>
    %sub3A_1083 = arith.subf %min3A_1078, %max3A_1082 : vector<16x8x320xf32>
    %jit3A_1084 = arith.constant 0.000000e+00 : f32
    %max3A_1085 = vector.broadcast %jit3A_1084 : f32 to vector<16x8x320xf32>
    %max3A_1086 = arith.maximumf %max3A_1085, %sub3A_1083 : vector<16x8x320xf32>
    %mul3A_1087 = arith.mulf %max3A_1074, %max3A_1086 : vector<16x8x320xf32>
    %broadcast_in_dim3A_1088 = vector.shape_cast %mul3A_31 : vector<16x320xf32> to vector<16x1x320xf32>
    %add3A_1089 = vector.broadcast %broadcast_in_dim3A_1062 : vector<16x8x1xf32> to vector<16x8x320xf32>
    %add3A_1090 = vector.broadcast %broadcast_in_dim3A_1088 : vector<16x1x320xf32> to vector<16x8x320xf32>
    %add3A_1091 = arith.addf %add3A_1089, %add3A_1090 : vector<16x8x320xf32>
    %sub3A_1092 = arith.subf %add3A_1091, %mul3A_1087 : vector<16x8x320xf32>
    %add3A_1093 = arith.constant 9.99999971E-10 : f32
    %add3A_1094 = vector.broadcast %add3A_1093 : f32 to vector<16x8x320xf32>
    %add3A_1095 = arith.addf %sub3A_1092, %add3A_1094 : vector<16x8x320xf32>
    %div3A_1096 = arith.divf %mul3A_1087, %add3A_1095 : vector<16x8x320xf32>
    %swap3A_1097 = arith.constant 20 : index
    %swap3A_1098 = arith.constant 0 : index
    %swap3A_1099 = arith.constant 0 : index
    %swap3A_1100 = arith.constant 0 : index
    %swap3A_1101 = vector.load %arg6[%swap3A_1097, %swap3A_1098, %swap3A_1099, %swap3A_1100] : memref<38x16x8x320xf32, #tpu.memory_space<vmem>>, vector<1x16x8x320xf32>
    %swap3A_1102 = vector.shape_cast %swap3A_1101 : vector<1x16x8x320xf32> to vector<16x8x320xf32>
    %swap3A_1103 = vector.shape_cast %div3A_1096 : vector<16x8x320xf32> to vector<1x16x8x320xf32>
    tpu.vector_store %arg6[%swap3A_1097, %swap3A_1098, %swap3A_1099, %swap3A_1100], %swap3A_1103 {strides = array<i32>} : memref<38x16x8x320xf32, #tpu.memory_space<vmem>>, vector<1x16x8x320xf32>,
    %slice3A_1104 = vector.extract_strided_slice %add3A {offsets = [0, 168], sizes = [16, 8], strides = [1, 1]} : vector<16x320xf32> to vector<16x8xf32>
    %broadcast_in_dim3A_1105 = vector.shape_cast %slice3A_1104 : vector<16x8xf32> to vector<16x8x1xf32>
    %slice3A_1106 = vector.extract_strided_slice %add3A_27 {offsets = [0, 168], sizes = [16, 8], strides = [1, 1]} : vector<16x320xf32> to vector<16x8xf32>
    %broadcast_in_dim3A_1107 = vector.shape_cast %slice3A_1106 : vector<16x8xf32> to vector<16x8x1xf32>
    %slice3A_1108 = vector.extract_strided_slice %add3A_28 {offsets = [0, 168], sizes = [16, 8], strides = [1, 1]} : vector<16x320xf32> to vector<16x8xf32>
    %broadcast_in_dim3A_1109 = vector.shape_cast %slice3A_1108 : vector<16x8xf32> to vector<16x8x1xf32>
    %slice3A_1110 = vector.extract_strided_slice %add3A_29 {offsets = [0, 168], sizes = [16, 8], strides = [1, 1]} : vector<16x320xf32> to vector<16x8xf32>
    %broadcast_in_dim3A_1111 = vector.shape_cast %slice3A_1110 : vector<16x8xf32> to vector<16x8x1xf32>
    %slice3A_1112 = vector.extract_strided_slice %mul3A_31 {offsets = [0, 168], sizes = [16, 8], strides = [1, 1]} : vector<16x320xf32> to vector<16x8xf32>
    %broadcast_in_dim3A_1113 = vector.shape_cast %slice3A_1112 : vector<16x8xf32> to vector<16x8x1xf32>
    %broadcast_in_dim3A_1114 = vector.shape_cast %add3A_28 : vector<16x320xf32> to vector<16x1x320xf32>
    %min3A_1115 = vector.broadcast %broadcast_in_dim3A_1114 : vector<16x1x320xf32> to vector<16x8x320xf32>
    %min3A_1116 = vector.broadcast %broadcast_in_dim3A_1109 : vector<16x8x1xf32> to vector<16x8x320xf32>
    %min3A_1117 = arith.minimumf %min3A_1115, %min3A_1116 : vector<16x8x320xf32>
    %broadcast_in_dim3A_1118 = vector.shape_cast %add3A : vector<16x320xf32> to vector<16x1x320xf32>
    %max3A_1119 = vector.broadcast %broadcast_in_dim3A_1118 : vector<16x1x320xf32> to vector<16x8x320xf32>
    %max3A_1120 = vector.broadcast %broadcast_in_dim3A_1105 : vector<16x8x1xf32> to vector<16x8x320xf32>
    %max3A_1121 = arith.maximumf %max3A_1119, %max3A_1120 : vector<16x8x320xf32>
    %sub3A_1122 = arith.subf %min3A_1117, %max3A_1121 : vector<16x8x320xf32>
    %jit3A_1123 = arith.constant 0.000000e+00 : f32
    %max3A_1124 = vector.broadcast %jit3A_1123 : f32 to vector<16x8x320xf32>
    %max3A_1125 = arith.maximumf %max3A_1124, %sub3A_1122 : vector<16x8x320xf32>
    %broadcast_in_dim3A_1126 = vector.shape_cast %add3A_29 : vector<16x320xf32> to vector<16x1x320xf32>
    %min3A_1127 = vector.broadcast %broadcast_in_dim3A_1126 : vector<16x1x320xf32> to vector<16x8x320xf32>
    %min3A_1128 = vector.broadcast %broadcast_in_dim3A_1111 : vector<16x8x1xf32> to vector<16x8x320xf32>
    %min3A_1129 = arith.minimumf %min3A_1127, %min3A_1128 : vector<16x8x320xf32>
    %broadcast_in_dim3A_1130 = vector.shape_cast %add3A_27 : vector<16x320xf32> to vector<16x1x320xf32>
    %max3A_1131 = vector.broadcast %broadcast_in_dim3A_1130 : vector<16x1x320xf32> to vector<16x8x320xf32>
    %max3A_1132 = vector.broadcast %broadcast_in_dim3A_1107 : vector<16x8x1xf32> to vector<16x8x320xf32>
    %max3A_1133 = arith.maximumf %max3A_1131, %max3A_1132 : vector<16x8x320xf32>
    %sub3A_1134 = arith.subf %min3A_1129, %max3A_1133 : vector<16x8x320xf32>
    %jit3A_1135 = arith.constant 0.000000e+00 : f32
    %max3A_1136 = vector.broadcast %jit3A_1135 : f32 to vector<16x8x320xf32>
    %max3A_1137 = arith.maximumf %max3A_1136, %sub3A_1134 : vector<16x8x320xf32>
    %mul3A_1138 = arith.mulf %max3A_1125, %max3A_1137 : vector<16x8x320xf32>
    %broadcast_in_dim3A_1139 = vector.shape_cast %mul3A_31 : vector<16x320xf32> to vector<16x1x320xf32>
    %add3A_1140 = vector.broadcast %broadcast_in_dim3A_1113 : vector<16x8x1xf32> to vector<16x8x320xf32>
    %add3A_1141 = vector.broadcast %broadcast_in_dim3A_1139 : vector<16x1x320xf32> to vector<16x8x320xf32>
    %add3A_1142 = arith.addf %add3A_1140, %add3A_1141 : vector<16x8x320xf32>
    %sub3A_1143 = arith.subf %add3A_1142, %mul3A_1138 : vector<16x8x320xf32>
    %add3A_1144 = arith.constant 9.99999971E-10 : f32
    %add3A_1145 = vector.broadcast %add3A_1144 : f32 to vector<16x8x320xf32>
    %add3A_1146 = arith.addf %sub3A_1143, %add3A_1145 : vector<16x8x320xf32>
    %div3A_1147 = arith.divf %mul3A_1138, %add3A_1146 : vector<16x8x320xf32>
    %swap3A_1148 = arith.constant 21 : index
    %swap3A_1149 = arith.constant 0 : index
    %swap3A_1150 = arith.constant 0 : index
    %swap3A_1151 = arith.constant 0 : index
    %swap3A_1152 = vector.load %arg6[%swap3A_1148, %swap3A_1149, %swap3A_1150, %swap3A_1151] : memref<38x16x8x320xf32, #tpu.memory_space<vmem>>, vector<1x16x8x320xf32>
    %swap3A_1153 = vector.shape_cast %swap3A_1152 : vector<1x16x8x320xf32> to vector<16x8x320xf32>
    %swap3A_1154 = vector.shape_cast %div3A_1147 : vector<16x8x320xf32> to vector<1x16x8x320xf32>
    tpu.vector_store %arg6[%swap3A_1148, %swap3A_1149, %swap3A_1150, %swap3A_1151], %swap3A_1154 {strides = array<i32>} : memref<38x16x8x320xf32, #tpu.memory_space<vmem>>, vector<1x16x8x320xf32>,
    %slice3A_1155 = vector.extract_strided_slice %add3A {offsets = [0, 176], sizes = [16, 8], strides = [1, 1]} : vector<16x320xf32> to vector<16x8xf32>
    %broadcast_in_dim3A_1156 = vector.shape_cast %slice3A_1155 : vector<16x8xf32> to vector<16x8x1xf32>
    %slice3A_1157 = vector.extract_strided_slice %add3A_27 {offsets = [0, 176], sizes = [16, 8], strides = [1, 1]} : vector<16x320xf32> to vector<16x8xf32>
    %broadcast_in_dim3A_1158 = vector.shape_cast %slice3A_1157 : vector<16x8xf32> to vector<16x8x1xf32>
    %slice3A_1159 = vector.extract_strided_slice %add3A_28 {offsets = [0, 176], sizes = [16, 8], strides = [1, 1]} : vector<16x320xf32> to vector<16x8xf32>
    %broadcast_in_dim3A_1160 = vector.shape_cast %slice3A_1159 : vector<16x8xf32> to vector<16x8x1xf32>
    %slice3A_1161 = vector.extract_strided_slice %add3A_29 {offsets = [0, 176], sizes = [16, 8], strides = [1, 1]} : vector<16x320xf32> to vector<16x8xf32>
    %broadcast_in_dim3A_1162 = vector.shape_cast %slice3A_1161 : vector<16x8xf32> to vector<16x8x1xf32>
    %slice3A_1163 = vector.extract_strided_slice %mul3A_31 {offsets = [0, 176], sizes = [16, 8], strides = [1, 1]} : vector<16x320xf32> to vector<16x8xf32>
    %broadcast_in_dim3A_1164 = vector.shape_cast %slice3A_1163 : vector<16x8xf32> to vector<16x8x1xf32>
    %broadcast_in_dim3A_1165 = vector.shape_cast %add3A_28 : vector<16x320xf32> to vector<16x1x320xf32>
    %min3A_1166 = vector.broadcast %broadcast_in_dim3A_1165 : vector<16x1x320xf32> to vector<16x8x320xf32>
    %min3A_1167 = vector.broadcast %broadcast_in_dim3A_1160 : vector<16x8x1xf32> to vector<16x8x320xf32>
    %min3A_1168 = arith.minimumf %min3A_1166, %min3A_1167 : vector<16x8x320xf32>
    %broadcast_in_dim3A_1169 = vector.shape_cast %add3A : vector<16x320xf32> to vector<16x1x320xf32>
    %max3A_1170 = vector.broadcast %broadcast_in_dim3A_1169 : vector<16x1x320xf32> to vector<16x8x320xf32>
    %max3A_1171 = vector.broadcast %broadcast_in_dim3A_1156 : vector<16x8x1xf32> to vector<16x8x320xf32>
    %max3A_1172 = arith.maximumf %max3A_1170, %max3A_1171 : vector<16x8x320xf32>
    %sub3A_1173 = arith.subf %min3A_1168, %max3A_1172 : vector<16x8x320xf32>
    %jit3A_1174 = arith.constant 0.000000e+00 : f32
    %max3A_1175 = vector.broadcast %jit3A_1174 : f32 to vector<16x8x320xf32>
    %max3A_1176 = arith.maximumf %max3A_1175, %sub3A_1173 : vector<16x8x320xf32>
    %broadcast_in_dim3A_1177 = vector.shape_cast %add3A_29 : vector<16x320xf32> to vector<16x1x320xf32>
    %min3A_1178 = vector.broadcast %broadcast_in_dim3A_1177 : vector<16x1x320xf32> to vector<16x8x320xf32>
    %min3A_1179 = vector.broadcast %broadcast_in_dim3A_1162 : vector<16x8x1xf32> to vector<16x8x320xf32>
    %min3A_1180 = arith.minimumf %min3A_1178, %min3A_1179 : vector<16x8x320xf32>
    %broadcast_in_dim3A_1181 = vector.shape_cast %add3A_27 : vector<16x320xf32> to vector<16x1x320xf32>
    %max3A_1182 = vector.broadcast %broadcast_in_dim3A_1181 : vector<16x1x320xf32> to vector<16x8x320xf32>
    %max3A_1183 = vector.broadcast %broadcast_in_dim3A_1158 : vector<16x8x1xf32> to vector<16x8x320xf32>
    %max3A_1184 = arith.maximumf %max3A_1182, %max3A_1183 : vector<16x8x320xf32>
    %sub3A_1185 = arith.subf %min3A_1180, %max3A_1184 : vector<16x8x320xf32>
    %jit3A_1186 = arith.constant 0.000000e+00 : f32
    %max3A_1187 = vector.broadcast %jit3A_1186 : f32 to vector<16x8x320xf32>
    %max3A_1188 = arith.maximumf %max3A_1187, %sub3A_1185 : vector<16x8x320xf32>
    %mul3A_1189 = arith.mulf %max3A_1176, %max3A_1188 : vector<16x8x320xf32>
    %broadcast_in_dim3A_1190 = vector.shape_cast %mul3A_31 : vector<16x320xf32> to vector<16x1x320xf32>
    %add3A_1191 = vector.broadcast %broadcast_in_dim3A_1164 : vector<16x8x1xf32> to vector<16x8x320xf32>
    %add3A_1192 = vector.broadcast %broadcast_in_dim3A_1190 : vector<16x1x320xf32> to vector<16x8x320xf32>
    %add3A_1193 = arith.addf %add3A_1191, %add3A_1192 : vector<16x8x320xf32>
    %sub3A_1194 = arith.subf %add3A_1193, %mul3A_1189 : vector<16x8x320xf32>
    %add3A_1195 = arith.constant 9.99999971E-10 : f32
    %add3A_1196 = vector.broadcast %add3A_1195 : f32 to vector<16x8x320xf32>
    %add3A_1197 = arith.addf %sub3A_1194, %add3A_1196 : vector<16x8x320xf32>
    %div3A_1198 = arith.divf %mul3A_1189, %add3A_1197 : vector<16x8x320xf32>
    %swap3A_1199 = arith.constant 22 : index
    %swap3A_1200 = arith.constant 0 : index
    %swap3A_1201 = arith.constant 0 : index
    %swap3A_1202 = arith.constant 0 : index
    %swap3A_1203 = vector.load %arg6[%swap3A_1199, %swap3A_1200, %swap3A_1201, %swap3A_1202] : memref<38x16x8x320xf32, #tpu.memory_space<vmem>>, vector<1x16x8x320xf32>
    %swap3A_1204 = vector.shape_cast %swap3A_1203 : vector<1x16x8x320xf32> to vector<16x8x320xf32>
    %swap3A_1205 = vector.shape_cast %div3A_1198 : vector<16x8x320xf32> to vector<1x16x8x320xf32>
    tpu.vector_store %arg6[%swap3A_1199, %swap3A_1200, %swap3A_1201, %swap3A_1202], %swap3A_1205 {strides = array<i32>} : memref<38x16x8x320xf32, #tpu.memory_space<vmem>>, vector<1x16x8x320xf32>,
    %slice3A_1206 = vector.extract_strided_slice %add3A {offsets = [0, 184], sizes = [16, 8], strides = [1, 1]} : vector<16x320xf32> to vector<16x8xf32>
    %broadcast_in_dim3A_1207 = vector.shape_cast %slice3A_1206 : vector<16x8xf32> to vector<16x8x1xf32>
    %slice3A_1208 = vector.extract_strided_slice %add3A_27 {offsets = [0, 184], sizes = [16, 8], strides = [1, 1]} : vector<16x320xf32> to vector<16x8xf32>
    %broadcast_in_dim3A_1209 = vector.shape_cast %slice3A_1208 : vector<16x8xf32> to vector<16x8x1xf32>
    %slice3A_1210 = vector.extract_strided_slice %add3A_28 {offsets = [0, 184], sizes = [16, 8], strides = [1, 1]} : vector<16x320xf32> to vector<16x8xf32>
    %broadcast_in_dim3A_1211 = vector.shape_cast %slice3A_1210 : vector<16x8xf32> to vector<16x8x1xf32>
    %slice3A_1212 = vector.extract_strided_slice %add3A_29 {offsets = [0, 184], sizes = [16, 8], strides = [1, 1]} : vector<16x320xf32> to vector<16x8xf32>
    %broadcast_in_dim3A_1213 = vector.shape_cast %slice3A_1212 : vector<16x8xf32> to vector<16x8x1xf32>
    %slice3A_1214 = vector.extract_strided_slice %mul3A_31 {offsets = [0, 184], sizes = [16, 8], strides = [1, 1]} : vector<16x320xf32> to vector<16x8xf32>
    %broadcast_in_dim3A_1215 = vector.shape_cast %slice3A_1214 : vector<16x8xf32> to vector<16x8x1xf32>
    %broadcast_in_dim3A_1216 = vector.shape_cast %add3A_28 : vector<16x320xf32> to vector<16x1x320xf32>
    %min3A_1217 = vector.broadcast %broadcast_in_dim3A_1216 : vector<16x1x320xf32> to vector<16x8x320xf32>
    %min3A_1218 = vector.broadcast %broadcast_in_dim3A_1211 : vector<16x8x1xf32> to vector<16x8x320xf32>
    %min3A_1219 = arith.minimumf %min3A_1217, %min3A_1218 : vector<16x8x320xf32>
    %broadcast_in_dim3A_1220 = vector.shape_cast %add3A : vector<16x320xf32> to vector<16x1x320xf32>
    %max3A_1221 = vector.broadcast %broadcast_in_dim3A_1220 : vector<16x1x320xf32> to vector<16x8x320xf32>
    %max3A_1222 = vector.broadcast %broadcast_in_dim3A_1207 : vector<16x8x1xf32> to vector<16x8x320xf32>
    %max3A_1223 = arith.maximumf %max3A_1221, %max3A_1222 : vector<16x8x320xf32>
    %sub3A_1224 = arith.subf %min3A_1219, %max3A_1223 : vector<16x8x320xf32>
    %jit3A_1225 = arith.constant 0.000000e+00 : f32
    %max3A_1226 = vector.broadcast %jit3A_1225 : f32 to vector<16x8x320xf32>
    %max3A_1227 = arith.maximumf %max3A_1226, %sub3A_1224 : vector<16x8x320xf32>
    %broadcast_in_dim3A_1228 = vector.shape_cast %add3A_29 : vector<16x320xf32> to vector<16x1x320xf32>
    %min3A_1229 = vector.broadcast %broadcast_in_dim3A_1228 : vector<16x1x320xf32> to vector<16x8x320xf32>
    %min3A_1230 = vector.broadcast %broadcast_in_dim3A_1213 : vector<16x8x1xf32> to vector<16x8x320xf32>
    %min3A_1231 = arith.minimumf %min3A_1229, %min3A_1230 : vector<16x8x320xf32>
    %broadcast_in_dim3A_1232 = vector.shape_cast %add3A_27 : vector<16x320xf32> to vector<16x1x320xf32>
    %max3A_1233 = vector.broadcast %broadcast_in_dim3A_1232 : vector<16x1x320xf32> to vector<16x8x320xf32>
    %max3A_1234 = vector.broadcast %broadcast_in_dim3A_1209 : vector<16x8x1xf32> to vector<16x8x320xf32>
    %max3A_1235 = arith.maximumf %max3A_1233, %max3A_1234 : vector<16x8x320xf32>
    %sub3A_1236 = arith.subf %min3A_1231, %max3A_1235 : vector<16x8x320xf32>
    %jit3A_1237 = arith.constant 0.000000e+00 : f32
    %max3A_1238 = vector.broadcast %jit3A_1237 : f32 to vector<16x8x320xf32>
    %max3A_1239 = arith.maximumf %max3A_1238, %sub3A_1236 : vector<16x8x320xf32>
    %mul3A_1240 = arith.mulf %max3A_1227, %max3A_1239 : vector<16x8x320xf32>
    %broadcast_in_dim3A_1241 = vector.shape_cast %mul3A_31 : vector<16x320xf32> to vector<16x1x320xf32>
    %add3A_1242 = vector.broadcast %broadcast_in_dim3A_1215 : vector<16x8x1xf32> to vector<16x8x320xf32>
    %add3A_1243 = vector.broadcast %broadcast_in_dim3A_1241 : vector<16x1x320xf32> to vector<16x8x320xf32>
    %add3A_1244 = arith.addf %add3A_1242, %add3A_1243 : vector<16x8x320xf32>
    %sub3A_1245 = arith.subf %add3A_1244, %mul3A_1240 : vector<16x8x320xf32>
    %add3A_1246 = arith.constant 9.99999971E-10 : f32
    %add3A_1247 = vector.broadcast %add3A_1246 : f32 to vector<16x8x320xf32>
    %add3A_1248 = arith.addf %sub3A_1245, %add3A_1247 : vector<16x8x320xf32>
    %div3A_1249 = arith.divf %mul3A_1240, %add3A_1248 : vector<16x8x320xf32>
    %swap3A_1250 = arith.constant 23 : index
    %swap3A_1251 = arith.constant 0 : index
    %swap3A_1252 = arith.constant 0 : index
    %swap3A_1253 = arith.constant 0 : index
    %swap3A_1254 = vector.load %arg6[%swap3A_1250, %swap3A_1251, %swap3A_1252, %swap3A_1253] : memref<38x16x8x320xf32, #tpu.memory_space<vmem>>, vector<1x16x8x320xf32>
    %swap3A_1255 = vector.shape_cast %swap3A_1254 : vector<1x16x8x320xf32> to vector<16x8x320xf32>
    %swap3A_1256 = vector.shape_cast %div3A_1249 : vector<16x8x320xf32> to vector<1x16x8x320xf32>
    tpu.vector_store %arg6[%swap3A_1250, %swap3A_1251, %swap3A_1252, %swap3A_1253], %swap3A_1256 {strides = array<i32>} : memref<38x16x8x320xf32, #tpu.memory_space<vmem>>, vector<1x16x8x320xf32>,
    %slice3A_1257 = vector.extract_strided_slice %add3A {offsets = [0, 192], sizes = [16, 8], strides = [1, 1]} : vector<16x320xf32> to vector<16x8xf32>
    %broadcast_in_dim3A_1258 = vector.shape_cast %slice3A_1257 : vector<16x8xf32> to vector<16x8x1xf32>
    %slice3A_1259 = vector.extract_strided_slice %add3A_27 {offsets = [0, 192], sizes = [16, 8], strides = [1, 1]} : vector<16x320xf32> to vector<16x8xf32>
    %broadcast_in_dim3A_1260 = vector.shape_cast %slice3A_1259 : vector<16x8xf32> to vector<16x8x1xf32>
    %slice3A_1261 = vector.extract_strided_slice %add3A_28 {offsets = [0, 192], sizes = [16, 8], strides = [1, 1]} : vector<16x320xf32> to vector<16x8xf32>
    %broadcast_in_dim3A_1262 = vector.shape_cast %slice3A_1261 : vector<16x8xf32> to vector<16x8x1xf32>
    %slice3A_1263 = vector.extract_strided_slice %add3A_29 {offsets = [0, 192], sizes = [16, 8], strides = [1, 1]} : vector<16x320xf32> to vector<16x8xf32>
    %broadcast_in_dim3A_1264 = vector.shape_cast %slice3A_1263 : vector<16x8xf32> to vector<16x8x1xf32>
    %slice3A_1265 = vector.extract_strided_slice %mul3A_31 {offsets = [0, 192], sizes = [16, 8], strides = [1, 1]} : vector<16x320xf32> to vector<16x8xf32>
    %broadcast_in_dim3A_1266 = vector.shape_cast %slice3A_1265 : vector<16x8xf32> to vector<16x8x1xf32>
    %broadcast_in_dim3A_1267 = vector.shape_cast %add3A_28 : vector<16x320xf32> to vector<16x1x320xf32>
    %min3A_1268 = vector.broadcast %broadcast_in_dim3A_1267 : vector<16x1x320xf32> to vector<16x8x320xf32>
    %min3A_1269 = vector.broadcast %broadcast_in_dim3A_1262 : vector<16x8x1xf32> to vector<16x8x320xf32>
    %min3A_1270 = arith.minimumf %min3A_1268, %min3A_1269 : vector<16x8x320xf32>
    %broadcast_in_dim3A_1271 = vector.shape_cast %add3A : vector<16x320xf32> to vector<16x1x320xf32>
    %max3A_1272 = vector.broadcast %broadcast_in_dim3A_1271 : vector<16x1x320xf32> to vector<16x8x320xf32>
    %max3A_1273 = vector.broadcast %broadcast_in_dim3A_1258 : vector<16x8x1xf32> to vector<16x8x320xf32>
    %max3A_1274 = arith.maximumf %max3A_1272, %max3A_1273 : vector<16x8x320xf32>
    %sub3A_1275 = arith.subf %min3A_1270, %max3A_1274 : vector<16x8x320xf32>
    %jit3A_1276 = arith.constant 0.000000e+00 : f32
    %max3A_1277 = vector.broadcast %jit3A_1276 : f32 to vector<16x8x320xf32>
    %max3A_1278 = arith.maximumf %max3A_1277, %sub3A_1275 : vector<16x8x320xf32>
    %broadcast_in_dim3A_1279 = vector.shape_cast %add3A_29 : vector<16x320xf32> to vector<16x1x320xf32>
    %min3A_1280 = vector.broadcast %broadcast_in_dim3A_1279 : vector<16x1x320xf32> to vector<16x8x320xf32>
    %min3A_1281 = vector.broadcast %broadcast_in_dim3A_1264 : vector<16x8x1xf32> to vector<16x8x320xf32>
    %min3A_1282 = arith.minimumf %min3A_1280, %min3A_1281 : vector<16x8x320xf32>
    %broadcast_in_dim3A_1283 = vector.shape_cast %add3A_27 : vector<16x320xf32> to vector<16x1x320xf32>
    %max3A_1284 = vector.broadcast %broadcast_in_dim3A_1283 : vector<16x1x320xf32> to vector<16x8x320xf32>
    %max3A_1285 = vector.broadcast %broadcast_in_dim3A_1260 : vector<16x8x1xf32> to vector<16x8x320xf32>
    %max3A_1286 = arith.maximumf %max3A_1284, %max3A_1285 : vector<16x8x320xf32>
    %sub3A_1287 = arith.subf %min3A_1282, %max3A_1286 : vector<16x8x320xf32>
    %jit3A_1288 = arith.constant 0.000000e+00 : f32
    %max3A_1289 = vector.broadcast %jit3A_1288 : f32 to vector<16x8x320xf32>
    %max3A_1290 = arith.maximumf %max3A_1289, %sub3A_1287 : vector<16x8x320xf32>
    %mul3A_1291 = arith.mulf %max3A_1278, %max3A_1290 : vector<16x8x320xf32>
    %broadcast_in_dim3A_1292 = vector.shape_cast %mul3A_31 : vector<16x320xf32> to vector<16x1x320xf32>
    %add3A_1293 = vector.broadcast %broadcast_in_dim3A_1266 : vector<16x8x1xf32> to vector<16x8x320xf32>
    %add3A_1294 = vector.broadcast %broadcast_in_dim3A_1292 : vector<16x1x320xf32> to vector<16x8x320xf32>
    %add3A_1295 = arith.addf %add3A_1293, %add3A_1294 : vector<16x8x320xf32>
    %sub3A_1296 = arith.subf %add3A_1295, %mul3A_1291 : vector<16x8x320xf32>
    %add3A_1297 = arith.constant 9.99999971E-10 : f32
    %add3A_1298 = vector.broadcast %add3A_1297 : f32 to vector<16x8x320xf32>
    %add3A_1299 = arith.addf %sub3A_1296, %add3A_1298 : vector<16x8x320xf32>
    %div3A_1300 = arith.divf %mul3A_1291, %add3A_1299 : vector<16x8x320xf32>
    %swap3A_1301 = arith.constant 24 : index
    %swap3A_1302 = arith.constant 0 : index
    %swap3A_1303 = arith.constant 0 : index
    %swap3A_1304 = arith.constant 0 : index
    %swap3A_1305 = vector.load %arg6[%swap3A_1301, %swap3A_1302, %swap3A_1303, %swap3A_1304] : memref<38x16x8x320xf32, #tpu.memory_space<vmem>>, vector<1x16x8x320xf32>
    %swap3A_1306 = vector.shape_cast %swap3A_1305 : vector<1x16x8x320xf32> to vector<16x8x320xf32>
    %swap3A_1307 = vector.shape_cast %div3A_1300 : vector<16x8x320xf32> to vector<1x16x8x320xf32>
    tpu.vector_store %arg6[%swap3A_1301, %swap3A_1302, %swap3A_1303, %swap3A_1304], %swap3A_1307 {strides = array<i32>} : memref<38x16x8x320xf32, #tpu.memory_space<vmem>>, vector<1x16x8x320xf32>,
    %slice3A_1308 = vector.extract_strided_slice %add3A {offsets = [0, 200], sizes = [16, 8], strides = [1, 1]} : vector<16x320xf32> to vector<16x8xf32>
    %broadcast_in_dim3A_1309 = vector.shape_cast %slice3A_1308 : vector<16x8xf32> to vector<16x8x1xf32>
    %slice3A_1310 = vector.extract_strided_slice %add3A_27 {offsets = [0, 200], sizes = [16, 8], strides = [1, 1]} : vector<16x320xf32> to vector<16x8xf32>
    %broadcast_in_dim3A_1311 = vector.shape_cast %slice3A_1310 : vector<16x8xf32> to vector<16x8x1xf32>
    %slice3A_1312 = vector.extract_strided_slice %add3A_28 {offsets = [0, 200], sizes = [16, 8], strides = [1, 1]} : vector<16x320xf32> to vector<16x8xf32>
    %broadcast_in_dim3A_1313 = vector.shape_cast %slice3A_1312 : vector<16x8xf32> to vector<16x8x1xf32>
    %slice3A_1314 = vector.extract_strided_slice %add3A_29 {offsets = [0, 200], sizes = [16, 8], strides = [1, 1]} : vector<16x320xf32> to vector<16x8xf32>
    %broadcast_in_dim3A_1315 = vector.shape_cast %slice3A_1314 : vector<16x8xf32> to vector<16x8x1xf32>
    %slice3A_1316 = vector.extract_strided_slice %mul3A_31 {offsets = [0, 200], sizes = [16, 8], strides = [1, 1]} : vector<16x320xf32> to vector<16x8xf32>
    %broadcast_in_dim3A_1317 = vector.shape_cast %slice3A_1316 : vector<16x8xf32> to vector<16x8x1xf32>
    %broadcast_in_dim3A_1318 = vector.shape_cast %add3A_28 : vector<16x320xf32> to vector<16x1x320xf32>
    %min3A_1319 = vector.broadcast %broadcast_in_dim3A_1318 : vector<16x1x320xf32> to vector<16x8x320xf32>
    %min3A_1320 = vector.broadcast %broadcast_in_dim3A_1313 : vector<16x8x1xf32> to vector<16x8x320xf32>
    %min3A_1321 = arith.minimumf %min3A_1319, %min3A_1320 : vector<16x8x320xf32>
    %broadcast_in_dim3A_1322 = vector.shape_cast %add3A : vector<16x320xf32> to vector<16x1x320xf32>
    %max3A_1323 = vector.broadcast %broadcast_in_dim3A_1322 : vector<16x1x320xf32> to vector<16x8x320xf32>
    %max3A_1324 = vector.broadcast %broadcast_in_dim3A_1309 : vector<16x8x1xf32> to vector<16x8x320xf32>
    %max3A_1325 = arith.maximumf %max3A_1323, %max3A_1324 : vector<16x8x320xf32>
    %sub3A_1326 = arith.subf %min3A_1321, %max3A_1325 : vector<16x8x320xf32>
    %jit3A_1327 = arith.constant 0.000000e+00 : f32
    %max3A_1328 = vector.broadcast %jit3A_1327 : f32 to vector<16x8x320xf32>
    %max3A_1329 = arith.maximumf %max3A_1328, %sub3A_1326 : vector<16x8x320xf32>
    %broadcast_in_dim3A_1330 = vector.shape_cast %add3A_29 : vector<16x320xf32> to vector<16x1x320xf32>
    %min3A_1331 = vector.broadcast %broadcast_in_dim3A_1330 : vector<16x1x320xf32> to vector<16x8x320xf32>
    %min3A_1332 = vector.broadcast %broadcast_in_dim3A_1315 : vector<16x8x1xf32> to vector<16x8x320xf32>
    %min3A_1333 = arith.minimumf %min3A_1331, %min3A_1332 : vector<16x8x320xf32>
    %broadcast_in_dim3A_1334 = vector.shape_cast %add3A_27 : vector<16x320xf32> to vector<16x1x320xf32>
    %max3A_1335 = vector.broadcast %broadcast_in_dim3A_1334 : vector<16x1x320xf32> to vector<16x8x320xf32>
    %max3A_1336 = vector.broadcast %broadcast_in_dim3A_1311 : vector<16x8x1xf32> to vector<16x8x320xf32>
    %max3A_1337 = arith.maximumf %max3A_1335, %max3A_1336 : vector<16x8x320xf32>
    %sub3A_1338 = arith.subf %min3A_1333, %max3A_1337 : vector<16x8x320xf32>
    %jit3A_1339 = arith.constant 0.000000e+00 : f32
    %max3A_1340 = vector.broadcast %jit3A_1339 : f32 to vector<16x8x320xf32>
    %max3A_1341 = arith.maximumf %max3A_1340, %sub3A_1338 : vector<16x8x320xf32>
    %mul3A_1342 = arith.mulf %max3A_1329, %max3A_1341 : vector<16x8x320xf32>
    %broadcast_in_dim3A_1343 = vector.shape_cast %mul3A_31 : vector<16x320xf32> to vector<16x1x320xf32>
    %add3A_1344 = vector.broadcast %broadcast_in_dim3A_1317 : vector<16x8x1xf32> to vector<16x8x320xf32>
    %add3A_1345 = vector.broadcast %broadcast_in_dim3A_1343 : vector<16x1x320xf32> to vector<16x8x320xf32>
    %add3A_1346 = arith.addf %add3A_1344, %add3A_1345 : vector<16x8x320xf32>
    %sub3A_1347 = arith.subf %add3A_1346, %mul3A_1342 : vector<16x8x320xf32>
    %add3A_1348 = arith.constant 9.99999971E-10 : f32
    %add3A_1349 = vector.broadcast %add3A_1348 : f32 to vector<16x8x320xf32>
    %add3A_1350 = arith.addf %sub3A_1347, %add3A_1349 : vector<16x8x320xf32>
    %div3A_1351 = arith.divf %mul3A_1342, %add3A_1350 : vector<16x8x320xf32>
    %swap3A_1352 = arith.constant 25 : index
    %swap3A_1353 = arith.constant 0 : index
    %swap3A_1354 = arith.constant 0 : index
    %swap3A_1355 = arith.constant 0 : index
    %swap3A_1356 = vector.load %arg6[%swap3A_1352, %swap3A_1353, %swap3A_1354, %swap3A_1355] : memref<38x16x8x320xf32, #tpu.memory_space<vmem>>, vector<1x16x8x320xf32>
    %swap3A_1357 = vector.shape_cast %swap3A_1356 : vector<1x16x8x320xf32> to vector<16x8x320xf32>
    %swap3A_1358 = vector.shape_cast %div3A_1351 : vector<16x8x320xf32> to vector<1x16x8x320xf32>
    tpu.vector_store %arg6[%swap3A_1352, %swap3A_1353, %swap3A_1354, %swap3A_1355], %swap3A_1358 {strides = array<i32>} : memref<38x16x8x320xf32, #tpu.memory_space<vmem>>, vector<1x16x8x320xf32>,
    %slice3A_1359 = vector.extract_strided_slice %add3A {offsets = [0, 208], sizes = [16, 8], strides = [1, 1]} : vector<16x320xf32> to vector<16x8xf32>
    %broadcast_in_dim3A_1360 = vector.shape_cast %slice3A_1359 : vector<16x8xf32> to vector<16x8x1xf32>
    %slice3A_1361 = vector.extract_strided_slice %add3A_27 {offsets = [0, 208], sizes = [16, 8], strides = [1, 1]} : vector<16x320xf32> to vector<16x8xf32>
    %broadcast_in_dim3A_1362 = vector.shape_cast %slice3A_1361 : vector<16x8xf32> to vector<16x8x1xf32>
    %slice3A_1363 = vector.extract_strided_slice %add3A_28 {offsets = [0, 208], sizes = [16, 8], strides = [1, 1]} : vector<16x320xf32> to vector<16x8xf32>
    %broadcast_in_dim3A_1364 = vector.shape_cast %slice3A_1363 : vector<16x8xf32> to vector<16x8x1xf32>
    %slice3A_1365 = vector.extract_strided_slice %add3A_29 {offsets = [0, 208], sizes = [16, 8], strides = [1, 1]} : vector<16x320xf32> to vector<16x8xf32>
    %broadcast_in_dim3A_1366 = vector.shape_cast %slice3A_1365 : vector<16x8xf32> to vector<16x8x1xf32>
    %slice3A_1367 = vector.extract_strided_slice %mul3A_31 {offsets = [0, 208], sizes = [16, 8], strides = [1, 1]} : vector<16x320xf32> to vector<16x8xf32>
    %broadcast_in_dim3A_1368 = vector.shape_cast %slice3A_1367 : vector<16x8xf32> to vector<16x8x1xf32>
    %broadcast_in_dim3A_1369 = vector.shape_cast %add3A_28 : vector<16x320xf32> to vector<16x1x320xf32>
    %min3A_1370 = vector.broadcast %broadcast_in_dim3A_1369 : vector<16x1x320xf32> to vector<16x8x320xf32>
    %min3A_1371 = vector.broadcast %broadcast_in_dim3A_1364 : vector<16x8x1xf32> to vector<16x8x320xf32>
    %min3A_1372 = arith.minimumf %min3A_1370, %min3A_1371 : vector<16x8x320xf32>
    %broadcast_in_dim3A_1373 = vector.shape_cast %add3A : vector<16x320xf32> to vector<16x1x320xf32>
    %max3A_1374 = vector.broadcast %broadcast_in_dim3A_1373 : vector<16x1x320xf32> to vector<16x8x320xf32>
    %max3A_1375 = vector.broadcast %broadcast_in_dim3A_1360 : vector<16x8x1xf32> to vector<16x8x320xf32>
    %max3A_1376 = arith.maximumf %max3A_1374, %max3A_1375 : vector<16x8x320xf32>
    %sub3A_1377 = arith.subf %min3A_1372, %max3A_1376 : vector<16x8x320xf32>
    %jit3A_1378 = arith.constant 0.000000e+00 : f32
    %max3A_1379 = vector.broadcast %jit3A_1378 : f32 to vector<16x8x320xf32>
    %max3A_1380 = arith.maximumf %max3A_1379, %sub3A_1377 : vector<16x8x320xf32>
    %broadcast_in_dim3A_1381 = vector.shape_cast %add3A_29 : vector<16x320xf32> to vector<16x1x320xf32>
    %min3A_1382 = vector.broadcast %broadcast_in_dim3A_1381 : vector<16x1x320xf32> to vector<16x8x320xf32>
    %min3A_1383 = vector.broadcast %broadcast_in_dim3A_1366 : vector<16x8x1xf32> to vector<16x8x320xf32>
    %min3A_1384 = arith.minimumf %min3A_1382, %min3A_1383 : vector<16x8x320xf32>
    %broadcast_in_dim3A_1385 = vector.shape_cast %add3A_27 : vector<16x320xf32> to vector<16x1x320xf32>
    %max3A_1386 = vector.broadcast %broadcast_in_dim3A_1385 : vector<16x1x320xf32> to vector<16x8x320xf32>
    %max3A_1387 = vector.broadcast %broadcast_in_dim3A_1362 : vector<16x8x1xf32> to vector<16x8x320xf32>
    %max3A_1388 = arith.maximumf %max3A_1386, %max3A_1387 : vector<16x8x320xf32>
    %sub3A_1389 = arith.subf %min3A_1384, %max3A_1388 : vector<16x8x320xf32>
    %jit3A_1390 = arith.constant 0.000000e+00 : f32
    %max3A_1391 = vector.broadcast %jit3A_1390 : f32 to vector<16x8x320xf32>
    %max3A_1392 = arith.maximumf %max3A_1391, %sub3A_1389 : vector<16x8x320xf32>
    %mul3A_1393 = arith.mulf %max3A_1380, %max3A_1392 : vector<16x8x320xf32>
    %broadcast_in_dim3A_1394 = vector.shape_cast %mul3A_31 : vector<16x320xf32> to vector<16x1x320xf32>
    %add3A_1395 = vector.broadcast %broadcast_in_dim3A_1368 : vector<16x8x1xf32> to vector<16x8x320xf32>
    %add3A_1396 = vector.broadcast %broadcast_in_dim3A_1394 : vector<16x1x320xf32> to vector<16x8x320xf32>
    %add3A_1397 = arith.addf %add3A_1395, %add3A_1396 : vector<16x8x320xf32>
    %sub3A_1398 = arith.subf %add3A_1397, %mul3A_1393 : vector<16x8x320xf32>
    %add3A_1399 = arith.constant 9.99999971E-10 : f32
    %add3A_1400 = vector.broadcast %add3A_1399 : f32 to vector<16x8x320xf32>
    %add3A_1401 = arith.addf %sub3A_1398, %add3A_1400 : vector<16x8x320xf32>
    %div3A_1402 = arith.divf %mul3A_1393, %add3A_1401 : vector<16x8x320xf32>
    %swap3A_1403 = arith.constant 26 : index
    %swap3A_1404 = arith.constant 0 : index
    %swap3A_1405 = arith.constant 0 : index
    %swap3A_1406 = arith.constant 0 : index
    %swap3A_1407 = vector.load %arg6[%swap3A_1403, %swap3A_1404, %swap3A_1405, %swap3A_1406] : memref<38x16x8x320xf32, #tpu.memory_space<vmem>>, vector<1x16x8x320xf32>
    %swap3A_1408 = vector.shape_cast %swap3A_1407 : vector<1x16x8x320xf32> to vector<16x8x320xf32>
    %swap3A_1409 = vector.shape_cast %div3A_1402 : vector<16x8x320xf32> to vector<1x16x8x320xf32>
    tpu.vector_store %arg6[%swap3A_1403, %swap3A_1404, %swap3A_1405, %swap3A_1406], %swap3A_1409 {strides = array<i32>} : memref<38x16x8x320xf32, #tpu.memory_space<vmem>>, vector<1x16x8x320xf32>,
    %slice3A_1410 = vector.extract_strided_slice %add3A {offsets = [0, 216], sizes = [16, 8], strides = [1, 1]} : vector<16x320xf32> to vector<16x8xf32>
    %broadcast_in_dim3A_1411 = vector.shape_cast %slice3A_1410 : vector<16x8xf32> to vector<16x8x1xf32>
    %slice3A_1412 = vector.extract_strided_slice %add3A_27 {offsets = [0, 216], sizes = [16, 8], strides = [1, 1]} : vector<16x320xf32> to vector<16x8xf32>
    %broadcast_in_dim3A_1413 = vector.shape_cast %slice3A_1412 : vector<16x8xf32> to vector<16x8x1xf32>
    %slice3A_1414 = vector.extract_strided_slice %add3A_28 {offsets = [0, 216], sizes = [16, 8], strides = [1, 1]} : vector<16x320xf32> to vector<16x8xf32>
    %broadcast_in_dim3A_1415 = vector.shape_cast %slice3A_1414 : vector<16x8xf32> to vector<16x8x1xf32>
    %slice3A_1416 = vector.extract_strided_slice %add3A_29 {offsets = [0, 216], sizes = [16, 8], strides = [1, 1]} : vector<16x320xf32> to vector<16x8xf32>
    %broadcast_in_dim3A_1417 = vector.shape_cast %slice3A_1416 : vector<16x8xf32> to vector<16x8x1xf32>
    %slice3A_1418 = vector.extract_strided_slice %mul3A_31 {offsets = [0, 216], sizes = [16, 8], strides = [1, 1]} : vector<16x320xf32> to vector<16x8xf32>
    %broadcast_in_dim3A_1419 = vector.shape_cast %slice3A_1418 : vector<16x8xf32> to vector<16x8x1xf32>
    %broadcast_in_dim3A_1420 = vector.shape_cast %add3A_28 : vector<16x320xf32> to vector<16x1x320xf32>
    %min3A_1421 = vector.broadcast %broadcast_in_dim3A_1420 : vector<16x1x320xf32> to vector<16x8x320xf32>
    %min3A_1422 = vector.broadcast %broadcast_in_dim3A_1415 : vector<16x8x1xf32> to vector<16x8x320xf32>
    %min3A_1423 = arith.minimumf %min3A_1421, %min3A_1422 : vector<16x8x320xf32>
    %broadcast_in_dim3A_1424 = vector.shape_cast %add3A : vector<16x320xf32> to vector<16x1x320xf32>
    %max3A_1425 = vector.broadcast %broadcast_in_dim3A_1424 : vector<16x1x320xf32> to vector<16x8x320xf32>
    %max3A_1426 = vector.broadcast %broadcast_in_dim3A_1411 : vector<16x8x1xf32> to vector<16x8x320xf32>
    %max3A_1427 = arith.maximumf %max3A_1425, %max3A_1426 : vector<16x8x320xf32>
    %sub3A_1428 = arith.subf %min3A_1423, %max3A_1427 : vector<16x8x320xf32>
    %jit3A_1429 = arith.constant 0.000000e+00 : f32
    %max3A_1430 = vector.broadcast %jit3A_1429 : f32 to vector<16x8x320xf32>
    %max3A_1431 = arith.maximumf %max3A_1430, %sub3A_1428 : vector<16x8x320xf32>
    %broadcast_in_dim3A_1432 = vector.shape_cast %add3A_29 : vector<16x320xf32> to vector<16x1x320xf32>
    %min3A_1433 = vector.broadcast %broadcast_in_dim3A_1432 : vector<16x1x320xf32> to vector<16x8x320xf32>
    %min3A_1434 = vector.broadcast %broadcast_in_dim3A_1417 : vector<16x8x1xf32> to vector<16x8x320xf32>
    %min3A_1435 = arith.minimumf %min3A_1433, %min3A_1434 : vector<16x8x320xf32>
    %broadcast_in_dim3A_1436 = vector.shape_cast %add3A_27 : vector<16x320xf32> to vector<16x1x320xf32>
    %max3A_1437 = vector.broadcast %broadcast_in_dim3A_1436 : vector<16x1x320xf32> to vector<16x8x320xf32>
    %max3A_1438 = vector.broadcast %broadcast_in_dim3A_1413 : vector<16x8x1xf32> to vector<16x8x320xf32>
    %max3A_1439 = arith.maximumf %max3A_1437, %max3A_1438 : vector<16x8x320xf32>
    %sub3A_1440 = arith.subf %min3A_1435, %max3A_1439 : vector<16x8x320xf32>
    %jit3A_1441 = arith.constant 0.000000e+00 : f32
    %max3A_1442 = vector.broadcast %jit3A_1441 : f32 to vector<16x8x320xf32>
    %max3A_1443 = arith.maximumf %max3A_1442, %sub3A_1440 : vector<16x8x320xf32>
    %mul3A_1444 = arith.mulf %max3A_1431, %max3A_1443 : vector<16x8x320xf32>
    %broadcast_in_dim3A_1445 = vector.shape_cast %mul3A_31 : vector<16x320xf32> to vector<16x1x320xf32>
    %add3A_1446 = vector.broadcast %broadcast_in_dim3A_1419 : vector<16x8x1xf32> to vector<16x8x320xf32>
    %add3A_1447 = vector.broadcast %broadcast_in_dim3A_1445 : vector<16x1x320xf32> to vector<16x8x320xf32>
    %add3A_1448 = arith.addf %add3A_1446, %add3A_1447 : vector<16x8x320xf32>
    %sub3A_1449 = arith.subf %add3A_1448, %mul3A_1444 : vector<16x8x320xf32>
    %add3A_1450 = arith.constant 9.99999971E-10 : f32
    %add3A_1451 = vector.broadcast %add3A_1450 : f32 to vector<16x8x320xf32>
    %add3A_1452 = arith.addf %sub3A_1449, %add3A_1451 : vector<16x8x320xf32>
    %div3A_1453 = arith.divf %mul3A_1444, %add3A_1452 : vector<16x8x320xf32>
    %swap3A_1454 = arith.constant 27 : index
    %swap3A_1455 = arith.constant 0 : index
    %swap3A_1456 = arith.constant 0 : index
    %swap3A_1457 = arith.constant 0 : index
    %swap3A_1458 = vector.load %arg6[%swap3A_1454, %swap3A_1455, %swap3A_1456, %swap3A_1457] : memref<38x16x8x320xf32, #tpu.memory_space<vmem>>, vector<1x16x8x320xf32>
    %swap3A_1459 = vector.shape_cast %swap3A_1458 : vector<1x16x8x320xf32> to vector<16x8x320xf32>
    %swap3A_1460 = vector.shape_cast %div3A_1453 : vector<16x8x320xf32> to vector<1x16x8x320xf32>
    tpu.vector_store %arg6[%swap3A_1454, %swap3A_1455, %swap3A_1456, %swap3A_1457], %swap3A_1460 {strides = array<i32>} : memref<38x16x8x320xf32, #tpu.memory_space<vmem>>, vector<1x16x8x320xf32>,
    %slice3A_1461 = vector.extract_strided_slice %add3A {offsets = [0, 224], sizes = [16, 8], strides = [1, 1]} : vector<16x320xf32> to vector<16x8xf32>
    %broadcast_in_dim3A_1462 = vector.shape_cast %slice3A_1461 : vector<16x8xf32> to vector<16x8x1xf32>
    %slice3A_1463 = vector.extract_strided_slice %add3A_27 {offsets = [0, 224], sizes = [16, 8], strides = [1, 1]} : vector<16x320xf32> to vector<16x8xf32>
    %broadcast_in_dim3A_1464 = vector.shape_cast %slice3A_1463 : vector<16x8xf32> to vector<16x8x1xf32>
    %slice3A_1465 = vector.extract_strided_slice %add3A_28 {offsets = [0, 224], sizes = [16, 8], strides = [1, 1]} : vector<16x320xf32> to vector<16x8xf32>
    %broadcast_in_dim3A_1466 = vector.shape_cast %slice3A_1465 : vector<16x8xf32> to vector<16x8x1xf32>
    %slice3A_1467 = vector.extract_strided_slice %add3A_29 {offsets = [0, 224], sizes = [16, 8], strides = [1, 1]} : vector<16x320xf32> to vector<16x8xf32>
    %broadcast_in_dim3A_1468 = vector.shape_cast %slice3A_1467 : vector<16x8xf32> to vector<16x8x1xf32>
    %slice3A_1469 = vector.extract_strided_slice %mul3A_31 {offsets = [0, 224], sizes = [16, 8], strides = [1, 1]} : vector<16x320xf32> to vector<16x8xf32>
    %broadcast_in_dim3A_1470 = vector.shape_cast %slice3A_1469 : vector<16x8xf32> to vector<16x8x1xf32>
    %broadcast_in_dim3A_1471 = vector.shape_cast %add3A_28 : vector<16x320xf32> to vector<16x1x320xf32>
    %min3A_1472 = vector.broadcast %broadcast_in_dim3A_1471 : vector<16x1x320xf32> to vector<16x8x320xf32>
    %min3A_1473 = vector.broadcast %broadcast_in_dim3A_1466 : vector<16x8x1xf32> to vector<16x8x320xf32>
    %min3A_1474 = arith.minimumf %min3A_1472, %min3A_1473 : vector<16x8x320xf32>
    %broadcast_in_dim3A_1475 = vector.shape_cast %add3A : vector<16x320xf32> to vector<16x1x320xf32>
    %max3A_1476 = vector.broadcast %broadcast_in_dim3A_1475 : vector<16x1x320xf32> to vector<16x8x320xf32>
    %max3A_1477 = vector.broadcast %broadcast_in_dim3A_1462 : vector<16x8x1xf32> to vector<16x8x320xf32>
    %max3A_1478 = arith.maximumf %max3A_1476, %max3A_1477 : vector<16x8x320xf32>
    %sub3A_1479 = arith.subf %min3A_1474, %max3A_1478 : vector<16x8x320xf32>
    %jit3A_1480 = arith.constant 0.000000e+00 : f32
    %max3A_1481 = vector.broadcast %jit3A_1480 : f32 to vector<16x8x320xf32>
    %max3A_1482 = arith.maximumf %max3A_1481, %sub3A_1479 : vector<16x8x320xf32>
    %broadcast_in_dim3A_1483 = vector.shape_cast %add3A_29 : vector<16x320xf32> to vector<16x1x320xf32>
    %min3A_1484 = vector.broadcast %broadcast_in_dim3A_1483 : vector<16x1x320xf32> to vector<16x8x320xf32>
    %min3A_1485 = vector.broadcast %broadcast_in_dim3A_1468 : vector<16x8x1xf32> to vector<16x8x320xf32>
    %min3A_1486 = arith.minimumf %min3A_1484, %min3A_1485 : vector<16x8x320xf32>
    %broadcast_in_dim3A_1487 = vector.shape_cast %add3A_27 : vector<16x320xf32> to vector<16x1x320xf32>
    %max3A_1488 = vector.broadcast %broadcast_in_dim3A_1487 : vector<16x1x320xf32> to vector<16x8x320xf32>
    %max3A_1489 = vector.broadcast %broadcast_in_dim3A_1464 : vector<16x8x1xf32> to vector<16x8x320xf32>
    %max3A_1490 = arith.maximumf %max3A_1488, %max3A_1489 : vector<16x8x320xf32>
    %sub3A_1491 = arith.subf %min3A_1486, %max3A_1490 : vector<16x8x320xf32>
    %jit3A_1492 = arith.constant 0.000000e+00 : f32
    %max3A_1493 = vector.broadcast %jit3A_1492 : f32 to vector<16x8x320xf32>
    %max3A_1494 = arith.maximumf %max3A_1493, %sub3A_1491 : vector<16x8x320xf32>
    %mul3A_1495 = arith.mulf %max3A_1482, %max3A_1494 : vector<16x8x320xf32>
    %broadcast_in_dim3A_1496 = vector.shape_cast %mul3A_31 : vector<16x320xf32> to vector<16x1x320xf32>
    %add3A_1497 = vector.broadcast %broadcast_in_dim3A_1470 : vector<16x8x1xf32> to vector<16x8x320xf32>
    %add3A_1498 = vector.broadcast %broadcast_in_dim3A_1496 : vector<16x1x320xf32> to vector<16x8x320xf32>
    %add3A_1499 = arith.addf %add3A_1497, %add3A_1498 : vector<16x8x320xf32>
    %sub3A_1500 = arith.subf %add3A_1499, %mul3A_1495 : vector<16x8x320xf32>
    %add3A_1501 = arith.constant 9.99999971E-10 : f32
    %add3A_1502 = vector.broadcast %add3A_1501 : f32 to vector<16x8x320xf32>
    %add3A_1503 = arith.addf %sub3A_1500, %add3A_1502 : vector<16x8x320xf32>
    %div3A_1504 = arith.divf %mul3A_1495, %add3A_1503 : vector<16x8x320xf32>
    %swap3A_1505 = arith.constant 28 : index
    %swap3A_1506 = arith.constant 0 : index
    %swap3A_1507 = arith.constant 0 : index
    %swap3A_1508 = arith.constant 0 : index
    %swap3A_1509 = vector.load %arg6[%swap3A_1505, %swap3A_1506, %swap3A_1507, %swap3A_1508] : memref<38x16x8x320xf32, #tpu.memory_space<vmem>>, vector<1x16x8x320xf32>
    %swap3A_1510 = vector.shape_cast %swap3A_1509 : vector<1x16x8x320xf32> to vector<16x8x320xf32>
    %swap3A_1511 = vector.shape_cast %div3A_1504 : vector<16x8x320xf32> to vector<1x16x8x320xf32>
    tpu.vector_store %arg6[%swap3A_1505, %swap3A_1506, %swap3A_1507, %swap3A_1508], %swap3A_1511 {strides = array<i32>} : memref<38x16x8x320xf32, #tpu.memory_space<vmem>>, vector<1x16x8x320xf32>,
    %slice3A_1512 = vector.extract_strided_slice %add3A {offsets = [0, 232], sizes = [16, 8], strides = [1, 1]} : vector<16x320xf32> to vector<16x8xf32>
    %broadcast_in_dim3A_1513 = vector.shape_cast %slice3A_1512 : vector<16x8xf32> to vector<16x8x1xf32>
    %slice3A_1514 = vector.extract_strided_slice %add3A_27 {offsets = [0, 232], sizes = [16, 8], strides = [1, 1]} : vector<16x320xf32> to vector<16x8xf32>
    %broadcast_in_dim3A_1515 = vector.shape_cast %slice3A_1514 : vector<16x8xf32> to vector<16x8x1xf32>
    %slice3A_1516 = vector.extract_strided_slice %add3A_28 {offsets = [0, 232], sizes = [16, 8], strides = [1, 1]} : vector<16x320xf32> to vector<16x8xf32>
    %broadcast_in_dim3A_1517 = vector.shape_cast %slice3A_1516 : vector<16x8xf32> to vector<16x8x1xf32>
    %slice3A_1518 = vector.extract_strided_slice %add3A_29 {offsets = [0, 232], sizes = [16, 8], strides = [1, 1]} : vector<16x320xf32> to vector<16x8xf32>
    %broadcast_in_dim3A_1519 = vector.shape_cast %slice3A_1518 : vector<16x8xf32> to vector<16x8x1xf32>
    %slice3A_1520 = vector.extract_strided_slice %mul3A_31 {offsets = [0, 232], sizes = [16, 8], strides = [1, 1]} : vector<16x320xf32> to vector<16x8xf32>
    %broadcast_in_dim3A_1521 = vector.shape_cast %slice3A_1520 : vector<16x8xf32> to vector<16x8x1xf32>
    %broadcast_in_dim3A_1522 = vector.shape_cast %add3A_28 : vector<16x320xf32> to vector<16x1x320xf32>
    %min3A_1523 = vector.broadcast %broadcast_in_dim3A_1522 : vector<16x1x320xf32> to vector<16x8x320xf32>
    %min3A_1524 = vector.broadcast %broadcast_in_dim3A_1517 : vector<16x8x1xf32> to vector<16x8x320xf32>
    %min3A_1525 = arith.minimumf %min3A_1523, %min3A_1524 : vector<16x8x320xf32>
    %broadcast_in_dim3A_1526 = vector.shape_cast %add3A : vector<16x320xf32> to vector<16x1x320xf32>
    %max3A_1527 = vector.broadcast %broadcast_in_dim3A_1526 : vector<16x1x320xf32> to vector<16x8x320xf32>
    %max3A_1528 = vector.broadcast %broadcast_in_dim3A_1513 : vector<16x8x1xf32> to vector<16x8x320xf32>
    %max3A_1529 = arith.maximumf %max3A_1527, %max3A_1528 : vector<16x8x320xf32>
    %sub3A_1530 = arith.subf %min3A_1525, %max3A_1529 : vector<16x8x320xf32>
    %jit3A_1531 = arith.constant 0.000000e+00 : f32
    %max3A_1532 = vector.broadcast %jit3A_1531 : f32 to vector<16x8x320xf32>
    %max3A_1533 = arith.maximumf %max3A_1532, %sub3A_1530 : vector<16x8x320xf32>
    %broadcast_in_dim3A_1534 = vector.shape_cast %add3A_29 : vector<16x320xf32> to vector<16x1x320xf32>
    %min3A_1535 = vector.broadcast %broadcast_in_dim3A_1534 : vector<16x1x320xf32> to vector<16x8x320xf32>
    %min3A_1536 = vector.broadcast %broadcast_in_dim3A_1519 : vector<16x8x1xf32> to vector<16x8x320xf32>
    %min3A_1537 = arith.minimumf %min3A_1535, %min3A_1536 : vector<16x8x320xf32>
    %broadcast_in_dim3A_1538 = vector.shape_cast %add3A_27 : vector<16x320xf32> to vector<16x1x320xf32>
    %max3A_1539 = vector.broadcast %broadcast_in_dim3A_1538 : vector<16x1x320xf32> to vector<16x8x320xf32>
    %max3A_1540 = vector.broadcast %broadcast_in_dim3A_1515 : vector<16x8x1xf32> to vector<16x8x320xf32>
    %max3A_1541 = arith.maximumf %max3A_1539, %max3A_1540 : vector<16x8x320xf32>
    %sub3A_1542 = arith.subf %min3A_1537, %max3A_1541 : vector<16x8x320xf32>
    %jit3A_1543 = arith.constant 0.000000e+00 : f32
    %max3A_1544 = vector.broadcast %jit3A_1543 : f32 to vector<16x8x320xf32>
    %max3A_1545 = arith.maximumf %max3A_1544, %sub3A_1542 : vector<16x8x320xf32>
    %mul3A_1546 = arith.mulf %max3A_1533, %max3A_1545 : vector<16x8x320xf32>
    %broadcast_in_dim3A_1547 = vector.shape_cast %mul3A_31 : vector<16x320xf32> to vector<16x1x320xf32>
    %add3A_1548 = vector.broadcast %broadcast_in_dim3A_1521 : vector<16x8x1xf32> to vector<16x8x320xf32>
    %add3A_1549 = vector.broadcast %broadcast_in_dim3A_1547 : vector<16x1x320xf32> to vector<16x8x320xf32>
    %add3A_1550 = arith.addf %add3A_1548, %add3A_1549 : vector<16x8x320xf32>
    %sub3A_1551 = arith.subf %add3A_1550, %mul3A_1546 : vector<16x8x320xf32>
    %add3A_1552 = arith.constant 9.99999971E-10 : f32
    %add3A_1553 = vector.broadcast %add3A_1552 : f32 to vector<16x8x320xf32>
    %add3A_1554 = arith.addf %sub3A_1551, %add3A_1553 : vector<16x8x320xf32>
    %div3A_1555 = arith.divf %mul3A_1546, %add3A_1554 : vector<16x8x320xf32>
    %swap3A_1556 = arith.constant 29 : index
    %swap3A_1557 = arith.constant 0 : index
    %swap3A_1558 = arith.constant 0 : index
    %swap3A_1559 = arith.constant 0 : index
    %swap3A_1560 = vector.load %arg6[%swap3A_1556, %swap3A_1557, %swap3A_1558, %swap3A_1559] : memref<38x16x8x320xf32, #tpu.memory_space<vmem>>, vector<1x16x8x320xf32>
    %swap3A_1561 = vector.shape_cast %swap3A_1560 : vector<1x16x8x320xf32> to vector<16x8x320xf32>
    %swap3A_1562 = vector.shape_cast %div3A_1555 : vector<16x8x320xf32> to vector<1x16x8x320xf32>
    tpu.vector_store %arg6[%swap3A_1556, %swap3A_1557, %swap3A_1558, %swap3A_1559], %swap3A_1562 {strides = array<i32>} : memref<38x16x8x320xf32, #tpu.memory_space<vmem>>, vector<1x16x8x320xf32>,
    %slice3A_1563 = vector.extract_strided_slice %add3A {offsets = [0, 240], sizes = [16, 8], strides = [1, 1]} : vector<16x320xf32> to vector<16x8xf32>
    %broadcast_in_dim3A_1564 = vector.shape_cast %slice3A_1563 : vector<16x8xf32> to vector<16x8x1xf32>
    %slice3A_1565 = vector.extract_strided_slice %add3A_27 {offsets = [0, 240], sizes = [16, 8], strides = [1, 1]} : vector<16x320xf32> to vector<16x8xf32>
    %broadcast_in_dim3A_1566 = vector.shape_cast %slice3A_1565 : vector<16x8xf32> to vector<16x8x1xf32>
    %slice3A_1567 = vector.extract_strided_slice %add3A_28 {offsets = [0, 240], sizes = [16, 8], strides = [1, 1]} : vector<16x320xf32> to vector<16x8xf32>
    %broadcast_in_dim3A_1568 = vector.shape_cast %slice3A_1567 : vector<16x8xf32> to vector<16x8x1xf32>
    %slice3A_1569 = vector.extract_strided_slice %add3A_29 {offsets = [0, 240], sizes = [16, 8], strides = [1, 1]} : vector<16x320xf32> to vector<16x8xf32>
    %broadcast_in_dim3A_1570 = vector.shape_cast %slice3A_1569 : vector<16x8xf32> to vector<16x8x1xf32>
    %slice3A_1571 = vector.extract_strided_slice %mul3A_31 {offsets = [0, 240], sizes = [16, 8], strides = [1, 1]} : vector<16x320xf32> to vector<16x8xf32>
    %broadcast_in_dim3A_1572 = vector.shape_cast %slice3A_1571 : vector<16x8xf32> to vector<16x8x1xf32>
    %broadcast_in_dim3A_1573 = vector.shape_cast %add3A_28 : vector<16x320xf32> to vector<16x1x320xf32>
    %min3A_1574 = vector.broadcast %broadcast_in_dim3A_1573 : vector<16x1x320xf32> to vector<16x8x320xf32>
    %min3A_1575 = vector.broadcast %broadcast_in_dim3A_1568 : vector<16x8x1xf32> to vector<16x8x320xf32>
    %min3A_1576 = arith.minimumf %min3A_1574, %min3A_1575 : vector<16x8x320xf32>
    %broadcast_in_dim3A_1577 = vector.shape_cast %add3A : vector<16x320xf32> to vector<16x1x320xf32>
    %max3A_1578 = vector.broadcast %broadcast_in_dim3A_1577 : vector<16x1x320xf32> to vector<16x8x320xf32>
    %max3A_1579 = vector.broadcast %broadcast_in_dim3A_1564 : vector<16x8x1xf32> to vector<16x8x320xf32>
    %max3A_1580 = arith.maximumf %max3A_1578, %max3A_1579 : vector<16x8x320xf32>
    %sub3A_1581 = arith.subf %min3A_1576, %max3A_1580 : vector<16x8x320xf32>
    %jit3A_1582 = arith.constant 0.000000e+00 : f32
    %max3A_1583 = vector.broadcast %jit3A_1582 : f32 to vector<16x8x320xf32>
    %max3A_1584 = arith.maximumf %max3A_1583, %sub3A_1581 : vector<16x8x320xf32>
    %broadcast_in_dim3A_1585 = vector.shape_cast %add3A_29 : vector<16x320xf32> to vector<16x1x320xf32>
    %min3A_1586 = vector.broadcast %broadcast_in_dim3A_1585 : vector<16x1x320xf32> to vector<16x8x320xf32>
    %min3A_1587 = vector.broadcast %broadcast_in_dim3A_1570 : vector<16x8x1xf32> to vector<16x8x320xf32>
    %min3A_1588 = arith.minimumf %min3A_1586, %min3A_1587 : vector<16x8x320xf32>
    %broadcast_in_dim3A_1589 = vector.shape_cast %add3A_27 : vector<16x320xf32> to vector<16x1x320xf32>
    %max3A_1590 = vector.broadcast %broadcast_in_dim3A_1589 : vector<16x1x320xf32> to vector<16x8x320xf32>
    %max3A_1591 = vector.broadcast %broadcast_in_dim3A_1566 : vector<16x8x1xf32> to vector<16x8x320xf32>
    %max3A_1592 = arith.maximumf %max3A_1590, %max3A_1591 : vector<16x8x320xf32>
    %sub3A_1593 = arith.subf %min3A_1588, %max3A_1592 : vector<16x8x320xf32>
    %jit3A_1594 = arith.constant 0.000000e+00 : f32
    %max3A_1595 = vector.broadcast %jit3A_1594 : f32 to vector<16x8x320xf32>
    %max3A_1596 = arith.maximumf %max3A_1595, %sub3A_1593 : vector<16x8x320xf32>
    %mul3A_1597 = arith.mulf %max3A_1584, %max3A_1596 : vector<16x8x320xf32>
    %broadcast_in_dim3A_1598 = vector.shape_cast %mul3A_31 : vector<16x320xf32> to vector<16x1x320xf32>
    %add3A_1599 = vector.broadcast %broadcast_in_dim3A_1572 : vector<16x8x1xf32> to vector<16x8x320xf32>
    %add3A_1600 = vector.broadcast %broadcast_in_dim3A_1598 : vector<16x1x320xf32> to vector<16x8x320xf32>
    %add3A_1601 = arith.addf %add3A_1599, %add3A_1600 : vector<16x8x320xf32>
    %sub3A_1602 = arith.subf %add3A_1601, %mul3A_1597 : vector<16x8x320xf32>
    %add3A_1603 = arith.constant 9.99999971E-10 : f32
    %add3A_1604 = vector.broadcast %add3A_1603 : f32 to vector<16x8x320xf32>
    %add3A_1605 = arith.addf %sub3A_1602, %add3A_1604 : vector<16x8x320xf32>
    %div3A_1606 = arith.divf %mul3A_1597, %add3A_1605 : vector<16x8x320xf32>
    %swap3A_1607 = arith.constant 30 : index
    %swap3A_1608 = arith.constant 0 : index
    %swap3A_1609 = arith.constant 0 : index
    %swap3A_1610 = arith.constant 0 : index
    %swap3A_1611 = vector.load %arg6[%swap3A_1607, %swap3A_1608, %swap3A_1609, %swap3A_1610] : memref<38x16x8x320xf32, #tpu.memory_space<vmem>>, vector<1x16x8x320xf32>
    %swap3A_1612 = vector.shape_cast %swap3A_1611 : vector<1x16x8x320xf32> to vector<16x8x320xf32>
    %swap3A_1613 = vector.shape_cast %div3A_1606 : vector<16x8x320xf32> to vector<1x16x8x320xf32>
    tpu.vector_store %arg6[%swap3A_1607, %swap3A_1608, %swap3A_1609, %swap3A_1610], %swap3A_1613 {strides = array<i32>} : memref<38x16x8x320xf32, #tpu.memory_space<vmem>>, vector<1x16x8x320xf32>,
    %slice3A_1614 = vector.extract_strided_slice %add3A {offsets = [0, 248], sizes = [16, 8], strides = [1, 1]} : vector<16x320xf32> to vector<16x8xf32>
    %broadcast_in_dim3A_1615 = vector.shape_cast %slice3A_1614 : vector<16x8xf32> to vector<16x8x1xf32>
    %slice3A_1616 = vector.extract_strided_slice %add3A_27 {offsets = [0, 248], sizes = [16, 8], strides = [1, 1]} : vector<16x320xf32> to vector<16x8xf32>
    %broadcast_in_dim3A_1617 = vector.shape_cast %slice3A_1616 : vector<16x8xf32> to vector<16x8x1xf32>
    %slice3A_1618 = vector.extract_strided_slice %add3A_28 {offsets = [0, 248], sizes = [16, 8], strides = [1, 1]} : vector<16x320xf32> to vector<16x8xf32>
    %broadcast_in_dim3A_1619 = vector.shape_cast %slice3A_1618 : vector<16x8xf32> to vector<16x8x1xf32>
    %slice3A_1620 = vector.extract_strided_slice %add3A_29 {offsets = [0, 248], sizes = [16, 8], strides = [1, 1]} : vector<16x320xf32> to vector<16x8xf32>
    %broadcast_in_dim3A_1621 = vector.shape_cast %slice3A_1620 : vector<16x8xf32> to vector<16x8x1xf32>
    %slice3A_1622 = vector.extract_strided_slice %mul3A_31 {offsets = [0, 248], sizes = [16, 8], strides = [1, 1]} : vector<16x320xf32> to vector<16x8xf32>
    %broadcast_in_dim3A_1623 = vector.shape_cast %slice3A_1622 : vector<16x8xf32> to vector<16x8x1xf32>
    %broadcast_in_dim3A_1624 = vector.shape_cast %add3A_28 : vector<16x320xf32> to vector<16x1x320xf32>
    %min3A_1625 = vector.broadcast %broadcast_in_dim3A_1624 : vector<16x1x320xf32> to vector<16x8x320xf32>
    %min3A_1626 = vector.broadcast %broadcast_in_dim3A_1619 : vector<16x8x1xf32> to vector<16x8x320xf32>
    %min3A_1627 = arith.minimumf %min3A_1625, %min3A_1626 : vector<16x8x320xf32>
    %broadcast_in_dim3A_1628 = vector.shape_cast %add3A : vector<16x320xf32> to vector<16x1x320xf32>
    %max3A_1629 = vector.broadcast %broadcast_in_dim3A_1628 : vector<16x1x320xf32> to vector<16x8x320xf32>
    %max3A_1630 = vector.broadcast %broadcast_in_dim3A_1615 : vector<16x8x1xf32> to vector<16x8x320xf32>
    %max3A_1631 = arith.maximumf %max3A_1629, %max3A_1630 : vector<16x8x320xf32>
    %sub3A_1632 = arith.subf %min3A_1627, %max3A_1631 : vector<16x8x320xf32>
    %jit3A_1633 = arith.constant 0.000000e+00 : f32
    %max3A_1634 = vector.broadcast %jit3A_1633 : f32 to vector<16x8x320xf32>
    %max3A_1635 = arith.maximumf %max3A_1634, %sub3A_1632 : vector<16x8x320xf32>
    %broadcast_in_dim3A_1636 = vector.shape_cast %add3A_29 : vector<16x320xf32> to vector<16x1x320xf32>
    %min3A_1637 = vector.broadcast %broadcast_in_dim3A_1636 : vector<16x1x320xf32> to vector<16x8x320xf32>
    %min3A_1638 = vector.broadcast %broadcast_in_dim3A_1621 : vector<16x8x1xf32> to vector<16x8x320xf32>
    %min3A_1639 = arith.minimumf %min3A_1637, %min3A_1638 : vector<16x8x320xf32>
    %broadcast_in_dim3A_1640 = vector.shape_cast %add3A_27 : vector<16x320xf32> to vector<16x1x320xf32>
    %max3A_1641 = vector.broadcast %broadcast_in_dim3A_1640 : vector<16x1x320xf32> to vector<16x8x320xf32>
    %max3A_1642 = vector.broadcast %broadcast_in_dim3A_1617 : vector<16x8x1xf32> to vector<16x8x320xf32>
    %max3A_1643 = arith.maximumf %max3A_1641, %max3A_1642 : vector<16x8x320xf32>
    %sub3A_1644 = arith.subf %min3A_1639, %max3A_1643 : vector<16x8x320xf32>
    %jit3A_1645 = arith.constant 0.000000e+00 : f32
    %max3A_1646 = vector.broadcast %jit3A_1645 : f32 to vector<16x8x320xf32>
    %max3A_1647 = arith.maximumf %max3A_1646, %sub3A_1644 : vector<16x8x320xf32>
    %mul3A_1648 = arith.mulf %max3A_1635, %max3A_1647 : vector<16x8x320xf32>
    %broadcast_in_dim3A_1649 = vector.shape_cast %mul3A_31 : vector<16x320xf32> to vector<16x1x320xf32>
    %add3A_1650 = vector.broadcast %broadcast_in_dim3A_1623 : vector<16x8x1xf32> to vector<16x8x320xf32>
    %add3A_1651 = vector.broadcast %broadcast_in_dim3A_1649 : vector<16x1x320xf32> to vector<16x8x320xf32>
    %add3A_1652 = arith.addf %add3A_1650, %add3A_1651 : vector<16x8x320xf32>
    %sub3A_1653 = arith.subf %add3A_1652, %mul3A_1648 : vector<16x8x320xf32>
    %add3A_1654 = arith.constant 9.99999971E-10 : f32
    %add3A_1655 = vector.broadcast %add3A_1654 : f32 to vector<16x8x320xf32>
    %add3A_1656 = arith.addf %sub3A_1653, %add3A_1655 : vector<16x8x320xf32>
    %div3A_1657 = arith.divf %mul3A_1648, %add3A_1656 : vector<16x8x320xf32>
    %swap3A_1658 = arith.constant 31 : index
    %swap3A_1659 = arith.constant 0 : index
    %swap3A_1660 = arith.constant 0 : index
    %swap3A_1661 = arith.constant 0 : index
    %swap3A_1662 = vector.load %arg6[%swap3A_1658, %swap3A_1659, %swap3A_1660, %swap3A_1661] : memref<38x16x8x320xf32, #tpu.memory_space<vmem>>, vector<1x16x8x320xf32>
    %swap3A_1663 = vector.shape_cast %swap3A_1662 : vector<1x16x8x320xf32> to vector<16x8x320xf32>
    %swap3A_1664 = vector.shape_cast %div3A_1657 : vector<16x8x320xf32> to vector<1x16x8x320xf32>
    tpu.vector_store %arg6[%swap3A_1658, %swap3A_1659, %swap3A_1660, %swap3A_1661], %swap3A_1664 {strides = array<i32>} : memref<38x16x8x320xf32, #tpu.memory_space<vmem>>, vector<1x16x8x320xf32>,
    %slice3A_1665 = vector.extract_strided_slice %add3A {offsets = [0, 256], sizes = [16, 8], strides = [1, 1]} : vector<16x320xf32> to vector<16x8xf32>
    %broadcast_in_dim3A_1666 = vector.shape_cast %slice3A_1665 : vector<16x8xf32> to vector<16x8x1xf32>
    %slice3A_1667 = vector.extract_strided_slice %add3A_27 {offsets = [0, 256], sizes = [16, 8], strides = [1, 1]} : vector<16x320xf32> to vector<16x8xf32>
    %broadcast_in_dim3A_1668 = vector.shape_cast %slice3A_1667 : vector<16x8xf32> to vector<16x8x1xf32>
    %slice3A_1669 = vector.extract_strided_slice %add3A_28 {offsets = [0, 256], sizes = [16, 8], strides = [1, 1]} : vector<16x320xf32> to vector<16x8xf32>
    %broadcast_in_dim3A_1670 = vector.shape_cast %slice3A_1669 : vector<16x8xf32> to vector<16x8x1xf32>
    %slice3A_1671 = vector.extract_strided_slice %add3A_29 {offsets = [0, 256], sizes = [16, 8], strides = [1, 1]} : vector<16x320xf32> to vector<16x8xf32>
    %broadcast_in_dim3A_1672 = vector.shape_cast %slice3A_1671 : vector<16x8xf32> to vector<16x8x1xf32>
    %slice3A_1673 = vector.extract_strided_slice %mul3A_31 {offsets = [0, 256], sizes = [16, 8], strides = [1, 1]} : vector<16x320xf32> to vector<16x8xf32>
    %broadcast_in_dim3A_1674 = vector.shape_cast %slice3A_1673 : vector<16x8xf32> to vector<16x8x1xf32>
    %broadcast_in_dim3A_1675 = vector.shape_cast %add3A_28 : vector<16x320xf32> to vector<16x1x320xf32>
    %min3A_1676 = vector.broadcast %broadcast_in_dim3A_1675 : vector<16x1x320xf32> to vector<16x8x320xf32>
    %min3A_1677 = vector.broadcast %broadcast_in_dim3A_1670 : vector<16x8x1xf32> to vector<16x8x320xf32>
    %min3A_1678 = arith.minimumf %min3A_1676, %min3A_1677 : vector<16x8x320xf32>
    %broadcast_in_dim3A_1679 = vector.shape_cast %add3A : vector<16x320xf32> to vector<16x1x320xf32>
    %max3A_1680 = vector.broadcast %broadcast_in_dim3A_1679 : vector<16x1x320xf32> to vector<16x8x320xf32>
    %max3A_1681 = vector.broadcast %broadcast_in_dim3A_1666 : vector<16x8x1xf32> to vector<16x8x320xf32>
    %max3A_1682 = arith.maximumf %max3A_1680, %max3A_1681 : vector<16x8x320xf32>
    %sub3A_1683 = arith.subf %min3A_1678, %max3A_1682 : vector<16x8x320xf32>
    %jit3A_1684 = arith.constant 0.000000e+00 : f32
    %max3A_1685 = vector.broadcast %jit3A_1684 : f32 to vector<16x8x320xf32>
    %max3A_1686 = arith.maximumf %max3A_1685, %sub3A_1683 : vector<16x8x320xf32>
    %broadcast_in_dim3A_1687 = vector.shape_cast %add3A_29 : vector<16x320xf32> to vector<16x1x320xf32>
    %min3A_1688 = vector.broadcast %broadcast_in_dim3A_1687 : vector<16x1x320xf32> to vector<16x8x320xf32>
    %min3A_1689 = vector.broadcast %broadcast_in_dim3A_1672 : vector<16x8x1xf32> to vector<16x8x320xf32>
    %min3A_1690 = arith.minimumf %min3A_1688, %min3A_1689 : vector<16x8x320xf32>
    %broadcast_in_dim3A_1691 = vector.shape_cast %add3A_27 : vector<16x320xf32> to vector<16x1x320xf32>
    %max3A_1692 = vector.broadcast %broadcast_in_dim3A_1691 : vector<16x1x320xf32> to vector<16x8x320xf32>
    %max3A_1693 = vector.broadcast %broadcast_in_dim3A_1668 : vector<16x8x1xf32> to vector<16x8x320xf32>
    %max3A_1694 = arith.maximumf %max3A_1692, %max3A_1693 : vector<16x8x320xf32>
    %sub3A_1695 = arith.subf %min3A_1690, %max3A_1694 : vector<16x8x320xf32>
    %jit3A_1696 = arith.constant 0.000000e+00 : f32
    %max3A_1697 = vector.broadcast %jit3A_1696 : f32 to vector<16x8x320xf32>
    %max3A_1698 = arith.maximumf %max3A_1697, %sub3A_1695 : vector<16x8x320xf32>
    %mul3A_1699 = arith.mulf %max3A_1686, %max3A_1698 : vector<16x8x320xf32>
    %broadcast_in_dim3A_1700 = vector.shape_cast %mul3A_31 : vector<16x320xf32> to vector<16x1x320xf32>
    %add3A_1701 = vector.broadcast %broadcast_in_dim3A_1674 : vector<16x8x1xf32> to vector<16x8x320xf32>
    %add3A_1702 = vector.broadcast %broadcast_in_dim3A_1700 : vector<16x1x320xf32> to vector<16x8x320xf32>
    %add3A_1703 = arith.addf %add3A_1701, %add3A_1702 : vector<16x8x320xf32>
    %sub3A_1704 = arith.subf %add3A_1703, %mul3A_1699 : vector<16x8x320xf32>
    %add3A_1705 = arith.constant 9.99999971E-10 : f32
    %add3A_1706 = vector.broadcast %add3A_1705 : f32 to vector<16x8x320xf32>
    %add3A_1707 = arith.addf %sub3A_1704, %add3A_1706 : vector<16x8x320xf32>
    %div3A_1708 = arith.divf %mul3A_1699, %add3A_1707 : vector<16x8x320xf32>
    %swap3A_1709 = arith.constant 32 : index
    %swap3A_1710 = arith.constant 0 : index
    %swap3A_1711 = arith.constant 0 : index
    %swap3A_1712 = arith.constant 0 : index
    %swap3A_1713 = vector.load %arg6[%swap3A_1709, %swap3A_1710, %swap3A_1711, %swap3A_1712] : memref<38x16x8x320xf32, #tpu.memory_space<vmem>>, vector<1x16x8x320xf32>
    %swap3A_1714 = vector.shape_cast %swap3A_1713 : vector<1x16x8x320xf32> to vector<16x8x320xf32>
    %swap3A_1715 = vector.shape_cast %div3A_1708 : vector<16x8x320xf32> to vector<1x16x8x320xf32>
    tpu.vector_store %arg6[%swap3A_1709, %swap3A_1710, %swap3A_1711, %swap3A_1712], %swap3A_1715 {strides = array<i32>} : memref<38x16x8x320xf32, #tpu.memory_space<vmem>>, vector<1x16x8x320xf32>,
    %slice3A_1716 = vector.extract_strided_slice %add3A {offsets = [0, 264], sizes = [16, 8], strides = [1, 1]} : vector<16x320xf32> to vector<16x8xf32>
    %broadcast_in_dim3A_1717 = vector.shape_cast %slice3A_1716 : vector<16x8xf32> to vector<16x8x1xf32>
    %slice3A_1718 = vector.extract_strided_slice %add3A_27 {offsets = [0, 264], sizes = [16, 8], strides = [1, 1]} : vector<16x320xf32> to vector<16x8xf32>
    %broadcast_in_dim3A_1719 = vector.shape_cast %slice3A_1718 : vector<16x8xf32> to vector<16x8x1xf32>
    %slice3A_1720 = vector.extract_strided_slice %add3A_28 {offsets = [0, 264], sizes = [16, 8], strides = [1, 1]} : vector<16x320xf32> to vector<16x8xf32>
    %broadcast_in_dim3A_1721 = vector.shape_cast %slice3A_1720 : vector<16x8xf32> to vector<16x8x1xf32>
    %slice3A_1722 = vector.extract_strided_slice %add3A_29 {offsets = [0, 264], sizes = [16, 8], strides = [1, 1]} : vector<16x320xf32> to vector<16x8xf32>
    %broadcast_in_dim3A_1723 = vector.shape_cast %slice3A_1722 : vector<16x8xf32> to vector<16x8x1xf32>
    %slice3A_1724 = vector.extract_strided_slice %mul3A_31 {offsets = [0, 264], sizes = [16, 8], strides = [1, 1]} : vector<16x320xf32> to vector<16x8xf32>
    %broadcast_in_dim3A_1725 = vector.shape_cast %slice3A_1724 : vector<16x8xf32> to vector<16x8x1xf32>
    %broadcast_in_dim3A_1726 = vector.shape_cast %add3A_28 : vector<16x320xf32> to vector<16x1x320xf32>
    %min3A_1727 = vector.broadcast %broadcast_in_dim3A_1726 : vector<16x1x320xf32> to vector<16x8x320xf32>
    %min3A_1728 = vector.broadcast %broadcast_in_dim3A_1721 : vector<16x8x1xf32> to vector<16x8x320xf32>
    %min3A_1729 = arith.minimumf %min3A_1727, %min3A_1728 : vector<16x8x320xf32>
    %broadcast_in_dim3A_1730 = vector.shape_cast %add3A : vector<16x320xf32> to vector<16x1x320xf32>
    %max3A_1731 = vector.broadcast %broadcast_in_dim3A_1730 : vector<16x1x320xf32> to vector<16x8x320xf32>
    %max3A_1732 = vector.broadcast %broadcast_in_dim3A_1717 : vector<16x8x1xf32> to vector<16x8x320xf32>
    %max3A_1733 = arith.maximumf %max3A_1731, %max3A_1732 : vector<16x8x320xf32>
    %sub3A_1734 = arith.subf %min3A_1729, %max3A_1733 : vector<16x8x320xf32>
    %jit3A_1735 = arith.constant 0.000000e+00 : f32
    %max3A_1736 = vector.broadcast %jit3A_1735 : f32 to vector<16x8x320xf32>
    %max3A_1737 = arith.maximumf %max3A_1736, %sub3A_1734 : vector<16x8x320xf32>
    %broadcast_in_dim3A_1738 = vector.shape_cast %add3A_29 : vector<16x320xf32> to vector<16x1x320xf32>
    %min3A_1739 = vector.broadcast %broadcast_in_dim3A_1738 : vector<16x1x320xf32> to vector<16x8x320xf32>
    %min3A_1740 = vector.broadcast %broadcast_in_dim3A_1723 : vector<16x8x1xf32> to vector<16x8x320xf32>
    %min3A_1741 = arith.minimumf %min3A_1739, %min3A_1740 : vector<16x8x320xf32>
    %broadcast_in_dim3A_1742 = vector.shape_cast %add3A_27 : vector<16x320xf32> to vector<16x1x320xf32>
    %max3A_1743 = vector.broadcast %broadcast_in_dim3A_1742 : vector<16x1x320xf32> to vector<16x8x320xf32>
    %max3A_1744 = vector.broadcast %broadcast_in_dim3A_1719 : vector<16x8x1xf32> to vector<16x8x320xf32>
    %max3A_1745 = arith.maximumf %max3A_1743, %max3A_1744 : vector<16x8x320xf32>
    %sub3A_1746 = arith.subf %min3A_1741, %max3A_1745 : vector<16x8x320xf32>
    %jit3A_1747 = arith.constant 0.000000e+00 : f32
    %max3A_1748 = vector.broadcast %jit3A_1747 : f32 to vector<16x8x320xf32>
    %max3A_1749 = arith.maximumf %max3A_1748, %sub3A_1746 : vector<16x8x320xf32>
    %mul3A_1750 = arith.mulf %max3A_1737, %max3A_1749 : vector<16x8x320xf32>
    %broadcast_in_dim3A_1751 = vector.shape_cast %mul3A_31 : vector<16x320xf32> to vector<16x1x320xf32>
    %add3A_1752 = vector.broadcast %broadcast_in_dim3A_1725 : vector<16x8x1xf32> to vector<16x8x320xf32>
    %add3A_1753 = vector.broadcast %broadcast_in_dim3A_1751 : vector<16x1x320xf32> to vector<16x8x320xf32>
    %add3A_1754 = arith.addf %add3A_1752, %add3A_1753 : vector<16x8x320xf32>
    %sub3A_1755 = arith.subf %add3A_1754, %mul3A_1750 : vector<16x8x320xf32>
    %add3A_1756 = arith.constant 9.99999971E-10 : f32
    %add3A_1757 = vector.broadcast %add3A_1756 : f32 to vector<16x8x320xf32>
    %add3A_1758 = arith.addf %sub3A_1755, %add3A_1757 : vector<16x8x320xf32>
    %div3A_1759 = arith.divf %mul3A_1750, %add3A_1758 : vector<16x8x320xf32>
    %swap3A_1760 = arith.constant 33 : index
    %swap3A_1761 = arith.constant 0 : index
    %swap3A_1762 = arith.constant 0 : index
    %swap3A_1763 = arith.constant 0 : index
    %swap3A_1764 = vector.load %arg6[%swap3A_1760, %swap3A_1761, %swap3A_1762, %swap3A_1763] : memref<38x16x8x320xf32, #tpu.memory_space<vmem>>, vector<1x16x8x320xf32>
    %swap3A_1765 = vector.shape_cast %swap3A_1764 : vector<1x16x8x320xf32> to vector<16x8x320xf32>
    %swap3A_1766 = vector.shape_cast %div3A_1759 : vector<16x8x320xf32> to vector<1x16x8x320xf32>
    tpu.vector_store %arg6[%swap3A_1760, %swap3A_1761, %swap3A_1762, %swap3A_1763], %swap3A_1766 {strides = array<i32>} : memref<38x16x8x320xf32, #tpu.memory_space<vmem>>, vector<1x16x8x320xf32>,
    %slice3A_1767 = vector.extract_strided_slice %add3A {offsets = [0, 272], sizes = [16, 8], strides = [1, 1]} : vector<16x320xf32> to vector<16x8xf32>
    %broadcast_in_dim3A_1768 = vector.shape_cast %slice3A_1767 : vector<16x8xf32> to vector<16x8x1xf32>
    %slice3A_1769 = vector.extract_strided_slice %add3A_27 {offsets = [0, 272], sizes = [16, 8], strides = [1, 1]} : vector<16x320xf32> to vector<16x8xf32>
    %broadcast_in_dim3A_1770 = vector.shape_cast %slice3A_1769 : vector<16x8xf32> to vector<16x8x1xf32>
    %slice3A_1771 = vector.extract_strided_slice %add3A_28 {offsets = [0, 272], sizes = [16, 8], strides = [1, 1]} : vector<16x320xf32> to vector<16x8xf32>
    %broadcast_in_dim3A_1772 = vector.shape_cast %slice3A_1771 : vector<16x8xf32> to vector<16x8x1xf32>
    %slice3A_1773 = vector.extract_strided_slice %add3A_29 {offsets = [0, 272], sizes = [16, 8], strides = [1, 1]} : vector<16x320xf32> to vector<16x8xf32>
    %broadcast_in_dim3A_1774 = vector.shape_cast %slice3A_1773 : vector<16x8xf32> to vector<16x8x1xf32>
    %slice3A_1775 = vector.extract_strided_slice %mul3A_31 {offsets = [0, 272], sizes = [16, 8], strides = [1, 1]} : vector<16x320xf32> to vector<16x8xf32>
    %broadcast_in_dim3A_1776 = vector.shape_cast %slice3A_1775 : vector<16x8xf32> to vector<16x8x1xf32>
    %broadcast_in_dim3A_1777 = vector.shape_cast %add3A_28 : vector<16x320xf32> to vector<16x1x320xf32>
    %min3A_1778 = vector.broadcast %broadcast_in_dim3A_1777 : vector<16x1x320xf32> to vector<16x8x320xf32>
    %min3A_1779 = vector.broadcast %broadcast_in_dim3A_1772 : vector<16x8x1xf32> to vector<16x8x320xf32>
    %min3A_1780 = arith.minimumf %min3A_1778, %min3A_1779 : vector<16x8x320xf32>
    %broadcast_in_dim3A_1781 = vector.shape_cast %add3A : vector<16x320xf32> to vector<16x1x320xf32>
    %max3A_1782 = vector.broadcast %broadcast_in_dim3A_1781 : vector<16x1x320xf32> to vector<16x8x320xf32>
    %max3A_1783 = vector.broadcast %broadcast_in_dim3A_1768 : vector<16x8x1xf32> to vector<16x8x320xf32>
    %max3A_1784 = arith.maximumf %max3A_1782, %max3A_1783 : vector<16x8x320xf32>
    %sub3A_1785 = arith.subf %min3A_1780, %max3A_1784 : vector<16x8x320xf32>
    %jit3A_1786 = arith.constant 0.000000e+00 : f32
    %max3A_1787 = vector.broadcast %jit3A_1786 : f32 to vector<16x8x320xf32>
    %max3A_1788 = arith.maximumf %max3A_1787, %sub3A_1785 : vector<16x8x320xf32>
    %broadcast_in_dim3A_1789 = vector.shape_cast %add3A_29 : vector<16x320xf32> to vector<16x1x320xf32>
    %min3A_1790 = vector.broadcast %broadcast_in_dim3A_1789 : vector<16x1x320xf32> to vector<16x8x320xf32>
    %min3A_1791 = vector.broadcast %broadcast_in_dim3A_1774 : vector<16x8x1xf32> to vector<16x8x320xf32>
    %min3A_1792 = arith.minimumf %min3A_1790, %min3A_1791 : vector<16x8x320xf32>
    %broadcast_in_dim3A_1793 = vector.shape_cast %add3A_27 : vector<16x320xf32> to vector<16x1x320xf32>
    %max3A_1794 = vector.broadcast %broadcast_in_dim3A_1793 : vector<16x1x320xf32> to vector<16x8x320xf32>
    %max3A_1795 = vector.broadcast %broadcast_in_dim3A_1770 : vector<16x8x1xf32> to vector<16x8x320xf32>
    %max3A_1796 = arith.maximumf %max3A_1794, %max3A_1795 : vector<16x8x320xf32>
    %sub3A_1797 = arith.subf %min3A_1792, %max3A_1796 : vector<16x8x320xf32>
    %jit3A_1798 = arith.constant 0.000000e+00 : f32
    %max3A_1799 = vector.broadcast %jit3A_1798 : f32 to vector<16x8x320xf32>
    %max3A_1800 = arith.maximumf %max3A_1799, %sub3A_1797 : vector<16x8x320xf32>
    %mul3A_1801 = arith.mulf %max3A_1788, %max3A_1800 : vector<16x8x320xf32>
    %broadcast_in_dim3A_1802 = vector.shape_cast %mul3A_31 : vector<16x320xf32> to vector<16x1x320xf32>
    %add3A_1803 = vector.broadcast %broadcast_in_dim3A_1776 : vector<16x8x1xf32> to vector<16x8x320xf32>
    %add3A_1804 = vector.broadcast %broadcast_in_dim3A_1802 : vector<16x1x320xf32> to vector<16x8x320xf32>
    %add3A_1805 = arith.addf %add3A_1803, %add3A_1804 : vector<16x8x320xf32>
    %sub3A_1806 = arith.subf %add3A_1805, %mul3A_1801 : vector<16x8x320xf32>
    %add3A_1807 = arith.constant 9.99999971E-10 : f32
    %add3A_1808 = vector.broadcast %add3A_1807 : f32 to vector<16x8x320xf32>
    %add3A_1809 = arith.addf %sub3A_1806, %add3A_1808 : vector<16x8x320xf32>
    %div3A_1810 = arith.divf %mul3A_1801, %add3A_1809 : vector<16x8x320xf32>
    %swap3A_1811 = arith.constant 34 : index
    %swap3A_1812 = arith.constant 0 : index
    %swap3A_1813 = arith.constant 0 : index
    %swap3A_1814 = arith.constant 0 : index
    %swap3A_1815 = vector.load %arg6[%swap3A_1811, %swap3A_1812, %swap3A_1813, %swap3A_1814] : memref<38x16x8x320xf32, #tpu.memory_space<vmem>>, vector<1x16x8x320xf32>
    %swap3A_1816 = vector.shape_cast %swap3A_1815 : vector<1x16x8x320xf32> to vector<16x8x320xf32>
    %swap3A_1817 = vector.shape_cast %div3A_1810 : vector<16x8x320xf32> to vector<1x16x8x320xf32>
    tpu.vector_store %arg6[%swap3A_1811, %swap3A_1812, %swap3A_1813, %swap3A_1814], %swap3A_1817 {strides = array<i32>} : memref<38x16x8x320xf32, #tpu.memory_space<vmem>>, vector<1x16x8x320xf32>,
    %slice3A_1818 = vector.extract_strided_slice %add3A {offsets = [0, 280], sizes = [16, 8], strides = [1, 1]} : vector<16x320xf32> to vector<16x8xf32>
    %broadcast_in_dim3A_1819 = vector.shape_cast %slice3A_1818 : vector<16x8xf32> to vector<16x8x1xf32>
    %slice3A_1820 = vector.extract_strided_slice %add3A_27 {offsets = [0, 280], sizes = [16, 8], strides = [1, 1]} : vector<16x320xf32> to vector<16x8xf32>
    %broadcast_in_dim3A_1821 = vector.shape_cast %slice3A_1820 : vector<16x8xf32> to vector<16x8x1xf32>
    %slice3A_1822 = vector.extract_strided_slice %add3A_28 {offsets = [0, 280], sizes = [16, 8], strides = [1, 1]} : vector<16x320xf32> to vector<16x8xf32>
    %broadcast_in_dim3A_1823 = vector.shape_cast %slice3A_1822 : vector<16x8xf32> to vector<16x8x1xf32>
    %slice3A_1824 = vector.extract_strided_slice %add3A_29 {offsets = [0, 280], sizes = [16, 8], strides = [1, 1]} : vector<16x320xf32> to vector<16x8xf32>
    %broadcast_in_dim3A_1825 = vector.shape_cast %slice3A_1824 : vector<16x8xf32> to vector<16x8x1xf32>
    %slice3A_1826 = vector.extract_strided_slice %mul3A_31 {offsets = [0, 280], sizes = [16, 8], strides = [1, 1]} : vector<16x320xf32> to vector<16x8xf32>
    %broadcast_in_dim3A_1827 = vector.shape_cast %slice3A_1826 : vector<16x8xf32> to vector<16x8x1xf32>
    %broadcast_in_dim3A_1828 = vector.shape_cast %add3A_28 : vector<16x320xf32> to vector<16x1x320xf32>
    %min3A_1829 = vector.broadcast %broadcast_in_dim3A_1828 : vector<16x1x320xf32> to vector<16x8x320xf32>
    %min3A_1830 = vector.broadcast %broadcast_in_dim3A_1823 : vector<16x8x1xf32> to vector<16x8x320xf32>
    %min3A_1831 = arith.minimumf %min3A_1829, %min3A_1830 : vector<16x8x320xf32>
    %broadcast_in_dim3A_1832 = vector.shape_cast %add3A : vector<16x320xf32> to vector<16x1x320xf32>
    %max3A_1833 = vector.broadcast %broadcast_in_dim3A_1832 : vector<16x1x320xf32> to vector<16x8x320xf32>
    %max3A_1834 = vector.broadcast %broadcast_in_dim3A_1819 : vector<16x8x1xf32> to vector<16x8x320xf32>
    %max3A_1835 = arith.maximumf %max3A_1833, %max3A_1834 : vector<16x8x320xf32>
    %sub3A_1836 = arith.subf %min3A_1831, %max3A_1835 : vector<16x8x320xf32>
    %jit3A_1837 = arith.constant 0.000000e+00 : f32
    %max3A_1838 = vector.broadcast %jit3A_1837 : f32 to vector<16x8x320xf32>
    %max3A_1839 = arith.maximumf %max3A_1838, %sub3A_1836 : vector<16x8x320xf32>
    %broadcast_in_dim3A_1840 = vector.shape_cast %add3A_29 : vector<16x320xf32> to vector<16x1x320xf32>
    %min3A_1841 = vector.broadcast %broadcast_in_dim3A_1840 : vector<16x1x320xf32> to vector<16x8x320xf32>
    %min3A_1842 = vector.broadcast %broadcast_in_dim3A_1825 : vector<16x8x1xf32> to vector<16x8x320xf32>
    %min3A_1843 = arith.minimumf %min3A_1841, %min3A_1842 : vector<16x8x320xf32>
    %broadcast_in_dim3A_1844 = vector.shape_cast %add3A_27 : vector<16x320xf32> to vector<16x1x320xf32>
    %max3A_1845 = vector.broadcast %broadcast_in_dim3A_1844 : vector<16x1x320xf32> to vector<16x8x320xf32>
    %max3A_1846 = vector.broadcast %broadcast_in_dim3A_1821 : vector<16x8x1xf32> to vector<16x8x320xf32>
    %max3A_1847 = arith.maximumf %max3A_1845, %max3A_1846 : vector<16x8x320xf32>
    %sub3A_1848 = arith.subf %min3A_1843, %max3A_1847 : vector<16x8x320xf32>
    %jit3A_1849 = arith.constant 0.000000e+00 : f32
    %max3A_1850 = vector.broadcast %jit3A_1849 : f32 to vector<16x8x320xf32>
    %max3A_1851 = arith.maximumf %max3A_1850, %sub3A_1848 : vector<16x8x320xf32>
    %mul3A_1852 = arith.mulf %max3A_1839, %max3A_1851 : vector<16x8x320xf32>
    %broadcast_in_dim3A_1853 = vector.shape_cast %mul3A_31 : vector<16x320xf32> to vector<16x1x320xf32>
    %add3A_1854 = vector.broadcast %broadcast_in_dim3A_1827 : vector<16x8x1xf32> to vector<16x8x320xf32>
    %add3A_1855 = vector.broadcast %broadcast_in_dim3A_1853 : vector<16x1x320xf32> to vector<16x8x320xf32>
    %add3A_1856 = arith.addf %add3A_1854, %add3A_1855 : vector<16x8x320xf32>
    %sub3A_1857 = arith.subf %add3A_1856, %mul3A_1852 : vector<16x8x320xf32>
    %add3A_1858 = arith.constant 9.99999971E-10 : f32
    %add3A_1859 = vector.broadcast %add3A_1858 : f32 to vector<16x8x320xf32>
    %add3A_1860 = arith.addf %sub3A_1857, %add3A_1859 : vector<16x8x320xf32>
    %div3A_1861 = arith.divf %mul3A_1852, %add3A_1860 : vector<16x8x320xf32>
    %swap3A_1862 = arith.constant 35 : index
    %swap3A_1863 = arith.constant 0 : index
    %swap3A_1864 = arith.constant 0 : index
    %swap3A_1865 = arith.constant 0 : index
    %swap3A_1866 = vector.load %arg6[%swap3A_1862, %swap3A_1863, %swap3A_1864, %swap3A_1865] : memref<38x16x8x320xf32, #tpu.memory_space<vmem>>, vector<1x16x8x320xf32>
    %swap3A_1867 = vector.shape_cast %swap3A_1866 : vector<1x16x8x320xf32> to vector<16x8x320xf32>
    %swap3A_1868 = vector.shape_cast %div3A_1861 : vector<16x8x320xf32> to vector<1x16x8x320xf32>
    tpu.vector_store %arg6[%swap3A_1862, %swap3A_1863, %swap3A_1864, %swap3A_1865], %swap3A_1868 {strides = array<i32>} : memref<38x16x8x320xf32, #tpu.memory_space<vmem>>, vector<1x16x8x320xf32>,
    %slice3A_1869 = vector.extract_strided_slice %add3A {offsets = [0, 288], sizes = [16, 8], strides = [1, 1]} : vector<16x320xf32> to vector<16x8xf32>
    %broadcast_in_dim3A_1870 = vector.shape_cast %slice3A_1869 : vector<16x8xf32> to vector<16x8x1xf32>
    %slice3A_1871 = vector.extract_strided_slice %add3A_27 {offsets = [0, 288], sizes = [16, 8], strides = [1, 1]} : vector<16x320xf32> to vector<16x8xf32>
    %broadcast_in_dim3A_1872 = vector.shape_cast %slice3A_1871 : vector<16x8xf32> to vector<16x8x1xf32>
    %slice3A_1873 = vector.extract_strided_slice %add3A_28 {offsets = [0, 288], sizes = [16, 8], strides = [1, 1]} : vector<16x320xf32> to vector<16x8xf32>
    %broadcast_in_dim3A_1874 = vector.shape_cast %slice3A_1873 : vector<16x8xf32> to vector<16x8x1xf32>
    %slice3A_1875 = vector.extract_strided_slice %add3A_29 {offsets = [0, 288], sizes = [16, 8], strides = [1, 1]} : vector<16x320xf32> to vector<16x8xf32>
    %broadcast_in_dim3A_1876 = vector.shape_cast %slice3A_1875 : vector<16x8xf32> to vector<16x8x1xf32>
    %slice3A_1877 = vector.extract_strided_slice %mul3A_31 {offsets = [0, 288], sizes = [16, 8], strides = [1, 1]} : vector<16x320xf32> to vector<16x8xf32>
    %broadcast_in_dim3A_1878 = vector.shape_cast %slice3A_1877 : vector<16x8xf32> to vector<16x8x1xf32>
    %broadcast_in_dim3A_1879 = vector.shape_cast %add3A_28 : vector<16x320xf32> to vector<16x1x320xf32>
    %min3A_1880 = vector.broadcast %broadcast_in_dim3A_1879 : vector<16x1x320xf32> to vector<16x8x320xf32>
    %min3A_1881 = vector.broadcast %broadcast_in_dim3A_1874 : vector<16x8x1xf32> to vector<16x8x320xf32>
    %min3A_1882 = arith.minimumf %min3A_1880, %min3A_1881 : vector<16x8x320xf32>
    %broadcast_in_dim3A_1883 = vector.shape_cast %add3A : vector<16x320xf32> to vector<16x1x320xf32>
    %max3A_1884 = vector.broadcast %broadcast_in_dim3A_1883 : vector<16x1x320xf32> to vector<16x8x320xf32>
    %max3A_1885 = vector.broadcast %broadcast_in_dim3A_1870 : vector<16x8x1xf32> to vector<16x8x320xf32>
    %max3A_1886 = arith.maximumf %max3A_1884, %max3A_1885 : vector<16x8x320xf32>
    %sub3A_1887 = arith.subf %min3A_1882, %max3A_1886 : vector<16x8x320xf32>
    %jit3A_1888 = arith.constant 0.000000e+00 : f32
    %max3A_1889 = vector.broadcast %jit3A_1888 : f32 to vector<16x8x320xf32>
    %max3A_1890 = arith.maximumf %max3A_1889, %sub3A_1887 : vector<16x8x320xf32>
    %broadcast_in_dim3A_1891 = vector.shape_cast %add3A_29 : vector<16x320xf32> to vector<16x1x320xf32>
    %min3A_1892 = vector.broadcast %broadcast_in_dim3A_1891 : vector<16x1x320xf32> to vector<16x8x320xf32>
    %min3A_1893 = vector.broadcast %broadcast_in_dim3A_1876 : vector<16x8x1xf32> to vector<16x8x320xf32>
    %min3A_1894 = arith.minimumf %min3A_1892, %min3A_1893 : vector<16x8x320xf32>
    %broadcast_in_dim3A_1895 = vector.shape_cast %add3A_27 : vector<16x320xf32> to vector<16x1x320xf32>
    %max3A_1896 = vector.broadcast %broadcast_in_dim3A_1895 : vector<16x1x320xf32> to vector<16x8x320xf32>
    %max3A_1897 = vector.broadcast %broadcast_in_dim3A_1872 : vector<16x8x1xf32> to vector<16x8x320xf32>
    %max3A_1898 = arith.maximumf %max3A_1896, %max3A_1897 : vector<16x8x320xf32>
    %sub3A_1899 = arith.subf %min3A_1894, %max3A_1898 : vector<16x8x320xf32>
    %jit3A_1900 = arith.constant 0.000000e+00 : f32
    %max3A_1901 = vector.broadcast %jit3A_1900 : f32 to vector<16x8x320xf32>
    %max3A_1902 = arith.maximumf %max3A_1901, %sub3A_1899 : vector<16x8x320xf32>
    %mul3A_1903 = arith.mulf %max3A_1890, %max3A_1902 : vector<16x8x320xf32>
    %broadcast_in_dim3A_1904 = vector.shape_cast %mul3A_31 : vector<16x320xf32> to vector<16x1x320xf32>
    %add3A_1905 = vector.broadcast %broadcast_in_dim3A_1878 : vector<16x8x1xf32> to vector<16x8x320xf32>
    %add3A_1906 = vector.broadcast %broadcast_in_dim3A_1904 : vector<16x1x320xf32> to vector<16x8x320xf32>
    %add3A_1907 = arith.addf %add3A_1905, %add3A_1906 : vector<16x8x320xf32>
    %sub3A_1908 = arith.subf %add3A_1907, %mul3A_1903 : vector<16x8x320xf32>
    %add3A_1909 = arith.constant 9.99999971E-10 : f32
    %add3A_1910 = vector.broadcast %add3A_1909 : f32 to vector<16x8x320xf32>
    %add3A_1911 = arith.addf %sub3A_1908, %add3A_1910 : vector<16x8x320xf32>
    %div3A_1912 = arith.divf %mul3A_1903, %add3A_1911 : vector<16x8x320xf32>
    %swap3A_1913 = arith.constant 36 : index
    %swap3A_1914 = arith.constant 0 : index
    %swap3A_1915 = arith.constant 0 : index
    %swap3A_1916 = arith.constant 0 : index
    %swap3A_1917 = vector.load %arg6[%swap3A_1913, %swap3A_1914, %swap3A_1915, %swap3A_1916] : memref<38x16x8x320xf32, #tpu.memory_space<vmem>>, vector<1x16x8x320xf32>
    %swap3A_1918 = vector.shape_cast %swap3A_1917 : vector<1x16x8x320xf32> to vector<16x8x320xf32>
    %swap3A_1919 = vector.shape_cast %div3A_1912 : vector<16x8x320xf32> to vector<1x16x8x320xf32>
    tpu.vector_store %arg6[%swap3A_1913, %swap3A_1914, %swap3A_1915, %swap3A_1916], %swap3A_1919 {strides = array<i32>} : memref<38x16x8x320xf32, #tpu.memory_space<vmem>>, vector<1x16x8x320xf32>,
    %slice3A_1920 = vector.extract_strided_slice %add3A {offsets = [0, 296], sizes = [16, 8], strides = [1, 1]} : vector<16x320xf32> to vector<16x8xf32>
    %broadcast_in_dim3A_1921 = vector.shape_cast %slice3A_1920 : vector<16x8xf32> to vector<16x8x1xf32>
    %slice3A_1922 = vector.extract_strided_slice %add3A_27 {offsets = [0, 296], sizes = [16, 8], strides = [1, 1]} : vector<16x320xf32> to vector<16x8xf32>
    %broadcast_in_dim3A_1923 = vector.shape_cast %slice3A_1922 : vector<16x8xf32> to vector<16x8x1xf32>
    %slice3A_1924 = vector.extract_strided_slice %add3A_28 {offsets = [0, 296], sizes = [16, 8], strides = [1, 1]} : vector<16x320xf32> to vector<16x8xf32>
    %broadcast_in_dim3A_1925 = vector.shape_cast %slice3A_1924 : vector<16x8xf32> to vector<16x8x1xf32>
    %slice3A_1926 = vector.extract_strided_slice %add3A_29 {offsets = [0, 296], sizes = [16, 8], strides = [1, 1]} : vector<16x320xf32> to vector<16x8xf32>
    %broadcast_in_dim3A_1927 = vector.shape_cast %slice3A_1926 : vector<16x8xf32> to vector<16x8x1xf32>
    %slice3A_1928 = vector.extract_strided_slice %mul3A_31 {offsets = [0, 296], sizes = [16, 8], strides = [1, 1]} : vector<16x320xf32> to vector<16x8xf32>
    %broadcast_in_dim3A_1929 = vector.shape_cast %slice3A_1928 : vector<16x8xf32> to vector<16x8x1xf32>
    %broadcast_in_dim3A_1930 = vector.shape_cast %add3A_28 : vector<16x320xf32> to vector<16x1x320xf32>
    %min3A_1931 = vector.broadcast %broadcast_in_dim3A_1930 : vector<16x1x320xf32> to vector<16x8x320xf32>
    %min3A_1932 = vector.broadcast %broadcast_in_dim3A_1925 : vector<16x8x1xf32> to vector<16x8x320xf32>
    %min3A_1933 = arith.minimumf %min3A_1931, %min3A_1932 : vector<16x8x320xf32>
    %broadcast_in_dim3A_1934 = vector.shape_cast %add3A : vector<16x320xf32> to vector<16x1x320xf32>
    %max3A_1935 = vector.broadcast %broadcast_in_dim3A_1934 : vector<16x1x320xf32> to vector<16x8x320xf32>
    %max3A_1936 = vector.broadcast %broadcast_in_dim3A_1921 : vector<16x8x1xf32> to vector<16x8x320xf32>
    %max3A_1937 = arith.maximumf %max3A_1935, %max3A_1936 : vector<16x8x320xf32>
    %sub3A_1938 = arith.subf %min3A_1933, %max3A_1937 : vector<16x8x320xf32>
    %jit3A_1939 = arith.constant 0.000000e+00 : f32
    %max3A_1940 = vector.broadcast %jit3A_1939 : f32 to vector<16x8x320xf32>
    %max3A_1941 = arith.maximumf %max3A_1940, %sub3A_1938 : vector<16x8x320xf32>
    %broadcast_in_dim3A_1942 = vector.shape_cast %add3A_29 : vector<16x320xf32> to vector<16x1x320xf32>
    %min3A_1943 = vector.broadcast %broadcast_in_dim3A_1942 : vector<16x1x320xf32> to vector<16x8x320xf32>
    %min3A_1944 = vector.broadcast %broadcast_in_dim3A_1927 : vector<16x8x1xf32> to vector<16x8x320xf32>
    %min3A_1945 = arith.minimumf %min3A_1943, %min3A_1944 : vector<16x8x320xf32>
    %broadcast_in_dim3A_1946 = vector.shape_cast %add3A_27 : vector<16x320xf32> to vector<16x1x320xf32>
    %max3A_1947 = vector.broadcast %broadcast_in_dim3A_1946 : vector<16x1x320xf32> to vector<16x8x320xf32>
    %max3A_1948 = vector.broadcast %broadcast_in_dim3A_1923 : vector<16x8x1xf32> to vector<16x8x320xf32>
    %max3A_1949 = arith.maximumf %max3A_1947, %max3A_1948 : vector<16x8x320xf32>
    %sub3A_1950 = arith.subf %min3A_1945, %max3A_1949 : vector<16x8x320xf32>
    %jit3A_1951 = arith.constant 0.000000e+00 : f32
    %max3A_1952 = vector.broadcast %jit3A_1951 : f32 to vector<16x8x320xf32>
    %max3A_1953 = arith.maximumf %max3A_1952, %sub3A_1950 : vector<16x8x320xf32>
    %mul3A_1954 = arith.mulf %max3A_1941, %max3A_1953 : vector<16x8x320xf32>
    %broadcast_in_dim3A_1955 = vector.shape_cast %mul3A_31 : vector<16x320xf32> to vector<16x1x320xf32>
    %add3A_1956 = vector.broadcast %broadcast_in_dim3A_1929 : vector<16x8x1xf32> to vector<16x8x320xf32>
    %add3A_1957 = vector.broadcast %broadcast_in_dim3A_1955 : vector<16x1x320xf32> to vector<16x8x320xf32>
    %add3A_1958 = arith.addf %add3A_1956, %add3A_1957 : vector<16x8x320xf32>
    %sub3A_1959 = arith.subf %add3A_1958, %mul3A_1954 : vector<16x8x320xf32>
    %add3A_1960 = arith.constant 9.99999971E-10 : f32
    %add3A_1961 = vector.broadcast %add3A_1960 : f32 to vector<16x8x320xf32>
    %add3A_1962 = arith.addf %sub3A_1959, %add3A_1961 : vector<16x8x320xf32>
    %div3A_1963 = arith.divf %mul3A_1954, %add3A_1962 : vector<16x8x320xf32>
    %swap3A_1964 = arith.constant 37 : index
    %swap3A_1965 = arith.constant 0 : index
    %swap3A_1966 = arith.constant 0 : index
    %swap3A_1967 = arith.constant 0 : index
    %swap3A_1968 = vector.load %arg6[%swap3A_1964, %swap3A_1965, %swap3A_1966, %swap3A_1967] : memref<38x16x8x320xf32, #tpu.memory_space<vmem>>, vector<1x16x8x320xf32>
    %swap3A_1969 = vector.shape_cast %swap3A_1968 : vector<1x16x8x320xf32> to vector<16x8x320xf32>
    %swap3A_1970 = vector.shape_cast %div3A_1963 : vector<16x8x320xf32> to vector<1x16x8x320xf32>
    tpu.vector_store %arg6[%swap3A_1964, %swap3A_1965, %swap3A_1966, %swap3A_1967], %swap3A_1970 {strides = array<i32>} : memref<38x16x8x320xf32, #tpu.memory_space<vmem>>, vector<1x16x8x320xf32>,
    %scan3A = arith.constant 0 : i32
    %scan3A_1971 = arith.constant 38 : i32
    %scan3A_1972 = arith.addi %scan3A, %scan3A_1971 : i32
    %scan3A_1973 = arith.constant 1 : i32
    %scan3A_1974 = scf.for %scan3A_2024 = %scan3A to %scan3A_1972 step %scan3A_1973 iter_args(%scan3A_2025 = %select_n3A) -> (vector<16x320xf32>)  : i32 {
      %get3A_2026 = arith.index_cast %scan3A_2024 : i32 to index
      %get3A_2027 = arith.constant 0 : index
      %get3A_2028 = arith.constant 0 : index
      %get3A_2029 = arith.constant 0 : index
      %get3A_2030 = vector.load %arg6[%get3A_2026, %get3A_2027, %get3A_2028, %get3A_2029] : memref<38x16x8x320xf32, #tpu.memory_space<vmem>>, vector<1x16x8x320xf32>
      %get3A_2031 = vector.shape_cast %get3A_2030 : vector<1x16x8x320xf32> to vector<16x8x320xf32>
      %mul3A_2032 = arith.constant 8 : i32
      %mul3A_2033 = arith.muli %mul3A_2032, %scan3A_2024 : i32
      %add3A_2034 = arith.constant 0 : i32
      %add3A_2035 = arith.addi %mul3A_2033, %add3A_2034 : i32
      %slice3A_2036 = vector.extract_strided_slice %get3A_2031 {offsets = [0, 0, 0], sizes = [16, 1, 320], strides = [1, 1, 1]} : vector<16x8x320xf32> to vector<16x1x320xf32>
      %squeeze3A = vector.shape_cast %slice3A_2036 : vector<16x1x320xf32> to vector<16x320xf32>
      %gt3A_2037 = arith.constant 4.500000e-01 : f32
      %gt3A_2038 = vector.broadcast %gt3A_2037 : f32 to vector<16x320xf32>
      %gt3A_2039 = arith.cmpf ogt, %squeeze3A, %gt3A_2038 : vector<16x320xf32>
      %gt3A_2040 = arith.constant 0.000000e+00 : f32
      %gt3A_2041 = vector.broadcast %gt3A_2040 : f32 to vector<16x320xf32>
      %gt3A_2042 = arith.cmpf ogt, %scan3A_2025, %gt3A_2041 : vector<16x320xf32>
      %and3A_2043 = arith.andi %gt3A_2039, %gt3A_2042 : vector<16x320xi1>
      %lt3A_2044 = vector.broadcast %add3A_2035 : i32 to vector<16x320xi32>
      %lt3A_2045 = arith.cmpi slt, %iota3A, %lt3A_2044 : vector<16x320xi32>
      %and3A_2046 = arith.andi %and3A_2043, %lt3A_2045 : vector<16x320xi1>
      %reduce_or3A = arith.constant 1.000000e+00 : f32
      %reduce_or3A_2047 = arith.constant 0.000000e+00 : f32
      %reduce_or3A_2048 = vector.broadcast %reduce_or3A : f32 to vector<16x320xf32>
      %reduce_or3A_2049 = vector.broadcast %reduce_or3A_2047 : f32 to vector<16x320xf32>
      %reduce_or3A_2050 = arith.select %and3A_2046, %reduce_or3A_2048, %reduce_or3A_2049 : vector<16x320xi1>, vector<16x320xf32>
      %reduce_or3A_2051 = arith.constant dense<0xFF800000> : vector<16xf32>
      %reduce_or3A_2052 = vector.multi_reduction <maximumf>, %reduce_or3A_2050, %reduce_or3A_2051 [1] : vector<16x320xf32> to vector<16xf32>
      %reduce_or3A_2053 = arith.constant 0.000000e+00 : f32
      %reduce_or3A_2054 = vector.broadcast %reduce_or3A_2053 : f32 to vector<16xf32>
      %reduce_or3A_2055 = arith.cmpf ogt, %reduce_or3A_2052, %reduce_or3A_2054 : vector<16xf32>
      %broadcast_in_dim3A_2056 = vector.shape_cast %reduce_or3A_2055 : vector<16xi1> to vector<16x1xi1>
      %eq3A = vector.broadcast %add3A_2035 : i32 to vector<16x320xi32>
      %eq3A_2057 = arith.cmpi eq, %iota3A, %eq3A : vector<16x320xi32>
      %jit3A_2058 = arith.constant 0.000000e+00 : f32
      %broadcast_in_dim3A_2059 = vector.shape_cast %broadcast_in_dim3A_2056 : vector<16x1xi1> to vector<16x1xi1>
      %broadcast_in_dim3A_2060 = vector.broadcast %broadcast_in_dim3A_2059 : vector<16x1xi1> to vector<16x320xi1>
      %broadcast_in_dim3A_2061 = vector.broadcast %jit3A_2058 : f32 to vector<16x320xf32>
      %select_n3A_2062 = arith.select %broadcast_in_dim3A_2060, %broadcast_in_dim3A_2061, %select_n3A : vector<16x320xi1>, vector<16x320xf32>
      %select_n3A_2063 = arith.select %eq3A_2057, %select_n3A_2062, %scan3A_2025 : vector<16x320xi1>, vector<16x320xf32>
      %mul3A_2064 = arith.constant 8 : i32
      %mul3A_2065 = arith.muli %mul3A_2064, %scan3A_2024 : i32
      %add3A_2066 = arith.constant 1 : i32
      %add3A_2067 = arith.addi %mul3A_2065, %add3A_2066 : i32
      %slice3A_2068 = vector.extract_strided_slice %get3A_2031 {offsets = [0, 1, 0], sizes = [16, 1, 320], strides = [1, 1, 1]} : vector<16x8x320xf32> to vector<16x1x320xf32>
      %squeeze3A_2069 = vector.shape_cast %slice3A_2068 : vector<16x1x320xf32> to vector<16x320xf32>
      %gt3A_2070 = arith.constant 4.500000e-01 : f32
      %gt3A_2071 = vector.broadcast %gt3A_2070 : f32 to vector<16x320xf32>
      %gt3A_2072 = arith.cmpf ogt, %squeeze3A_2069, %gt3A_2071 : vector<16x320xf32>
      %gt3A_2073 = arith.constant 0.000000e+00 : f32
      %gt3A_2074 = vector.broadcast %gt3A_2073 : f32 to vector<16x320xf32>
      %gt3A_2075 = arith.cmpf ogt, %select_n3A_2063, %gt3A_2074 : vector<16x320xf32>
      %and3A_2076 = arith.andi %gt3A_2072, %gt3A_2075 : vector<16x320xi1>
      %lt3A_2077 = vector.broadcast %add3A_2067 : i32 to vector<16x320xi32>
      %lt3A_2078 = arith.cmpi slt, %iota3A, %lt3A_2077 : vector<16x320xi32>
      %and3A_2079 = arith.andi %and3A_2076, %lt3A_2078 : vector<16x320xi1>
      %reduce_or3A_2080 = arith.constant 1.000000e+00 : f32
      %reduce_or3A_2081 = arith.constant 0.000000e+00 : f32
      %reduce_or3A_2082 = vector.broadcast %reduce_or3A_2080 : f32 to vector<16x320xf32>
      %reduce_or3A_2083 = vector.broadcast %reduce_or3A_2081 : f32 to vector<16x320xf32>
      %reduce_or3A_2084 = arith.select %and3A_2079, %reduce_or3A_2082, %reduce_or3A_2083 : vector<16x320xi1>, vector<16x320xf32>
      %reduce_or3A_2085 = arith.constant dense<0xFF800000> : vector<16xf32>
      %reduce_or3A_2086 = vector.multi_reduction <maximumf>, %reduce_or3A_2084, %reduce_or3A_2085 [1] : vector<16x320xf32> to vector<16xf32>
      %reduce_or3A_2087 = arith.constant 0.000000e+00 : f32
      %reduce_or3A_2088 = vector.broadcast %reduce_or3A_2087 : f32 to vector<16xf32>
      %reduce_or3A_2089 = arith.cmpf ogt, %reduce_or3A_2086, %reduce_or3A_2088 : vector<16xf32>
      %broadcast_in_dim3A_2090 = vector.shape_cast %reduce_or3A_2089 : vector<16xi1> to vector<16x1xi1>
      %eq3A_2091 = vector.broadcast %add3A_2067 : i32 to vector<16x320xi32>
      %eq3A_2092 = arith.cmpi eq, %iota3A, %eq3A_2091 : vector<16x320xi32>
      %jit3A_2093 = arith.constant 0.000000e+00 : f32
      %broadcast_in_dim3A_2094 = vector.shape_cast %broadcast_in_dim3A_2090 : vector<16x1xi1> to vector<16x1xi1>
      %broadcast_in_dim3A_2095 = vector.broadcast %broadcast_in_dim3A_2094 : vector<16x1xi1> to vector<16x320xi1>
      %broadcast_in_dim3A_2096 = vector.broadcast %jit3A_2093 : f32 to vector<16x320xf32>
      %select_n3A_2097 = arith.select %broadcast_in_dim3A_2095, %broadcast_in_dim3A_2096, %select_n3A : vector<16x320xi1>, vector<16x320xf32>
      %select_n3A_2098 = arith.select %eq3A_2092, %select_n3A_2097, %select_n3A_2063 : vector<16x320xi1>, vector<16x320xf32>
      %mul3A_2099 = arith.constant 8 : i32
      %mul3A_2100 = arith.muli %mul3A_2099, %scan3A_2024 : i32
      %add3A_2101 = arith.constant 2 : i32
      %add3A_2102 = arith.addi %mul3A_2100, %add3A_2101 : i32
      %slice3A_2103 = vector.extract_strided_slice %get3A_2031 {offsets = [0, 2, 0], sizes = [16, 1, 320], strides = [1, 1, 1]} : vector<16x8x320xf32> to vector<16x1x320xf32>
      %squeeze3A_2104 = vector.shape_cast %slice3A_2103 : vector<16x1x320xf32> to vector<16x320xf32>
      %gt3A_2105 = arith.constant 4.500000e-01 : f32
      %gt3A_2106 = vector.broadcast %gt3A_2105 : f32 to vector<16x320xf32>
      %gt3A_2107 = arith.cmpf ogt, %squeeze3A_2104, %gt3A_2106 : vector<16x320xf32>
      %gt3A_2108 = arith.constant 0.000000e+00 : f32
      %gt3A_2109 = vector.broadcast %gt3A_2108 : f32 to vector<16x320xf32>
      %gt3A_2110 = arith.cmpf ogt, %select_n3A_2098, %gt3A_2109 : vector<16x320xf32>
      %and3A_2111 = arith.andi %gt3A_2107, %gt3A_2110 : vector<16x320xi1>
      %lt3A_2112 = vector.broadcast %add3A_2102 : i32 to vector<16x320xi32>
      %lt3A_2113 = arith.cmpi slt, %iota3A, %lt3A_2112 : vector<16x320xi32>
      %and3A_2114 = arith.andi %and3A_2111, %lt3A_2113 : vector<16x320xi1>
      %reduce_or3A_2115 = arith.constant 1.000000e+00 : f32
      %reduce_or3A_2116 = arith.constant 0.000000e+00 : f32
      %reduce_or3A_2117 = vector.broadcast %reduce_or3A_2115 : f32 to vector<16x320xf32>
      %reduce_or3A_2118 = vector.broadcast %reduce_or3A_2116 : f32 to vector<16x320xf32>
      %reduce_or3A_2119 = arith.select %and3A_2114, %reduce_or3A_2117, %reduce_or3A_2118 : vector<16x320xi1>, vector<16x320xf32>
      %reduce_or3A_2120 = arith.constant dense<0xFF800000> : vector<16xf32>
      %reduce_or3A_2121 = vector.multi_reduction <maximumf>, %reduce_or3A_2119, %reduce_or3A_2120 [1] : vector<16x320xf32> to vector<16xf32>
      %reduce_or3A_2122 = arith.constant 0.000000e+00 : f32
      %reduce_or3A_2123 = vector.broadcast %reduce_or3A_2122 : f32 to vector<16xf32>
      %reduce_or3A_2124 = arith.cmpf ogt, %reduce_or3A_2121, %reduce_or3A_2123 : vector<16xf32>
      %broadcast_in_dim3A_2125 = vector.shape_cast %reduce_or3A_2124 : vector<16xi1> to vector<16x1xi1>
      %eq3A_2126 = vector.broadcast %add3A_2102 : i32 to vector<16x320xi32>
      %eq3A_2127 = arith.cmpi eq, %iota3A, %eq3A_2126 : vector<16x320xi32>
      %jit3A_2128 = arith.constant 0.000000e+00 : f32
      %broadcast_in_dim3A_2129 = vector.shape_cast %broadcast_in_dim3A_2125 : vector<16x1xi1> to vector<16x1xi1>
      %broadcast_in_dim3A_2130 = vector.broadcast %broadcast_in_dim3A_2129 : vector<16x1xi1> to vector<16x320xi1>
      %broadcast_in_dim3A_2131 = vector.broadcast %jit3A_2128 : f32 to vector<16x320xf32>
      %select_n3A_2132 = arith.select %broadcast_in_dim3A_2130, %broadcast_in_dim3A_2131, %select_n3A : vector<16x320xi1>, vector<16x320xf32>
      %select_n3A_2133 = arith.select %eq3A_2127, %select_n3A_2132, %select_n3A_2098 : vector<16x320xi1>, vector<16x320xf32>
      %mul3A_2134 = arith.constant 8 : i32
      %mul3A_2135 = arith.muli %mul3A_2134, %scan3A_2024 : i32
      %add3A_2136 = arith.constant 3 : i32
      %add3A_2137 = arith.addi %mul3A_2135, %add3A_2136 : i32
      %slice3A_2138 = vector.extract_strided_slice %get3A_2031 {offsets = [0, 3, 0], sizes = [16, 1, 320], strides = [1, 1, 1]} : vector<16x8x320xf32> to vector<16x1x320xf32>
      %squeeze3A_2139 = vector.shape_cast %slice3A_2138 : vector<16x1x320xf32> to vector<16x320xf32>
      %gt3A_2140 = arith.constant 4.500000e-01 : f32
      %gt3A_2141 = vector.broadcast %gt3A_2140 : f32 to vector<16x320xf32>
      %gt3A_2142 = arith.cmpf ogt, %squeeze3A_2139, %gt3A_2141 : vector<16x320xf32>
      %gt3A_2143 = arith.constant 0.000000e+00 : f32
      %gt3A_2144 = vector.broadcast %gt3A_2143 : f32 to vector<16x320xf32>
      %gt3A_2145 = arith.cmpf ogt, %select_n3A_2133, %gt3A_2144 : vector<16x320xf32>
      %and3A_2146 = arith.andi %gt3A_2142, %gt3A_2145 : vector<16x320xi1>
      %lt3A_2147 = vector.broadcast %add3A_2137 : i32 to vector<16x320xi32>
      %lt3A_2148 = arith.cmpi slt, %iota3A, %lt3A_2147 : vector<16x320xi32>
      %and3A_2149 = arith.andi %and3A_2146, %lt3A_2148 : vector<16x320xi1>
      %reduce_or3A_2150 = arith.constant 1.000000e+00 : f32
      %reduce_or3A_2151 = arith.constant 0.000000e+00 : f32
      %reduce_or3A_2152 = vector.broadcast %reduce_or3A_2150 : f32 to vector<16x320xf32>
      %reduce_or3A_2153 = vector.broadcast %reduce_or3A_2151 : f32 to vector<16x320xf32>
      %reduce_or3A_2154 = arith.select %and3A_2149, %reduce_or3A_2152, %reduce_or3A_2153 : vector<16x320xi1>, vector<16x320xf32>
      %reduce_or3A_2155 = arith.constant dense<0xFF800000> : vector<16xf32>
      %reduce_or3A_2156 = vector.multi_reduction <maximumf>, %reduce_or3A_2154, %reduce_or3A_2155 [1] : vector<16x320xf32> to vector<16xf32>
      %reduce_or3A_2157 = arith.constant 0.000000e+00 : f32
      %reduce_or3A_2158 = vector.broadcast %reduce_or3A_2157 : f32 to vector<16xf32>
      %reduce_or3A_2159 = arith.cmpf ogt, %reduce_or3A_2156, %reduce_or3A_2158 : vector<16xf32>
      %broadcast_in_dim3A_2160 = vector.shape_cast %reduce_or3A_2159 : vector<16xi1> to vector<16x1xi1>
      %eq3A_2161 = vector.broadcast %add3A_2137 : i32 to vector<16x320xi32>
      %eq3A_2162 = arith.cmpi eq, %iota3A, %eq3A_2161 : vector<16x320xi32>
      %jit3A_2163 = arith.constant 0.000000e+00 : f32
      %broadcast_in_dim3A_2164 = vector.shape_cast %broadcast_in_dim3A_2160 : vector<16x1xi1> to vector<16x1xi1>
      %broadcast_in_dim3A_2165 = vector.broadcast %broadcast_in_dim3A_2164 : vector<16x1xi1> to vector<16x320xi1>
      %broadcast_in_dim3A_2166 = vector.broadcast %jit3A_2163 : f32 to vector<16x320xf32>
      %select_n3A_2167 = arith.select %broadcast_in_dim3A_2165, %broadcast_in_dim3A_2166, %select_n3A : vector<16x320xi1>, vector<16x320xf32>
      %select_n3A_2168 = arith.select %eq3A_2162, %select_n3A_2167, %select_n3A_2133 : vector<16x320xi1>, vector<16x320xf32>
      %mul3A_2169 = arith.constant 8 : i32
      %mul3A_2170 = arith.muli %mul3A_2169, %scan3A_2024 : i32
      %add3A_2171 = arith.constant 4 : i32
      %add3A_2172 = arith.addi %mul3A_2170, %add3A_2171 : i32
      %slice3A_2173 = vector.extract_strided_slice %get3A_2031 {offsets = [0, 4, 0], sizes = [16, 1, 320], strides = [1, 1, 1]} : vector<16x8x320xf32> to vector<16x1x320xf32>
      %squeeze3A_2174 = vector.shape_cast %slice3A_2173 : vector<16x1x320xf32> to vector<16x320xf32>
      %gt3A_2175 = arith.constant 4.500000e-01 : f32
      %gt3A_2176 = vector.broadcast %gt3A_2175 : f32 to vector<16x320xf32>
      %gt3A_2177 = arith.cmpf ogt, %squeeze3A_2174, %gt3A_2176 : vector<16x320xf32>
      %gt3A_2178 = arith.constant 0.000000e+00 : f32
      %gt3A_2179 = vector.broadcast %gt3A_2178 : f32 to vector<16x320xf32>
      %gt3A_2180 = arith.cmpf ogt, %select_n3A_2168, %gt3A_2179 : vector<16x320xf32>
      %and3A_2181 = arith.andi %gt3A_2177, %gt3A_2180 : vector<16x320xi1>
      %lt3A_2182 = vector.broadcast %add3A_2172 : i32 to vector<16x320xi32>
      %lt3A_2183 = arith.cmpi slt, %iota3A, %lt3A_2182 : vector<16x320xi32>
      %and3A_2184 = arith.andi %and3A_2181, %lt3A_2183 : vector<16x320xi1>
      %reduce_or3A_2185 = arith.constant 1.000000e+00 : f32
      %reduce_or3A_2186 = arith.constant 0.000000e+00 : f32
      %reduce_or3A_2187 = vector.broadcast %reduce_or3A_2185 : f32 to vector<16x320xf32>
      %reduce_or3A_2188 = vector.broadcast %reduce_or3A_2186 : f32 to vector<16x320xf32>
      %reduce_or3A_2189 = arith.select %and3A_2184, %reduce_or3A_2187, %reduce_or3A_2188 : vector<16x320xi1>, vector<16x320xf32>
      %reduce_or3A_2190 = arith.constant dense<0xFF800000> : vector<16xf32>
      %reduce_or3A_2191 = vector.multi_reduction <maximumf>, %reduce_or3A_2189, %reduce_or3A_2190 [1] : vector<16x320xf32> to vector<16xf32>
      %reduce_or3A_2192 = arith.constant 0.000000e+00 : f32
      %reduce_or3A_2193 = vector.broadcast %reduce_or3A_2192 : f32 to vector<16xf32>
      %reduce_or3A_2194 = arith.cmpf ogt, %reduce_or3A_2191, %reduce_or3A_2193 : vector<16xf32>
      %broadcast_in_dim3A_2195 = vector.shape_cast %reduce_or3A_2194 : vector<16xi1> to vector<16x1xi1>
      %eq3A_2196 = vector.broadcast %add3A_2172 : i32 to vector<16x320xi32>
      %eq3A_2197 = arith.cmpi eq, %iota3A, %eq3A_2196 : vector<16x320xi32>
      %jit3A_2198 = arith.constant 0.000000e+00 : f32
      %broadcast_in_dim3A_2199 = vector.shape_cast %broadcast_in_dim3A_2195 : vector<16x1xi1> to vector<16x1xi1>
      %broadcast_in_dim3A_2200 = vector.broadcast %broadcast_in_dim3A_2199 : vector<16x1xi1> to vector<16x320xi1>
      %broadcast_in_dim3A_2201 = vector.broadcast %jit3A_2198 : f32 to vector<16x320xf32>
      %select_n3A_2202 = arith.select %broadcast_in_dim3A_2200, %broadcast_in_dim3A_2201, %select_n3A : vector<16x320xi1>, vector<16x320xf32>
      %select_n3A_2203 = arith.select %eq3A_2197, %select_n3A_2202, %select_n3A_2168 : vector<16x320xi1>, vector<16x320xf32>
      %mul3A_2204 = arith.constant 8 : i32
      %mul3A_2205 = arith.muli %mul3A_2204, %scan3A_2024 : i32
      %add3A_2206 = arith.constant 5 : i32
      %add3A_2207 = arith.addi %mul3A_2205, %add3A_2206 : i32
      %slice3A_2208 = vector.extract_strided_slice %get3A_2031 {offsets = [0, 5, 0], sizes = [16, 1, 320], strides = [1, 1, 1]} : vector<16x8x320xf32> to vector<16x1x320xf32>
      %squeeze3A_2209 = vector.shape_cast %slice3A_2208 : vector<16x1x320xf32> to vector<16x320xf32>
      %gt3A_2210 = arith.constant 4.500000e-01 : f32
      %gt3A_2211 = vector.broadcast %gt3A_2210 : f32 to vector<16x320xf32>
      %gt3A_2212 = arith.cmpf ogt, %squeeze3A_2209, %gt3A_2211 : vector<16x320xf32>
      %gt3A_2213 = arith.constant 0.000000e+00 : f32
      %gt3A_2214 = vector.broadcast %gt3A_2213 : f32 to vector<16x320xf32>
      %gt3A_2215 = arith.cmpf ogt, %select_n3A_2203, %gt3A_2214 : vector<16x320xf32>
      %and3A_2216 = arith.andi %gt3A_2212, %gt3A_2215 : vector<16x320xi1>
      %lt3A_2217 = vector.broadcast %add3A_2207 : i32 to vector<16x320xi32>
      %lt3A_2218 = arith.cmpi slt, %iota3A, %lt3A_2217 : vector<16x320xi32>
      %and3A_2219 = arith.andi %and3A_2216, %lt3A_2218 : vector<16x320xi1>
      %reduce_or3A_2220 = arith.constant 1.000000e+00 : f32
      %reduce_or3A_2221 = arith.constant 0.000000e+00 : f32
      %reduce_or3A_2222 = vector.broadcast %reduce_or3A_2220 : f32 to vector<16x320xf32>
      %reduce_or3A_2223 = vector.broadcast %reduce_or3A_2221 : f32 to vector<16x320xf32>
      %reduce_or3A_2224 = arith.select %and3A_2219, %reduce_or3A_2222, %reduce_or3A_2223 : vector<16x320xi1>, vector<16x320xf32>
      %reduce_or3A_2225 = arith.constant dense<0xFF800000> : vector<16xf32>
      %reduce_or3A_2226 = vector.multi_reduction <maximumf>, %reduce_or3A_2224, %reduce_or3A_2225 [1] : vector<16x320xf32> to vector<16xf32>
      %reduce_or3A_2227 = arith.constant 0.000000e+00 : f32
      %reduce_or3A_2228 = vector.broadcast %reduce_or3A_2227 : f32 to vector<16xf32>
      %reduce_or3A_2229 = arith.cmpf ogt, %reduce_or3A_2226, %reduce_or3A_2228 : vector<16xf32>
      %broadcast_in_dim3A_2230 = vector.shape_cast %reduce_or3A_2229 : vector<16xi1> to vector<16x1xi1>
      %eq3A_2231 = vector.broadcast %add3A_2207 : i32 to vector<16x320xi32>
      %eq3A_2232 = arith.cmpi eq, %iota3A, %eq3A_2231 : vector<16x320xi32>
      %jit3A_2233 = arith.constant 0.000000e+00 : f32
      %broadcast_in_dim3A_2234 = vector.shape_cast %broadcast_in_dim3A_2230 : vector<16x1xi1> to vector<16x1xi1>
      %broadcast_in_dim3A_2235 = vector.broadcast %broadcast_in_dim3A_2234 : vector<16x1xi1> to vector<16x320xi1>
      %broadcast_in_dim3A_2236 = vector.broadcast %jit3A_2233 : f32 to vector<16x320xf32>
      %select_n3A_2237 = arith.select %broadcast_in_dim3A_2235, %broadcast_in_dim3A_2236, %select_n3A : vector<16x320xi1>, vector<16x320xf32>
      %select_n3A_2238 = arith.select %eq3A_2232, %select_n3A_2237, %select_n3A_2203 : vector<16x320xi1>, vector<16x320xf32>
      %mul3A_2239 = arith.constant 8 : i32
      %mul3A_2240 = arith.muli %mul3A_2239, %scan3A_2024 : i32
      %add3A_2241 = arith.constant 6 : i32
      %add3A_2242 = arith.addi %mul3A_2240, %add3A_2241 : i32
      %slice3A_2243 = vector.extract_strided_slice %get3A_2031 {offsets = [0, 6, 0], sizes = [16, 1, 320], strides = [1, 1, 1]} : vector<16x8x320xf32> to vector<16x1x320xf32>
      %squeeze3A_2244 = vector.shape_cast %slice3A_2243 : vector<16x1x320xf32> to vector<16x320xf32>
      %gt3A_2245 = arith.constant 4.500000e-01 : f32
      %gt3A_2246 = vector.broadcast %gt3A_2245 : f32 to vector<16x320xf32>
      %gt3A_2247 = arith.cmpf ogt, %squeeze3A_2244, %gt3A_2246 : vector<16x320xf32>
      %gt3A_2248 = arith.constant 0.000000e+00 : f32
      %gt3A_2249 = vector.broadcast %gt3A_2248 : f32 to vector<16x320xf32>
      %gt3A_2250 = arith.cmpf ogt, %select_n3A_2238, %gt3A_2249 : vector<16x320xf32>
      %and3A_2251 = arith.andi %gt3A_2247, %gt3A_2250 : vector<16x320xi1>
      %lt3A_2252 = vector.broadcast %add3A_2242 : i32 to vector<16x320xi32>
      %lt3A_2253 = arith.cmpi slt, %iota3A, %lt3A_2252 : vector<16x320xi32>
      %and3A_2254 = arith.andi %and3A_2251, %lt3A_2253 : vector<16x320xi1>
      %reduce_or3A_2255 = arith.constant 1.000000e+00 : f32
      %reduce_or3A_2256 = arith.constant 0.000000e+00 : f32
      %reduce_or3A_2257 = vector.broadcast %reduce_or3A_2255 : f32 to vector<16x320xf32>
      %reduce_or3A_2258 = vector.broadcast %reduce_or3A_2256 : f32 to vector<16x320xf32>
      %reduce_or3A_2259 = arith.select %and3A_2254, %reduce_or3A_2257, %reduce_or3A_2258 : vector<16x320xi1>, vector<16x320xf32>
      %reduce_or3A_2260 = arith.constant dense<0xFF800000> : vector<16xf32>
      %reduce_or3A_2261 = vector.multi_reduction <maximumf>, %reduce_or3A_2259, %reduce_or3A_2260 [1] : vector<16x320xf32> to vector<16xf32>
      %reduce_or3A_2262 = arith.constant 0.000000e+00 : f32
      %reduce_or3A_2263 = vector.broadcast %reduce_or3A_2262 : f32 to vector<16xf32>
      %reduce_or3A_2264 = arith.cmpf ogt, %reduce_or3A_2261, %reduce_or3A_2263 : vector<16xf32>
      %broadcast_in_dim3A_2265 = vector.shape_cast %reduce_or3A_2264 : vector<16xi1> to vector<16x1xi1>
      %eq3A_2266 = vector.broadcast %add3A_2242 : i32 to vector<16x320xi32>
      %eq3A_2267 = arith.cmpi eq, %iota3A, %eq3A_2266 : vector<16x320xi32>
      %jit3A_2268 = arith.constant 0.000000e+00 : f32
      %broadcast_in_dim3A_2269 = vector.shape_cast %broadcast_in_dim3A_2265 : vector<16x1xi1> to vector<16x1xi1>
      %broadcast_in_dim3A_2270 = vector.broadcast %broadcast_in_dim3A_2269 : vector<16x1xi1> to vector<16x320xi1>
      %broadcast_in_dim3A_2271 = vector.broadcast %jit3A_2268 : f32 to vector<16x320xf32>
      %select_n3A_2272 = arith.select %broadcast_in_dim3A_2270, %broadcast_in_dim3A_2271, %select_n3A : vector<16x320xi1>, vector<16x320xf32>
      %select_n3A_2273 = arith.select %eq3A_2267, %select_n3A_2272, %select_n3A_2238 : vector<16x320xi1>, vector<16x320xf32>
      %mul3A_2274 = arith.constant 8 : i32
      %mul3A_2275 = arith.muli %mul3A_2274, %scan3A_2024 : i32
      %add3A_2276 = arith.constant 7 : i32
      %add3A_2277 = arith.addi %mul3A_2275, %add3A_2276 : i32
      %slice3A_2278 = vector.extract_strided_slice %get3A_2031 {offsets = [0, 7, 0], sizes = [16, 1, 320], strides = [1, 1, 1]} : vector<16x8x320xf32> to vector<16x1x320xf32>
      %squeeze3A_2279 = vector.shape_cast %slice3A_2278 : vector<16x1x320xf32> to vector<16x320xf32>
      %gt3A_2280 = arith.constant 4.500000e-01 : f32
      %gt3A_2281 = vector.broadcast %gt3A_2280 : f32 to vector<16x320xf32>
      %gt3A_2282 = arith.cmpf ogt, %squeeze3A_2279, %gt3A_2281 : vector<16x320xf32>
      %gt3A_2283 = arith.constant 0.000000e+00 : f32
      %gt3A_2284 = vector.broadcast %gt3A_2283 : f32 to vector<16x320xf32>
      %gt3A_2285 = arith.cmpf ogt, %select_n3A_2273, %gt3A_2284 : vector<16x320xf32>
      %and3A_2286 = arith.andi %gt3A_2282, %gt3A_2285 : vector<16x320xi1>
      %lt3A_2287 = vector.broadcast %add3A_2277 : i32 to vector<16x320xi32>
      %lt3A_2288 = arith.cmpi slt, %iota3A, %lt3A_2287 : vector<16x320xi32>
      %and3A_2289 = arith.andi %and3A_2286, %lt3A_2288 : vector<16x320xi1>
      %reduce_or3A_2290 = arith.constant 1.000000e+00 : f32
      %reduce_or3A_2291 = arith.constant 0.000000e+00 : f32
      %reduce_or3A_2292 = vector.broadcast %reduce_or3A_2290 : f32 to vector<16x320xf32>
      %reduce_or3A_2293 = vector.broadcast %reduce_or3A_2291 : f32 to vector<16x320xf32>
      %reduce_or3A_2294 = arith.select %and3A_2289, %reduce_or3A_2292, %reduce_or3A_2293 : vector<16x320xi1>, vector<16x320xf32>
      %reduce_or3A_2295 = arith.constant dense<0xFF800000> : vector<16xf32>
      %reduce_or3A_2296 = vector.multi_reduction <maximumf>, %reduce_or3A_2294, %reduce_or3A_2295 [1] : vector<16x320xf32> to vector<16xf32>
      %reduce_or3A_2297 = arith.constant 0.000000e+00 : f32
      %reduce_or3A_2298 = vector.broadcast %reduce_or3A_2297 : f32 to vector<16xf32>
      %reduce_or3A_2299 = arith.cmpf ogt, %reduce_or3A_2296, %reduce_or3A_2298 : vector<16xf32>
      %broadcast_in_dim3A_2300 = vector.shape_cast %reduce_or3A_2299 : vector<16xi1> to vector<16x1xi1>
      %eq3A_2301 = vector.broadcast %add3A_2277 : i32 to vector<16x320xi32>
      %eq3A_2302 = arith.cmpi eq, %iota3A, %eq3A_2301 : vector<16x320xi32>
      %jit3A_2303 = arith.constant 0.000000e+00 : f32
      %broadcast_in_dim3A_2304 = vector.shape_cast %broadcast_in_dim3A_2300 : vector<16x1xi1> to vector<16x1xi1>
      %broadcast_in_dim3A_2305 = vector.broadcast %broadcast_in_dim3A_2304 : vector<16x1xi1> to vector<16x320xi1>
      %broadcast_in_dim3A_2306 = vector.broadcast %jit3A_2303 : f32 to vector<16x320xf32>
      %select_n3A_2307 = arith.select %broadcast_in_dim3A_2305, %broadcast_in_dim3A_2306, %select_n3A : vector<16x320xi1>, vector<16x320xf32>
      %select_n3A_2308 = arith.select %eq3A_2302, %select_n3A_2307, %select_n3A_2273 : vector<16x320xi1>, vector<16x320xf32>
      scf.yield %select_n3A_2308 : vector<16x320xf32>
    }
    %scan3A_1975 = arith.constant 38 : i32
    %slice3A_1976 = vector.extract_strided_slice %scan3A_1974 {offsets = [0, 0], sizes = [16, 300], strides = [1, 1]} : vector<16x320xf32> to vector<16x300xf32>
    %slice3A_1977 = vector.extract_strided_slice %get3A_3 {offsets = [0, 0], sizes = [16, 300], strides = [1, 1]} : vector<16x320xf32> to vector<16x300xf32>
    %mul3A_1978 = arith.mulf %slice3A_1977, %slice3A_1976 : vector<16x300xf32>
    %swap3A_1979 = arith.constant 0 : index
    %swap3A_1980 = arith.constant 0 : index
    %swap3A_1981 = arith.constant 0 : index
    %swap3A_1982 = vector.load %arg3[%swap3A_1979, %swap3A_1980, %swap3A_1981] : memref<16x4x300xf32, #tpu.memory_space<vmem>>, vector<16x1x300xf32>
    %swap3A_1983 = vector.shape_cast %swap3A_1982 : vector<16x1x300xf32> to vector<16x300xf32>
    %swap3A_1984 = vector.shape_cast %mul3A_1978 : vector<16x300xf32> to vector<16x1x300xf32>
    tpu.vector_store %arg3[%swap3A_1979, %swap3A_1980, %swap3A_1981], %swap3A_1984 {strides = array<i32>} : memref<16x4x300xf32, #tpu.memory_space<vmem>>, vector<16x1x300xf32>,
    %slice3A_1985 = vector.extract_strided_slice %get3A_8 {offsets = [0, 0], sizes = [16, 300], strides = [1, 1]} : vector<16x320xf32> to vector<16x300xf32>
    %mul3A_1986 = arith.mulf %slice3A_1985, %slice3A_1976 : vector<16x300xf32>
    %swap3A_1987 = arith.constant 0 : index
    %swap3A_1988 = arith.constant 1 : index
    %swap3A_1989 = arith.constant 0 : index
    %swap3A_1990 = vector.load %arg3[%swap3A_1987, %swap3A_1988, %swap3A_1989] : memref<16x4x300xf32, #tpu.memory_space<vmem>>, vector<16x1x300xf32>
    %swap3A_1991 = vector.shape_cast %swap3A_1990 : vector<16x1x300xf32> to vector<16x300xf32>
    %swap3A_1992 = vector.shape_cast %mul3A_1986 : vector<16x300xf32> to vector<16x1x300xf32>
    tpu.vector_store %arg3[%swap3A_1987, %swap3A_1988, %swap3A_1989], %swap3A_1992 {strides = array<i32>} : memref<16x4x300xf32, #tpu.memory_space<vmem>>, vector<16x1x300xf32>,
    %slice3A_1993 = vector.extract_strided_slice %get3A_13 {offsets = [0, 0], sizes = [16, 300], strides = [1, 1]} : vector<16x320xf32> to vector<16x300xf32>
    %mul3A_1994 = arith.mulf %slice3A_1993, %slice3A_1976 : vector<16x300xf32>
    %swap3A_1995 = arith.constant 0 : index
    %swap3A_1996 = arith.constant 2 : index
    %swap3A_1997 = arith.constant 0 : index
    %swap3A_1998 = vector.load %arg3[%swap3A_1995, %swap3A_1996, %swap3A_1997] : memref<16x4x300xf32, #tpu.memory_space<vmem>>, vector<16x1x300xf32>
    %swap3A_1999 = vector.shape_cast %swap3A_1998 : vector<16x1x300xf32> to vector<16x300xf32>
    %swap3A_2000 = vector.shape_cast %mul3A_1994 : vector<16x300xf32> to vector<16x1x300xf32>
    tpu.vector_store %arg3[%swap3A_1995, %swap3A_1996, %swap3A_1997], %swap3A_2000 {strides = array<i32>} : memref<16x4x300xf32, #tpu.memory_space<vmem>>, vector<16x1x300xf32>,
    %slice3A_2001 = vector.extract_strided_slice %get3A_18 {offsets = [0, 0], sizes = [16, 300], strides = [1, 1]} : vector<16x320xf32> to vector<16x300xf32>
    %mul3A_2002 = arith.mulf %slice3A_2001, %slice3A_1976 : vector<16x300xf32>
    %swap3A_2003 = arith.constant 0 : index
    %swap3A_2004 = arith.constant 3 : index
    %swap3A_2005 = arith.constant 0 : index
    %swap3A_2006 = vector.load %arg3[%swap3A_2003, %swap3A_2004, %swap3A_2005] : memref<16x4x300xf32, #tpu.memory_space<vmem>>, vector<16x1x300xf32>
    %swap3A_2007 = vector.shape_cast %swap3A_2006 : vector<16x1x300xf32> to vector<16x300xf32>
    %swap3A_2008 = vector.shape_cast %mul3A_2002 : vector<16x300xf32> to vector<16x1x300xf32>
    tpu.vector_store %arg3[%swap3A_2003, %swap3A_2004, %swap3A_2005], %swap3A_2008 {strides = array<i32>} : memref<16x4x300xf32, #tpu.memory_space<vmem>>, vector<16x1x300xf32>,
    %slice3A_2009 = vector.extract_strided_slice %get3A_21 {offsets = [0, 0], sizes = [16, 300], strides = [1, 1]} : vector<16x320xf32> to vector<16x300xf32>
    %mul3A_2010 = arith.mulf %slice3A_2009, %slice3A_1976 : vector<16x300xf32>
    %swap3A_2011 = arith.constant 0 : index
    %swap3A_2012 = arith.constant 0 : index
    %swap3A_2013 = vector.load %arg4[%swap3A_2011, %swap3A_2012] : memref<16x300xf32, #tpu.memory_space<vmem>>, vector<16x300xf32>
    tpu.vector_store %arg4[%swap3A_2011, %swap3A_2012], %mul3A_2010 {strides = array<i32>} : memref<16x300xf32, #tpu.memory_space<vmem>>, vector<16x300xf32>,
    %gt3A_2014 = arith.constant 0.000000e+00 : f32
    %gt3A_2015 = vector.broadcast %gt3A_2014 : f32 to vector<16x300xf32>
    %gt3A_2016 = arith.cmpf ogt, %slice3A_1976, %gt3A_2015 : vector<16x300xf32>
    %slice3A_2017 = vector.extract_strided_slice %get3A_24 {offsets = [0, 0], sizes = [16, 300], strides = [1, 1]} : vector<16x320xi32> to vector<16x300xi32>
    %jit3A_2018 = arith.constant -1 : i32
    %broadcast_in_dim3A_2019 = vector.broadcast %jit3A_2018 : i32 to vector<16x300xi32>
    %select_n3A_2020 = arith.select %gt3A_2016, %slice3A_2017, %broadcast_in_dim3A_2019 : vector<16x300xi1>, vector<16x300xi32>
    %swap3A_2021 = arith.constant 0 : index
    %swap3A_2022 = arith.constant 0 : index
    %swap3A_2023 = vector.load %arg5[%swap3A_2021, %swap3A_2022] : memref<16x300xi32, #tpu.memory_space<vmem>>, vector<16x300xi32>
    tpu.vector_store %arg5[%swap3A_2021, %swap3A_2022], %select_n3A_2020 {strides = array<i32>} : memref<16x300xi32, #tpu.memory_space<vmem>>, vector<16x300xi32>,
    return
  }
}

</mosaic_0001>

<sc_bundles>
// kernel: kernel.5.cloned.1.call-start
scs
__scs_entry_jumppad:
0x0: {  	(pc) =	sbr.rel $0x88, $3  }
0x1: {  	(tag) =	ssettag $0x0;
	lr =	simm.s32 $0x1  }
0x2: {  	[smem:$0x3F9E] =	sst lr;
	_ =	strace $0xD0000000  }
0x3: {  	_ = 	snop  }
0x4: {  	_ = 	snop  }
0x5: {  	_ = 	snop  }
0x6: {  	_ = 	snop  }
0x7: {  	_ = 	snop  }
__scs_overlays_trampoline_lowered:
0x8: {  	[smem:$0x3FAD] =	sst s0  }
0x9: {  	[smem:$0x3FAE] =	sst s1  }
0xa: {  	[smem:$0x3FAF] =	sst s2  }
0xb: {  	[smem:$0x3FB0] =	sst s3  }
0xc: {  	[smem:$0x3FB1] =	sst s4  }
0xd: {  	[smem:$0x3FB2] =	sst s5  }
0xe: {  	[smem:$0x3FB3] =	sst s6  }
0xf: {  	[smem:$0x3FB4] =	sst s7  }
0x10: {  	[smem:$0x3FB5] =	sst s8  }
0x11: {  	[smem:$0x3FB6] =	sst s9;
	s0 =	simm.s32 @!p0 $0x0  }
0x12: {  	s1 =	sld [smem:$0x3F9C];
	s0 =	simm.s32 @p0 $0x1  }
0x13: {  	[smem:$0x3FB7] =	sst s0;
	s0 =	simm.s32 @!p1 $0x0  }
0x14: {  	s2 =	sld [smem:$0x3F9B];
	s0 =	simm.s32 @p1 $0x1  }
0x15: {  	[smem:$0x3FB8] =	sst s0;
	s0 =	simm.s32 @!p2 $0x0  }
0x16: {  	s3 =	sld [smem:$0x3FDB];
	s0 =	simm.s32 @p2 $0x1  }
0x17: {  	s4 =	simm.s32 $0x1BF5;
	[smem:$0x3FBA] =	sst s0  }
0x18: {  	s0 =	sld [smem:$0x3F9D];
	_ =	swait.ge [sflag:s4], $0x0  }
0x19: {  	s7 =	sld [smem:$0x3F9E]  }
0x1a: {  	s8 =	sadd.s32 $0xFFFFE003, lr  }
0x1b: {  	s9 =	sadd.s32 $0xFFFFFEF7, lr;
	s5 =	simm.s32 $0xFFFFFFFF;
	p2 =	slt.u32 s8, $0xFFFFF086  }
0x1c: {  	p1 =	slt.u32 s9, $0xF7A;
	s5 =	simm.s32 @!p2 $0x0  }
0x1d: {  	s5 =	simm.s32 @p1 $0x1;
	p0 =	seq.s32 s7, s2  }
0x1e: {  	s7 =	smul.u32 @!p0 $0xF7A, s2;
	p2 =	seq.s32 @!p0 s5, $0x0  }
0x1f: {  	s9 =	smul.u32 $0xF7A, s1;
	s8 =	simm.s32 @!p0 $0x1BF5;
	p2 =	por !p2, p0  }
0x20: {  	[sflag:s8] =	ssyncset.s32 @!p0 $0xFFFFF086;
	s6 =	sadd.s32 @!p0 s3, s7;
	s7 =	simm.s32 @!p0 $0x108  }
0x21: {  	s3 =	sadd.s32 s3, s9;
	s6 =	sadd.s32 @!p0 $0x88, s6;
	s7 =	simm.s32 @p2 $0x1082  }
0x22: {  	[simem:s7], [sflag:s8] =	dma.local @!p0 [hbm:s6], $0xF7A  }
0x23: {  	s9 =	sor.u32 $0xD0000000, s2;
	s6 =	simm.s32 $0x108;
	_ =	swait.ge @!p0 [sflag:s8], $0x0  }
0x24: {  	s3 =	sadd.s32 $0x88, s3;
	s6 =	simm.s32 @!p1 $0x1082;
	[sflag:s4] =	ssyncset.s32 $0xFFFFF086  }
0x25: {  	[simem:s6], [sflag:s4] =	dma.local [hbm:s3], $0xF7A  }
0x26: {  	[smem:$0x3F9E] =	sst s1;
	(tag) =	ssettag s2;
	_ =	strace s9  }
0x27: {  	s1 =	sld [smem:$0x3FAE]  }
0x28: {  	s2 =	sld [smem:$0x3FAF]  }
0x29: {  	s4 =	sld [smem:$0x3FB1]  }
0x2a: {  	p0 =	seq.s32 s5, $0x0;
	s5 =	sld [smem:$0x3FB2]  }
0x2b: {  	s6 =	sld [smem:$0x3FB3]  }
0x2c: {  	s7 =	sld [smem:$0x3FB4]  }
0x2d: {  	s3 =	simm.s32 $0x108;
	s8 =	sld [smem:$0x3FB5]  }
0x2e: {  	s3 =	simm.s32 @!p0 $0x1082;
	s9 =	sld [smem:$0x3FB6]  }
0x2f: {  	lr =	sadd.s32 s0, s3;
	s0 =	sld [smem:$0x3FAD]  }
0x30: {  	s3 =	sld [smem:$0x3FB0]  }
0x31: {  	[smem:$0x3FB9] =	sst s10  }
0x32: {  	s10 =	sld [smem:$0x3FB7];
	_ =	sdelay $0x3  }
0x33: {  	p0 =	seq.s32 s10, $0x1;
	s10 =	sld [smem:$0x3FB9];
	_ =	sdelay $0x3  }
0x34: {  	[smem:$0x3FB9] =	sst s10  }
0x35: {  	s10 =	sld [smem:$0x3FB8];
	_ =	sdelay $0x3  }
0x36: {  	p1 =	seq.s32 s10, $0x1;
	s10 =	sld [smem:$0x3FB9];
	_ =	sdelay $0x3  }
0x37: {  	[smem:$0x3FB9] =	sst s10  }
0x38: {  	s10 =	sld [smem:$0x3FBA]  }
0x39: {  	_ = 	snop;
	(pc) =	sbr.ind lr, $3  }
0x3a: {  	_ = 	snop  }
0x3b: {  	_ = 	snop  }
0x3c: {  	p2 =	seq.s32 s10, $0x1;
	s10 =	sld [smem:$0x3FB9]  }
0x3d: {  	_ =	shalt  }
0x3e: {  	_ =	shalt  }
0x3f: {  	_ =	shalt  }
0x40: {  	_ =	shalt  }
0x41: {  	_ =	shalt  }
0x42: {  	_ =	shalt  }
0x43: {  	_ =	shalt  }
0x44: {  	_ =	shalt  }
0x45: {  	_ =	shalt  }
0x46: {  	_ =	shalt  }
0x47: {  	_ =	shalt  }
0x48: {  	_ =	shalt  }
0x49: {  	_ =	shalt  }
0x4a: {  	_ =	shalt  }
0x4b: {  	_ =	shalt  }
0x4c: {  	_ =	shalt  }
0x4d: {  	_ =	shalt  }
0x4e: {  	_ =	shalt  }
0x4f: {  	_ =	shalt  }
0x50: {  	_ =	shalt  }
0x51: {  	_ =	shalt  }
0x52: {  	_ =	shalt  }
0x53: {  	_ =	shalt  }
0x54: {  	_ =	shalt  }
0x55: {  	_ =	shalt  }
0x56: {  	_ =	shalt  }
0x57: {  	_ =	shalt  }
0x58: {  	_ =	shalt  }
0x59: {  	_ =	shalt  }
0x5a: {  	_ =	shalt  }
0x5b: {  	_ =	shalt  }
0x5c: {  	_ =	shalt  }
0x5d: {  	_ =	shalt  }
0x5e: {  	_ =	shalt  }
0x5f: {  	_ =	shalt  }
0x60: {  	_ =	shalt  }
0x61: {  	_ =	shalt  }
0x62: {  	_ =	shalt  }
0x63: {  	_ =	shalt  }
0x64: {  	_ =	shalt  }
0x65: {  	_ =	shalt  }
0x66: {  	_ =	shalt  }
0x67: {  	_ =	shalt  }
0x68: {  	_ =	shalt  }
0x69: {  	_ =	shalt  }
0x6a: {  	_ =	shalt  }
0x6b: {  	_ =	shalt  }
0x6c: {  	_ =	shalt  }
0x6d: {  	_ =	shalt  }
0x6e: {  	_ =	shalt  }
0x6f: {  	_ =	shalt  }
0x70: {  	_ =	shalt  }
0x71: {  	_ =	shalt  }
0x72: {  	_ =	shalt  }
0x73: {  	_ =	shalt  }
0x74: {  	_ =	shalt  }
0x75: {  	_ =	shalt  }
0x76: {  	_ =	shalt  }
0x77: {  	_ =	shalt  }
0x78: {  	_ =	shalt  }
0x79: {  	_ =	shalt  }
0x7a: {  	_ =	shalt  }
0x7b: {  	_ =	shalt  }
0x7c: {  	_ =	shalt  }
0x7d: {  	_ =	shalt  }
0x7e: {  	_ =	shalt  }
0x7f: {  	_ =	shalt  }
0x80: {  	_ =	shalt  }
0x81: {  	_ =	shalt  }
0x82: {  	_ =	shalt  }
0x83: {  	_ =	shalt  }
0x84: {  	_ =	shalt  }
0x85: {  	_ =	shalt  }
0x86: {  	_ =	shalt  }
0x87: {  	_ =	shalt  }
.Lfunc_end0:
.L_simem_size_0:
called_computation_lowered:
.L_overlay_start_0:
0x88: {  	s2 =	sld [smem:$0x3FD9]  }
0x89: {  	s3 =	sld [smem:$0x3FFE];
	_ =	sdelay $0x1  }
0x8a: {  	s1 =	srdreg.scid  }
0x8b: {  	s0 =	sand.u32 $0x1, s1  }
0x8c: {  	s14 =	sshll.u32 s0, $0xA;
	s2 =	sadd.s32 s3, s2  }
0x8d: {  	s2 =	sadd.s32 s2, s14  }
0x8e: {  	[smem:$0x3FC5] =	sst s2  }
0x8f: {  	_ = 	snop  }
0x90: {  	s2 =	sld [smem:$0x3FD0];
	_ =	sdelay $0x2  }
0x91: {  	s15 =	simm.s32 $0xA;
	s4 =	simm.s32 $0x10  }
0x92: {  	[smem:s4], [sflag:s15] =	dma.local [hbm:s2], $0x1  }
0x93: {  	_ =	swait.eq [sflag:s15], $0x1  }
0x94: {  	s16 =	sld [smem:$0x10];
	[sflag:s15] =	ssyncset.done $0x0  }
0x95: {  	s17 =	sld [smem:$0x11];
	[sflag:s15] =	ssyncadd.s32 $0xFFFFFFFF  }
0x96: {  	s18 =	sld [smem:$0x12];
	(tm) =	ssettm $0x1  }
0x97: {  	s5 =	sld [smem:$0x3FFB];
	_ =	sdelay $0x3  }
0x98: {  	_ =	strace s5  }
0x99: {  	s5 =	sld [smem:$0x3FFC];
	_ =	sdelay $0x3  }
0x9a: {  	_ =	strace s5  }
0x9b: {  	s5 =	sld [smem:$0x3FFD];
	_ =	sdelay $0x3  }
0x9c: {  	_ =	strace s5  }
0x9d: {  	_ =	strace $0x8FFFFFFF  }
0x9e: {  	s19 =	sld [smem:$0x3FDB];
	_ =	sdelay $0x1  }
0x9f: {  	s6 =	simm.s32 $_scs_section_size  }
0xa0: {  	s7 =	simm.s32 $_size__tile_overlayer_lowered;
	s8 =	simm.s32 $_tile_overlayer_lowered  }
0xa1: {  	s22 =	simm.s32 $0x1BFF;
	s21 =	sshll.u32 s8, $0x1;
	s5 =	sadd.s32 s6, s19  }
0xa2: {  	s9 =	simm.s32 $0x0;
	s20 =	sshll.u32 s7, $0x1;
	s7 =	sadd.s32 s21, s5  }
0xa3: {  	[timem:s9], [sflag:s22] =	dma.local [hbm:s7], s20  }
0xa4: {  	_ =	swait.ge [sflag:s22], s20  }
0xa5: {  	s6 =	ssub.s32 $0x0, s20;
	[sflag:s22] =	ssyncset.done $0x0  }
0xa6: {  	[sflag:s22] =	ssyncadd.s32 s6;
	_ =	sdelay $0x1  }
0xa7: {  	s23 =	simm.s32 $0x1B8B  }
0xa8: {  	_ =	swait.ge [sflag:s23], $0x1  }
0xa9: {  	[sflag:s23] =	ssyncset.done $0x0  }
0xaa: {  	s25 =	simm.s32 $0x1B8E;
	s24 =	sld [smem:$0x3FFE];
	[sflag:s23] =	ssyncadd.s32 $0xFFFFFFFF  }
0xab: {  	s26 =	simm.s32 $execute0_lowered;
	[smem:$0x3FD2] =	sst s25  }
0xac: {  	s7 =	sshll.u32 s26, $0x1;
	_ =	strace $0x80000046;
	[dreg:$0x1] =	wrdreg $0xFFFFFFFF  }
0xad: {  	s28 =	simm.s32 $_size_execute0_lowered;
	s5 =	sadd.s32 s5, s7;
	[dreg:$0x0] =	wrdreg $0x0  }
0xae: {  	s7 =	sshll.u32 s28, $0x1;
	[dreg:$0x2] =	wrdreg s5  }
0xaf: {  	[dreg:$0x3] =	wrdreg s7  }
0xb0: {  	[dreg:$0x4] =	wrdreg $0xC0  }
0xb1: {  	_ =	task [dreg:s9], $0x5FFFF  }
0xb2: {  	[dreg:$0x1] =	wrdreg $0xFFFFFFFF  }
0xb3: {  	[dreg:$0x0] =	wrdreg $0x60  }
0xb4: {  	[dreg:$0x2] =	wrdreg s18  }
0xb5: {  	[dreg:$0x3] =	wrdreg s24  }
0xb6: {  	[dreg:$0x4] =	wrdreg s16  }
0xb7: {  	[dreg:$0x5] =	wrdreg s17  }
0xb8: {  	[dreg:$0x6] =	wrdreg $0x9  }
0xb9: {  	_ =	task.clear_ibuf [dreg:s9], $0x7FFFF;
	_ =	strace $0x90000046  }
0xba: {  	s29 =	simm.s32 $0x9;
	_ =	strace $0x80000048  }
0xbb: {  	_ =	swait.ge [sflag:s29], $0x1  }
0xbc: {  	[sflag:s29] =	ssyncadd.s32 $0xFFFFFFFF  }
0xbd: {  	_ =	strace $0x90000048  }
0xbe: {  	_ =	sfence  }
0xbf: {  	s30 =	sld [smem:$0x0];
	_ =	sdelay $0x2  }
0xc0: {  	s31 =	sshll.u32 s1, $0xD;
	s1 =	sshrl.u32 s1, $0x2  }
0xc1: {  	s3 =	sand.u32 $0x4000, s31;
	s1 =	sadd.s32 s1, s30  }
0xc2: {  	s0 =	sor.u32 s3, s0;
	s1 =	sshll.u32 s1, $0x11  }
0xc3: {  	s0 =	sor.u32 s1, s0  }
0xc4: {  	s0 =	sadd.s32 $0x8F2B, s0  }
0xc5: {  	[sflag:s0] =	ssyncadd.remote.s32 $0x1  }
0xc6: {  	_ =	sfence.sel $0xFFFF  }
0xc7: {  	[dreg:$0x0] =	wrdreg $0xFFFFFFFF;
	(pc) =	sbr.abs _section_cstart, $3  }
0xc8: {  	[dreg:$0x1] =	wrdreg $0xFFFFFFFF  }
0xc9: {  	_ =	task.clear_ibuf [dreg:s9], $0x2FFFF;
	_ =	strace $0x9FFFFFFF  }
0xca: {  	(tm) =	ssettm $0x7FFFFFFF  }
0xcb: {  	_ =	shalt  }
tec
execute0_lowered:
.L_overlay_start_1:
0x0: {  	(tag) =	ssettag $0x1  }
0x1: {  	s1 =	srdreg.scid  }
0x2: {  	s0 =	stileid.u32;
	s16 =	sand.u32 $0x1, s1  }
0x3: {  	s1 =	sor.u32 s16, s0  }
0x4: {  	p1 =	seq.s32 s16, $0x1;
	p0 =	seq.s32 s1, $0x0  }
0x5: {  	p0 =	por !p0, !p1  }
0x6: {  	s1 =	simm.s32 $0x1;
	p0 =	por !p0, !p0  }
0x7: {  	s4 =	rddreg [dreg:$0x0];
	s1 =	simm.s32 @!p0 $0x0  }
0x8: {  	s2 =	rddreg [dreg:$0x1];
	s7 =	ssub.s32 s0, s1  }
0x9: {  	s14 =	rddreg [dreg:$0x2];
	s13 =	simm.s32 $0xA0;
	s5 =	smul.u32 $0x140, s7  }
0xa: {  	s8 =	rddreg [dreg:$0x3];
	s3 =	simm.s32 $0x0;
	s13 =	simm.s32 @!p1 $0x0  }
0xb: {  	[smem:$0x7FF] =	sst s3;
	s5 =	sadd.s32 s13, s5  }
0xc: {  	s1 =	rddreg [dreg:$0x4];
	s12 =	sshrl.u32 s5, $0x3  }
0xd: {  	_ =	strace $0x80000047;
	s9 =	sadd.s32 s4, s12;
	s4 =	simm.s32 $0x2  }
0xe: {  	[tilespmem:s3], [sflag:$0x2] =	stream.linear.gather [hbm4b:s9+s3], $0xA0, $0x38;
	[tilespmem:$0x400] =	vst v63  }
0xf: {  	_ =	swait.ge [sflag:s4], $0xA0  }
0x10: {  	s6 =	simm.s32 $0xA0;
	s11 =	simm.s32 $0x300;
	[sflag:s4] =	ssyncset.done $0x0  }
0x11: {  	s10 =	sadd.s32 $0x10800, s2;
	s5 =	simm.s32 $0x1;
	[sflag:s4] =	ssyncadd.s32 $0xFFFFFF60  }
0x12: {  	[tilespmem:s11], [sflag:$0x1] =	stream.indirect.gather [hbm4b:s10+s6], $0x1, s3, s6, $0xb8;
	[tilespmem:$0x400] =	vst v63  }
0x13: {  	_ =	swait.ge [sflag:s5], $0xA0  }
0x14: {  	[sflag:s5] =	ssyncset.done $0x0  }
0x15: {  	s12 =	sadd.s32 s8, s12;
	[sflag:s5] =	ssyncadd.s32 $0xFFFFFF60  }
0x16: {  	[hbm4b:s12+s3] =	stream.linear.scatter [tilespmem:s11], [sflag:$0x2], $0xA0, $0x38;
	[tilespmem:$0x400] =	vst v63  }
0x17: {  	_ =	swait.ge [sflag:s4], $0xA0  }
0x18: {  	[sflag:s4] =	ssyncset.done $0x0  }
0x19: {  	[sflag:s4] =	ssyncadd.s32 $0xFFFFFF60  }
0x1a: {  	v1 =	vld [tilespmem:$0x90]  }
0x1b: {  	v2 =	vld [tilespmem:$0x30]  }
0x1c: {  	s17 =	smul.u32 $0x6270, s7;
	v5 =	vld [tilespmem:$0x40]  }
0x1d: {  	v3 =	vld [tilespmem:$0x60]  }
0x1e: {  	v0 =	vmov s17;
	v4 =	vld [tilespmem:$0x70]  }
0x1f: {  	v6 =	vld [tilespmem:$0x50];
	v1 =	vadd.s32 v0, v1  }
0x20: {  	v7 =	vld [tilespmem:$0x10];
	v2 =	vadd.s32 v0, v2;
	[tilespmem:$0x190] =	vst v1  }
0x21: {  	v5 =	vadd.s32 v0, v5;
	v1 =	vld [tilespmem:$0x0];
	[tilespmem:$0x130] =	vst v2  }
0x22: {  	v2 =	vadd.s32 v0, v3;
	v3 =	vld [tilespmem:$0x20];
	[tilespmem:$0x140] =	vst v5  }
0x23: {  	[tilespmem:$0x160] =	vst v2;
	v2 =	vadd.s32 v0, v4;
	v4 =	vld [tilespmem:$0x80]  }
0x24: {  	[tilespmem:$0x170] =	vst v2;
	v2 =	vadd.s32 v0, v6  }
0x25: {  	[tilespmem:$0x150] =	vst v2;
	v2 =	vadd.s32 v0, v7  }
0x26: {  	[tilespmem:$0x110] =	vst v2;
	v1 =	vadd.s32 v0, v1  }
0x27: {  	[tilespmem:$0x100] =	vst v1;
	v1 =	vadd.s32 v0, v3  }
0x28: {  	[tilespmem:$0x120] =	vst v1;
	v1 =	vadd.s32 v0, v4  }
0x29: {  	s15 =	smul.u32 $0x500, s7;
	s7 =	simm.s32 $0x200;
	s8 =	simm.s32 $0x100;
	[tilespmem:$0x180] =	vst v1  }
0x2a: {  	[tilespmem:s7], [sflag:$0x1] =	stream.indirect.gather [hbm4b:s2+s6], $0x1, s8, s6, $0xb8;
	[tilespmem:$0x400] =	vst v63  }
0x2b: {  	s18 =	sor.u32 s13, s15;
	_ =	swait.ge [sflag:s5], $0xA0  }
0x2c: {  	s13 =	sshrl.u32 s18, $0x3;
	[sflag:s5] =	ssyncset.done $0x0  }
0x2d: {  	s13 =	sadd.s32 s14, s13;
	[sflag:s5] =	ssyncadd.s32 $0xFFFFFF60  }
0x2e: {  	[hbm4b:s13+s3] =	stream.linear.scatter [tilespmem:s7], [sflag:$0x2], $0xA0, $0x38;
	[tilespmem:$0x400] =	vst v63  }
0x2f: {  	_ =	swait.ge [sflag:s4], $0xA0  }
0x30: {  	[sflag:s4] =	ssyncset.done $0x0  }
0x31: {  	[sflag:s4] =	ssyncadd.s32 $0xFFFFFF60  }
0x32: {  	v2 =	vld [tilespmem:$0x10]  }
0x33: {  	v3 =	vld [tilespmem:$0x20]  }
0x34: {  	v4 =	vld [tilespmem:$0x30]  }
0x35: {  	s25 =	sadd.s32 $0x20D0, s17;
	v5 =	vld [tilespmem:$0x40]  }
0x36: {  	v1 =	vmov s25;
	v6 =	vld [tilespmem:$0x50]  }
0x37: {  	v7 =	vld [tilespmem:$0x60];
	v2 =	vadd.s32 v1, v2  }
0x38: {  	[tilespmem:$0x110] =	vst v2;
	v2 =	vadd.s32 v1, v3;
	v3 =	vld [tilespmem:$0x80]  }
0x39: {  	[tilespmem:$0x120] =	vst v2;
	v2 =	vadd.s32 v1, v4;
	v4 =	vld [tilespmem:$0x70]  }
0x3a: {  	[tilespmem:$0x130] =	vst v2;
	v2 =	vadd.s32 v1, v5;
	v5 =	vld [tilespmem:$0x90]  }
0x3b: {  	v8 =	vld [tilespmem:$0x0];
	[tilespmem:$0x140] =	vst v2;
	v2 =	vadd.s32 v1, v6  }
0x3c: {  	[tilespmem:$0x150] =	vst v2;
	v2 =	vadd.s32 v1, v7  }
0x3d: {  	[tilespmem:$0x160] =	vst v2;
	v2 =	vadd.s32 v1, v3  }
0x3e: {  	v3 =	vadd.s32 v1, v4;
	[tilespmem:$0x180] =	vst v2  }
0x3f: {  	[tilespmem:$0x170] =	vst v3;
	v2 =	vadd.s32 v1, v5  }
0x40: {  	v3 =	vadd.s32 v1, v8;
	[tilespmem:$0x190] =	vst v2  }
0x41: {  	[tilespmem:$0x100] =	vst v3  }
0x42: {  	[tilespmem:s7], [sflag:$0x1] =	stream.indirect.gather [hbm4b:s2+s6], $0x1, s8, s6, $0xb8;
	[tilespmem:$0x400] =	vst v63  }
0x43: {  	s26 =	sadd.s32 $0x140, s18;
	_ =	swait.ge [sflag:s5], $0xA0  }
0x44: {  	s15 =	sshrl.u32 s26, $0x3;
	[sflag:s5] =	ssyncset.done $0x0  }
0x45: {  	s15 =	sadd.s32 s14, s15;
	[sflag:s5] =	ssyncadd.s32 $0xFFFFFF60  }
0x46: {  	[hbm4b:s15+s3] =	stream.linear.scatter [tilespmem:s7], [sflag:$0x2], $0xA0, $0x38;
	[tilespmem:$0x400] =	vst v63  }
0x47: {  	_ =	swait.ge [sflag:s4], $0xA0  }
0x48: {  	[sflag:s4] =	ssyncset.done $0x0  }
0x49: {  	s16 =	ssub.s32 $0x2, s16;
	[sflag:s4] =	ssyncadd.s32 $0xFFFFFF60  }
0x4a: {  	s28 =	sshrl.u32 s16, $0x1;
	v2 =	vld [tilespmem:$0x30]  }
0x4b: {  	s16 =	ssub.s32 s16, s28;
	v6 =	vld [tilespmem:$0x10]  }
0x4c: {  	s20 =	smax.u32 s16, $0x1;
	v7 =	vld [tilespmem:$0x20]  }
0x4d: {  	p0 =	sne.s32 s20, $0x1;
	s19 =	sadd.s32 $0x41A0, s17;
	v8 =	vld [tilespmem:$0x0]  }
.Ltmp0:
0x4e: {  	v3 =	vmov s19;
	v4 =	vld [tilespmem:$0x40];
	(pc) =	sbr.rel @!p0 .LBB2_2-.Ltmp0, $4  }
0x4f: {  	v5 =	vld [tilespmem:$0x50];
	v2 =	vadd.s32 v3, v2  }
0x50: {  	s29 =	sadd.s32 $0x280, s18;
	s18 =	sadd.s32 $0x3C0, s18;
	v9 =	vadd.s32 v3, v6;
	v6 =	vld [tilespmem:$0x60];
	[tilespmem:$0x130] =	vst v2  }
0x51: {  	s30 =	sadd.s32 $0x6270, s17;
	s31 =	sshrl.u32 s18, $0x3;
	s19 =	sshrl.u32 s29, $0x3;
	v10 =	vadd.s32 v3, v7;
	v7 =	vld [tilespmem:$0x90];
	[tilespmem:$0x110] =	vst v9  }
0x52: {  	s17 =	sadd.s32 $0xFFFFFFFF, s20;
	s16 =	sadd.s32 s14, s19;
	s14 =	sadd.s32 s14, s31;
	v2 =	vmov s30;
	v9 =	vadd.s32 v3, v8;
	[tilespmem:$0x120] =	vst v10;
	v8 =	vld [tilespmem:$0x70]  }
.LBB2_1:
0x53: {  	p0 =	sne.s32 s17, $0x1;
	s17 =	sadd.s32 $0xFFFFFFFF, s17;
	v10 =	vld [tilespmem:$0x80]  }
0x54: {  	[tilespmem:$0x100] =	vst v9;
	v5 =	vadd.s32 v3, v5  }
0x55: {  	v4 =	vadd.s32 v3, v4;
	[tilespmem:$0x150] =	vst v5;
	v5 =	vadd.s32 v3, v6  }
0x56: {  	[tilespmem:$0x160] =	vst v5;
	v5 =	vadd.s32 v3, v7  }
0x57: {  	v6 =	vadd.s32 v3, v8;
	[tilespmem:$0x190] =	vst v5  }
0x58: {  	[tilespmem:$0x170] =	vst v6;
	v5 =	vadd.s32 v3, v10  }
0x59: {  	[tilespmem:$0x180] =	vst v5  }
0x5a: {  	[tilespmem:$0x140] =	vst v4  }
0x5b: {  	[tilespmem:s7], [sflag:$0x1] =	stream.indirect.gather [hbm4b:s2+s6], $0x1, s8, s6, $0xb8;
	[tilespmem:$0x400] =	vst v63  }
0x5c: {  	_ =	swait.ge [sflag:s5], $0xA0  }
0x5d: {  	[sflag:s5] =	ssyncset.done $0x0  }
0x5e: {  	[sflag:s5] =	ssyncadd.s32 $0xFFFFFF60  }
0x5f: {  	[hbm4b:s16+s3] =	stream.linear.scatter [tilespmem:s7], [sflag:$0x2], $0xA0, $0x38;
	[tilespmem:$0x400] =	vst v63  }
0x60: {  	_ =	swait.ge [sflag:s4], $0xA0  }
0x61: {  	[sflag:s4] =	ssyncset.done $0x0  }
0x62: {  	[sflag:s4] =	ssyncadd.s32 $0xFFFFFF60  }
0x63: {  	v4 =	vld [tilespmem:$0x90]  }
0x64: {  	v5 =	vld [tilespmem:$0x80]  }
0x65: {  	v6 =	vld [tilespmem:$0x30]  }
0x66: {  	v7 =	vld [tilespmem:$0x60]  }
0x67: {  	v8 =	vld [tilespmem:$0x40]  }
0x68: {  	v9 =	vld [tilespmem:$0x50];
	v4 =	vadd.s32 v2, v4  }
0x69: {  	v10 =	vld [tilespmem:$0x70];
	v5 =	vadd.s32 v2, v5;
	[tilespmem:$0x190] =	vst v4  }
0x6a: {  	v4 =	vld [tilespmem:$0x10];
	v6 =	vadd.s32 v2, v6;
	[tilespmem:$0x180] =	vst v5  }
0x6b: {  	v5 =	vld [tilespmem:$0x0];
	[tilespmem:$0x130] =	vst v6;
	v6 =	vadd.s32 v2, v7  }
0x6c: {  	v7 =	vld [tilespmem:$0x20];
	v8 =	vadd.s32 v2, v8;
	[tilespmem:$0x160] =	vst v6  }
0x6d: {  	[tilespmem:$0x140] =	vst v8;
	v6 =	vadd.s32 v2, v9  }
0x6e: {  	[tilespmem:$0x150] =	vst v6;
	v6 =	vadd.s32 v2, v10  }
0x6f: {  	v4 =	vadd.s32 v2, v4;
	[tilespmem:$0x170] =	vst v6  }
0x70: {  	v5 =	vadd.s32 v2, v5;
	[tilespmem:$0x110] =	vst v4  }
0x71: {  	[tilespmem:$0x100] =	vst v5;
	v4 =	vadd.s32 v2, v7  }
0x72: {  	[tilespmem:$0x120] =	vst v4  }
0x73: {  	[tilespmem:s7], [sflag:$0x1] =	stream.indirect.gather [hbm4b:s2+s6], $0x1, s8, s6, $0xb8;
	[tilespmem:$0x400] =	vst v63  }
0x74: {  	_ =	swait.ge [sflag:s5], $0xA0  }
0x75: {  	[sflag:s5] =	ssyncset.done $0x0  }
0x76: {  	[sflag:s5] =	ssyncadd.s32 $0xFFFFFF60  }
0x77: {  	[hbm4b:s14+s3] =	stream.linear.scatter [tilespmem:s7], [sflag:$0x2], $0xA0, $0x38;
	[tilespmem:$0x400] =	vst v63  }
0x78: {  	_ =	swait.ge [sflag:s4], $0xA0  }
0x79: {  	[sflag:s4] =	ssyncset.done $0x0  }
0x7a: {  	[sflag:s4] =	ssyncadd.s32 $0xFFFFFF60  }
0x7b: {  	[tilespmem:s3], [sflag:$0x2] =	stream.linear.gather [hbm4b:s9+s3], $0xA0, $0x38;
	[tilespmem:$0x400] =	vst v63  }
0x7c: {  	_ =	swait.ge [sflag:s4], $0xA0  }
0x7d: {  	[sflag:s4] =	ssyncset.done $0x0  }
0x7e: {  	[sflag:s4] =	ssyncadd.s32 $0xFFFFFF60  }
0x7f: {  	[tilespmem:s11], [sflag:$0x1] =	stream.indirect.gather [hbm4b:s10+s6], $0x1, s3, s6, $0xb8;
	[tilespmem:$0x400] =	vst v63  }
0x80: {  	_ =	swait.ge [sflag:s5], $0xA0  }
0x81: {  	[sflag:s5] =	ssyncset.done $0x0  }
0x82: {  	[sflag:s5] =	ssyncadd.s32 $0xFFFFFF60  }
0x83: {  	[hbm4b:s12+s3] =	stream.linear.scatter [tilespmem:s11], [sflag:$0x2], $0xA0, $0x38;
	[tilespmem:$0x400] =	vst v63  }
0x84: {  	_ =	swait.ge [sflag:s4], $0xA0  }
0x85: {  	[sflag:s4] =	ssyncset.done $0x0  }
0x86: {  	[sflag:s4] =	ssyncadd.s32 $0xFFFFFF60  }
0x87: {  	v4 =	vld [tilespmem:$0x90]  }
0x88: {  	v5 =	vld [tilespmem:$0x30]  }
0x89: {  	v6 =	vld [tilespmem:$0x60]  }
0x8a: {  	v7 =	vld [tilespmem:$0x70]  }
0x8b: {  	v8 =	vld [tilespmem:$0x40]  }
0x8c: {  	v9 =	vld [tilespmem:$0x50];
	v4 =	vadd.s32 v0, v4  }
0x8d: {  	v10 =	vld [tilespmem:$0x10];
	v5 =	vadd.s32 v0, v5;
	[tilespmem:$0x190] =	vst v4  }
0x8e: {  	v4 =	vld [tilespmem:$0x0];
	[tilespmem:$0x130] =	vst v5;
	v5 =	vadd.s32 v0, v6  }
0x8f: {  	v6 =	vld [tilespmem:$0x20];
	[tilespmem:$0x160] =	vst v5;
	v5 =	vadd.s32 v0, v7  }
0x90: {  	v7 =	vadd.s32 v0, v8;
	[tilespmem:$0x170] =	vst v5;
	v5 =	vld [tilespmem:$0x80]  }
0x91: {  	[tilespmem:$0x140] =	vst v7  }
0x92: {  	v7 =	vadd.s32 v0, v9  }
0x93: {  	v8 =	vadd.s32 v0, v10;
	v4 =	vadd.s32 v0, v4;
	[tilespmem:$0x150] =	vst v7  }
0x94: {  	[tilespmem:$0x100] =	vst v4;
	v4 =	vadd.s32 v0, v6  }
0x95: {  	[tilespmem:$0x120] =	vst v4;
	v4 =	vadd.s32 v0, v5  }
0x96: {  	[tilespmem:$0x180] =	vst v4  }
0x97: {  	[tilespmem:$0x110] =	vst v8  }
0x98: {  	[tilespmem:s7], [sflag:$0x1] =	stream.indirect.gather [hbm4b:s2+s6], $0x1, s8, s6, $0xb8;
	[tilespmem:$0x400] =	vst v63  }
0x99: {  	_ =	swait.ge [sflag:s5], $0xA0  }
0x9a: {  	[sflag:s5] =	ssyncset.done $0x0  }
0x9b: {  	[sflag:s5] =	ssyncadd.s32 $0xFFFFFF60  }
0x9c: {  	[hbm4b:s13+s3] =	stream.linear.scatter [tilespmem:s7], [sflag:$0x2], $0xA0, $0x38;
	[tilespmem:$0x400] =	vst v63  }
0x9d: {  	_ =	swait.ge [sflag:s4], $0xA0  }
0x9e: {  	[sflag:s4] =	ssyncset.done $0x0  }
0x9f: {  	[sflag:s4] =	ssyncadd.s32 $0xFFFFFF60  }
0xa0: {  	v4 =	vld [tilespmem:$0x10]  }
0xa1: {  	v5 =	vld [tilespmem:$0x0]  }
0xa2: {  	v6 =	vld [tilespmem:$0x20]  }
0xa3: {  	v7 =	vld [tilespmem:$0x30]  }
0xa4: {  	v8 =	vld [tilespmem:$0x40]  }
0xa5: {  	v9 =	vld [tilespmem:$0x50]  }
0xa6: {  	v4 =	vadd.s32 v1, v4;
	v5 =	vadd.s32 v1, v5;
	v10 =	vld [tilespmem:$0x60]  }
0xa7: {  	[tilespmem:$0x110] =	vst v4;
	v4 =	vadd.s32 v1, v6;
	v6 =	vld [tilespmem:$0x80]  }
0xa8: {  	[tilespmem:$0x120] =	vst v4;
	v4 =	vadd.s32 v1, v7;
	v7 =	vld [tilespmem:$0x70]  }
0xa9: {  	[tilespmem:$0x130] =	vst v4;
	v4 =	vadd.s32 v1, v8;
	v8 =	vld [tilespmem:$0x90]  }
0xaa: {  	[tilespmem:$0x140] =	vst v4;
	v4 =	vadd.s32 v1, v9  }
0xab: {  	[tilespmem:$0x150] =	vst v4;
	v4 =	vadd.s32 v1, v10  }
0xac: {  	[tilespmem:$0x160] =	vst v4;
	v4 =	vadd.s32 v1, v6  }
0xad: {  	v6 =	vadd.s32 v1, v7;
	[tilespmem:$0x180] =	vst v4  }
0xae: {  	[tilespmem:$0x170] =	vst v6;
	v4 =	vadd.s32 v1, v8  }
0xaf: {  	[tilespmem:$0x190] =	vst v4  }
0xb0: {  	[tilespmem:$0x100] =	vst v5  }
0xb1: {  	[tilespmem:s7], [sflag:$0x1] =	stream.indirect.gather [hbm4b:s2+s6], $0x1, s8, s6, $0xb8;
	[tilespmem:$0x400] =	vst v63  }
0xb2: {  	_ =	swait.ge [sflag:s5], $0xA0  }
0xb3: {  	[sflag:s5] =	ssyncset.done $0x0  }
0xb4: {  	[sflag:s5] =	ssyncadd.s32 $0xFFFFFF60  }
0xb5: {  	[hbm4b:s15+s3] =	stream.linear.scatter [tilespmem:s7], [sflag:$0x2], $0xA0, $0x38;
	[tilespmem:$0x400] =	vst v63  }
0xb6: {  	_ =	swait.ge [sflag:s4], $0xA0  }
0xb7: {  	[sflag:s4] =	ssyncset.done $0x0  }
0xb8: {  	[sflag:s4] =	ssyncadd.s32 $0xFFFFFF60  }
0xb9: {  	v5 =	vld [tilespmem:$0x30]  }
0xba: {  	v6 =	vld [tilespmem:$0x10]  }
0xbb: {  	v7 =	vld [tilespmem:$0x20]  }
0xbc: {  	v8 =	vld [tilespmem:$0x0]  }
.Ltmp1:
0xbd: {  	v4 =	vld [tilespmem:$0x40];
	(pc) =	sbr.rel @p0 .LBB2_1-.Ltmp1, $4  }
0xbe: {  	v9 =	vadd.s32 v3, v5;
	v5 =	vld [tilespmem:$0x50]  }
0xbf: {  	v10 =	vadd.s32 v3, v6;
	[tilespmem:$0x130] =	vst v9;
	v6 =	vld [tilespmem:$0x60]  }
0xc0: {  	[tilespmem:$0x110] =	vst v10;
	v10 =	vadd.s32 v3, v7;
	v7 =	vld [tilespmem:$0x90]  }
0xc1: {  	v9 =	vadd.s32 v3, v8;
	[tilespmem:$0x120] =	vst v10;
	v8 =	vld [tilespmem:$0x70]  }
.LBB2_2:
0xc2: {  	v0 =	vld [tilespmem:$0x80];
	[tilespmem:$0x100] =	vst v9;
	v49 =	vadd.s32 v3, v4  }
0xc3: {  	v1 =	vadd.s32 v3, v5;
	[tilespmem:$0x140] =	vst v49  }
0xc4: {  	[tilespmem:$0x150] =	vst v1;
	v46 =	vadd.s32 v3, v6  }
0xc5: {  	[tilespmem:$0x160] =	vst v46;
	v47 =	vadd.s32 v3, v7  }
0xc6: {  	v48 =	vadd.s32 v3, v8;
	[tilespmem:$0x190] =	vst v47  }
0xc7: {  	[tilespmem:$0x170] =	vst v48;
	v0 =	vadd.s32 v3, v0  }
0xc8: {  	[tilespmem:$0x180] =	vst v0  }
0xc9: {  	[tilespmem:s7], [sflag:$0x1] =	stream.indirect.gather [hbm4b:s2+s6], $0x1, s8, s6, $0xb8;
	[tilespmem:$0x400] =	vst v63  }
0xca: {  	_ =	swait.ge [sflag:s5], $0xA0  }
0xcb: {  	[sflag:s5] =	ssyncset.done $0x0  }
0xcc: {  	[sflag:s5] =	ssyncadd.s32 $0xFFFFFF60  }
0xcd: {  	[hbm4b:s16+s3] =	stream.linear.scatter [tilespmem:s7], [sflag:$0x2], $0xA0, $0x38;
	[tilespmem:$0x400] =	vst v63  }
0xce: {  	_ =	swait.ge [sflag:s4], $0xA0  }
0xcf: {  	[sflag:s4] =	ssyncset.done $0x0  }
0xd0: {  	[sflag:s4] =	ssyncadd.s32 $0xFFFFFF60  }
0xd1: {  	v50 =	vld [tilespmem:$0x90]  }
0xd2: {  	v51 =	vld [tilespmem:$0x80]  }
0xd3: {  	v52 =	vld [tilespmem:$0x30]  }
0xd4: {  	v53 =	vld [tilespmem:$0x60]  }
0xd5: {  	v54 =	vld [tilespmem:$0x40]  }
0xd6: {  	v55 =	vld [tilespmem:$0x50];
	v0 =	vadd.s32 v2, v50  }
0xd7: {  	v56 =	vld [tilespmem:$0x70];
	v1 =	vadd.s32 v2, v51;
	[tilespmem:$0x190] =	vst v0  }
0xd8: {  	v60 =	vld [tilespmem:$0x20];
	v3 =	vadd.s32 v2, v52;
	[tilespmem:$0x180] =	vst v1  }
0xd9: {  	v57 =	vld [tilespmem:$0x10];
	v59 =	vadd.s32 v2, v53;
	[tilespmem:$0x130] =	vst v3  }
0xda: {  	v58 =	vld [tilespmem:$0x0];
	v5 =	vadd.s32 v2, v54;
	[tilespmem:$0x160] =	vst v59  }
0xdb: {  	v61 =	vadd.s32 v2, v55;
	[tilespmem:$0x140] =	vst v5  }
0xdc: {  	v62 =	vadd.s32 v2, v56;
	[tilespmem:$0x150] =	vst v61  }
0xdd: {  	v63 =	vadd.s32 v2, v60;
	[tilespmem:$0x170] =	vst v62  }
0xde: {  	v0 =	vadd.s32 v2, v57;
	[tilespmem:$0x120] =	vst v63  }
0xdf: {  	v1 =	vadd.s32 v2, v58;
	[tilespmem:$0x110] =	vst v0  }
0xe0: {  	[tilespmem:$0x100] =	vst v1  }
0xe1: {  	[tilespmem:s7], [sflag:$0x1] =	stream.indirect.gather [hbm4b:s2+s6], $0x1, s8, s6, $0xb8;
	[tilespmem:$0x400] =	vst v63  }
0xe2: {  	_ =	swait.ge [sflag:s5], $0xA0  }
0xe3: {  	[sflag:s5] =	ssyncset.done $0x0  }
0xe4: {  	[sflag:s5] =	ssyncadd.s32 $0xFFFFFF60  }
0xe5: {  	[hbm4b:s14+s3] =	stream.linear.scatter [tilespmem:s7], [sflag:$0x2], $0xA0, $0x38;
	[tilespmem:$0x400] =	vst v63  }
0xe6: {  	_ =	swait.ge [sflag:s4], $0xA0  }
0xe7: {  	[sflag:s4] =	ssyncset.done $0x0  }
0xe8: {  	[sflag:s4] =	ssyncadd.s32 $0xFFFFFF60  }
0xe9: {  	_ =	sfence.sel $0x180000  }
0xea: {  	[bflag:$0x0] =	sbarrier.arrive $0xFFFF  }
0xeb: {  	p0 =	sne.s32 s0, $0x0;
	_ =	strace $0x90000047  }
0xec: {  	s0 =	sadd.s32 @!p0 $0x100000, s1;
	[bflag:$0x2] =	sbarrier.arrive $0xFFFF  }
0xed: {  	[sflag:s0] =	ssyncadd.tile.s32 @!p0 $0x1;
	_ =	shalt  }
.Lfunc_end2:
_tile_overlayer_lowered:
.L_overlay_start_2:
0xee: {  	(tag) =	ssettag $0x2  }
0xef: {  	s0 =	rddreg [dreg:$0x0];
	s2 =	stileid.u32  }
0xf0: {  	s1 =	rddreg [dreg:$0x1];
	p0 =	sne.s32 s2, $0x0  }
0xf1: {  	s3 =	rddreg [dreg:$0x2];
	[bflag:$0x3] =	sbarrier.arrive $0xFFFF;
	s2 =	simm.s32 @!p0 $0x1C02  }
0xf2: {  	[timem:s3], [sflag:s2] =	dma.local @!p0 [hbm:s0], s1  }
0xf3: {  	s0 =	simm.s32 @!p0 $0x2  }
0xf4: {  	_ =	swait.ge @!p0 [sflag:s0], s1  }
0xf5: {  	s1 =	ssub.s32 @!p0 $0x0, s1;
	[sflag:s0] =	ssyncset.done @!p0 $0x0  }
0xf6: {  	[sflag:s0] =	ssyncadd.s32 @!p0 s1  }
0xf7: {  	[bflag:$0x3] =	sbarrier.arrive $0xFFFF  }
0xf8: {  	_ =	shalt  }

</sc_bundles>
